<compile_context>
chip_gen: v7x
topology: tpu7x:2x2x1
jax: 0.10.2.dev20260603
libtpu: 0.0.44.dev20260713+nightly
codegen_flags: <defaults>
</compile_context>

<pallas_src>
import functools

import jax
import jax.numpy as jnp
from jax import lax
from jax.experimental import pallas as pl
from jax.experimental.pallas import tpu as pltpu
from jax.experimental.pallas import tpu_sc as plsc

_NUM_TILES = 16
_CHUNK = 80


def _scatter_add_sc(E_n, idx4, n_nodes):
    b_dim, n_chunks, _, chunk = idx4.shape
    d = E_n.shape[-1]
    chunks_per_tile = n_chunks // _NUM_TILES
    node_stride = (n_nodes // _NUM_TILES) // 8 * 8
    node_size = n_nodes - (_NUM_TILES - 1) * node_stride

    mesh = plsc.VectorSubcoreMesh(core_axis_name="c", subcore_axis_name="s")

    nbuf = 4

    @functools.partial(
        pl.kernel,
        mesh=mesh,
        out_type=jax.ShapeDtypeStruct((b_dim, n_nodes, d), jnp.float32),
        scratch_types=[
            pltpu.VMEM((nbuf, chunk, d), jnp.float32),
            pltpu.VMEM((nbuf, 1, chunk), jnp.int32),
            pltpu.VMEM_SHARED((n_nodes, d), jnp.float32),
            pltpu.SemaphoreType.DMA,
            pltpu.SemaphoreType.DMA,
        ],
    )
    def scat(en_hbm, idx_hbm, out_hbm, eb, ib, agg_sh, gsem, ssem):
        b = lax.axis_index("c")
        s = lax.axis_index("s")
        base_node = s * node_stride
        base_chunk = s * chunks_per_tile
        base_edge = s * chunks_per_tile * chunk

        def gather(j, p):
            e_cp = pltpu.make_async_copy(
                en_hbm.at[b, pl.ds(base_edge + j * chunk, chunk)],
                eb.at[p], gsem)
            i_cp = pltpu.make_async_copy(
                idx_hbm.at[b, base_chunk + j], ib.at[p], gsem)
            return e_cp, i_cp

        def g_start(cps):
            cps[0].start()
            cps[1].start()

        def g_wait(cps):
            cps[0].wait()
            cps[1].wait()

        def scatter(p):
            return pltpu.make_async_copy(
                eb.at[p], agg_sh.at[ib.at[p, 0]], ssem)

        zeros16 = jnp.zeros((16,), jnp.float32)

        def zrow(r, carry):
            for k in range(d // 16):
                eb[0, r, pl.ds(k * 16, 16)] = zeros16
            return carry

        lax.fori_loop(0, chunk, zrow, 0)

        for i in range(node_size // chunk):
            pltpu.sync_copy(eb.at[0],
                            agg_sh.at[pl.ds(base_node + i * chunk, chunk)])

        plsc.subcore_barrier()

        def step(j, with_wait, with_start):
            p = j % nbuf
            g_wait(gather(j, p))
            scatter(p).start(add=True)
            if with_wait:
                pw = (j - 1) % nbuf
                scatter(pw).wait()
            if with_start:
                g_start(gather(j + 3, (j + 3) % nbuf))

        g_start(gather(0, 0))
        g_start(gather(1, 1))
        g_start(gather(2, 2))
        step(0, False, True)
        for j in (1, 2, 3):
            step(j, True, True)

        def body(i, carry):
            j = nbuf * i + 4
            for k in range(nbuf):
                p = (4 + k) % nbuf
                jj = j + k
                g_wait(gather(jj, p))
                scatter(p).start(add=True)
                scatter((p - 1) % nbuf).wait()
                g_start(gather(jj + 3, (p + 3) % nbuf))
            return carry

        main_iters = (chunks_per_tile - 4 - 5) // nbuf
        lax.fori_loop(0, main_iters, body, 0)
        for j in range(4 + nbuf * main_iters, chunks_per_tile):
            step(j, True, j + 3 < chunks_per_tile)
        scatter((chunks_per_tile - 1) % nbuf).wait()

        plsc.subcore_barrier()

        pltpu.sync_copy(agg_sh.at[pl.ds(base_node, node_size)],
                        out_hbm.at[b, pl.ds(base_node, node_size)])

    return scat


def _mlp_body(v_ref, a_ref, w1v_ref, w1a_ref, b1_ref, w2_ref, b2_ref,
              w3_ref, b3_ref, o_ref):
    h = jnp.dot(v_ref[...].astype(jnp.float32), w1v_ref[...],
                preferred_element_type=jnp.float32)
    h = h + jnp.dot(a_ref[...], w1a_ref[...], preferred_element_type=jnp.float32)
    h = jnp.maximum(h + b1_ref[...], 0.0)
    h = jnp.maximum(
        jnp.dot(h, w2_ref[...], preferred_element_type=jnp.float32) + b2_ref[...], 0.0)
    o_ref[...] = jnp.maximum(
        jnp.dot(h, w3_ref[...], preferred_element_type=jnp.float32) + b3_ref[...], 0.0)


def kernel(V, E_n, R_r, W1, b1, W2, b2, W3, b3):
    b_dim, n_nodes, dv = V.shape
    e_edges, de = E_n.shape[1], E_n.shape[2]
    dout = W1.shape[1]

    idx4 = R_r.reshape(b_dim, e_edges // _CHUNK, 1, _CHUNK)

    agg = _scatter_add_sc(E_n, idx4, n_nodes)(E_n, idx4)

    total = b_dim * n_nodes
    blk = 4000
    v2 = V.reshape(total, dv).astype(jnp.bfloat16)
    a2 = agg.reshape(total, de)
    w1v, w1a = W1[:dv], W1[dv:]

    h = pl.pallas_call(
        _mlp_body,
        grid=(total // blk,),
        in_specs=[
            pl.BlockSpec((blk, dv), lambda i: (i, 0)),
            pl.BlockSpec((blk, de), lambda i: (i, 0)),
            pl.BlockSpec((dv, dout), lambda i: (0, 0)),
            pl.BlockSpec((de, dout), lambda i: (0, 0)),
            pl.BlockSpec((1, dout), lambda i: (0, 0)),
            pl.BlockSpec((dout, dout), lambda i: (0, 0)),
            pl.BlockSpec((1, dout), lambda i: (0, 0)),
            pl.BlockSpec((dout, dout), lambda i: (0, 0)),
            pl.BlockSpec((1, dout), lambda i: (0, 0)),
        ],
        out_specs=pl.BlockSpec((blk, dout), lambda i: (i, 0)),
        out_shape=jax.ShapeDtypeStruct((total, dout), jnp.float32),
    )(v2, a2, w1v, w1a, b1[None, :], W2, b2[None, :], W3, b3[None, :])

    return h.reshape(b_dim, n_nodes, dout)

# --- scband reference (transcript-rebuilt; emitter-appended) ---
"""Pipeline reference for scband-node-model-60498909331857 (READ-ONLY COPY).

The authoritative reference and input builder live on the scoring server;
editing this copy changes nothing except your own understanding.
"""

import jax, jax.numpy as jnp
import numpy as np

B, N, E, DV, DE, DOUT = 2, 10000, 160000, 128, 128, 128
DIN = DV + DE

def _linear_params(key, fan_in, fan_out):
    k1, k2 = jax.random.split(key)
    s = 1.0 / np.sqrt(fan_in)
    W = jax.random.uniform(k1, (fan_in, fan_out), minval=-s, maxval=s, dtype=jnp.float32)
    b = jax.random.uniform(k2, (fan_out,), minval=-s, maxval=s, dtype=jnp.float32)
    return W, b

def setup_inputs(seed: int = 0) -> dict:
    key = jax.random.key(seed)
    ks = jax.random.split(key, 6)
    V = jax.random.normal(ks[0], (B, N, DV), dtype=jnp.float32)
    E_n = jax.random.normal(ks[1], (B, E, DE), dtype=jnp.float32)
    R_r = jax.random.randint(ks[2], (B, E, 1), 0, N, dtype=jnp.int32)
    W1, b1 = _linear_params(ks[3], DIN, DOUT)
    W2, b2 = _linear_params(ks[4], DOUT, DOUT)
    W3, b3 = _linear_params(ks[5], DOUT, DOUT)
    return {"V": V, "E_n": E_n, "R_r": R_r, "W1": W1, "b1": b1, "W2": W2, "b2": b2, "W3": W3, "b3": b3}

def reference(V, E_n, R_r, W1, b1, W2, b2, W3, b3):
    # scatter_add edge messages into per-node slots along dim 1 (per batch)
    idx = R_r[..., 0]
    de = E_n.shape[-1]
    n = V.shape[1]
    def _scat(e, i):
        return jnp.zeros((n, de), dtype=e.dtype).at[i].add(e)
    agg = jax.vmap(_scat)(E_n, idx)
    h = jnp.concatenate([V, agg], axis=-1)
    h = jax.nn.relu(h @ W1 + b1)
    h = jax.nn.relu(h @ W2 + b2)
    h = jax.nn.relu(h @ W3 + b3)
    return h

if __name__ == "__main__":
    import jax
    _d = setup_inputs()
    print(jax.jit(kernel)(*tuple(_d.values())))

</pallas_src>

<mosaic_0001>
#map = affine_map<(d0, d1) -> (0, 0, 0)>
#map1 = affine_map<(d0, d1) -> (0, 0, 0, 0)>
module attributes {stable_mosaic.version = 14 : i64} {
  func.func @scat(%arg0: i32, %arg1: i32, %arg2: memref<2x160000x128xf32, #tpu.memory_space<hbm>>, %arg3: memref<2x2000x1x80xi32, #tpu.memory_space<hbm>>, %arg4: memref<2x10000x128xf32, #tpu.memory_space<hbm>>, %arg5: memref<4x80x128xf32, #tpu.memory_space<vmem>>, %arg6: memref<4x1x80xi32, #tpu.memory_space<vmem>>, %arg7: memref<10000x128xf32, #tpu.memory_space<vmem_shared>>, %arg8: memref<!tpu.dma_semaphore, #tpu.memory_space<semaphore_mem>>, %arg9: memref<!tpu.dma_semaphore, #tpu.memory_space<semaphore_mem>>) attributes {dimension_semantics = [#tpu.dimension_semantics<core_parallel>, #tpu.dimension_semantics<subcore_parallel>], iteration_bounds = array<i64: 2, 16>, scalar_prefetch = 0 : i64, scratch_operands = 5 : i64, tpu.core_type = #tpu.core_type<sc_vector_subcore>, window_params = [{transform_indices = #map}, {transform_indices = #map1}, {transform_indices = #map}]} {
    %mul3A = arith.constant 624 : i32
    %mul3A_0 = arith.muli %arg1, %mul3A : i32
    %mul3A_1 = arith.constant 125 : i32
    %mul3A_2 = arith.muli %arg1, %mul3A_1 : i32
    %mul3A_3 = arith.constant 125 : i32
    %mul3A_4 = arith.muli %arg1, %mul3A_3 : i32
    %mul3A_5 = arith.constant 80 : i32
    %mul3A_6 = arith.muli %mul3A_4, %mul3A_5 : i32
    %broadcast_in_dim3A = arith.constant 0.000000e+00 : f32
    %broadcast_in_dim3A_7 = vector.broadcast %broadcast_in_dim3A : f32 to vector<16xf32>
    %scan3A = arith.constant 0 : i32
    %scan3A_8 = arith.constant 0 : i32
    %scan3A_9 = arith.constant 80 : i32
    %scan3A_10 = arith.addi %scan3A_8, %scan3A_9 : i32
    %scan3A_11 = arith.constant 1 : i32
    scf.for %scan3A_922 = %scan3A_8 to %scan3A_10 step %scan3A_11  : i32 {
      %swap3A = arith.constant 0 : i32
      %swap3A_923 = arith.index_cast %swap3A : i32 to index
      %swap3A_924 = arith.index_cast %scan3A_922 : i32 to index
      %swap3A_925 = arith.constant 0 : index
      %swap3A_926 = tpu.vector_load %arg5[%swap3A_923, %swap3A_924, %swap3A_925] {strides = array<i32>} : memref<4x80x128xf32, #tpu.memory_space<vmem>>, vector<1x1x16xf32>,
      %swap3A_927 = vector.shape_cast %swap3A_926 : vector<1x1x16xf32> to vector<16xf32>
      %swap3A_928 = vector.shape_cast %broadcast_in_dim3A_7 : vector<16xf32> to vector<1x1x16xf32>
      tpu.vector_store %arg5[%swap3A_923, %swap3A_924, %swap3A_925], %swap3A_928 {strides = array<i32>} : memref<4x80x128xf32, #tpu.memory_space<vmem>>, vector<1x1x16xf32>,
      %swap3A_929 = arith.constant 0 : i32
      %swap3A_930 = arith.index_cast %swap3A_929 : i32 to index
      %swap3A_931 = arith.index_cast %scan3A_922 : i32 to index
      %swap3A_932 = arith.constant 16 : index
      %swap3A_933 = tpu.vector_load %arg5[%swap3A_930, %swap3A_931, %swap3A_932] {strides = array<i32>} : memref<4x80x128xf32, #tpu.memory_space<vmem>>, vector<1x1x16xf32>,
      %swap3A_934 = vector.shape_cast %swap3A_933 : vector<1x1x16xf32> to vector<16xf32>
      %swap3A_935 = vector.shape_cast %broadcast_in_dim3A_7 : vector<16xf32> to vector<1x1x16xf32>
      tpu.vector_store %arg5[%swap3A_930, %swap3A_931, %swap3A_932], %swap3A_935 {strides = array<i32>} : memref<4x80x128xf32, #tpu.memory_space<vmem>>, vector<1x1x16xf32>,
      %swap3A_936 = arith.constant 0 : i32
      %swap3A_937 = arith.index_cast %swap3A_936 : i32 to index
      %swap3A_938 = arith.index_cast %scan3A_922 : i32 to index
      %swap3A_939 = arith.constant 32 : index
      %swap3A_940 = tpu.vector_load %arg5[%swap3A_937, %swap3A_938, %swap3A_939] {strides = array<i32>} : memref<4x80x128xf32, #tpu.memory_space<vmem>>, vector<1x1x16xf32>,
      %swap3A_941 = vector.shape_cast %swap3A_940 : vector<1x1x16xf32> to vector<16xf32>
      %swap3A_942 = vector.shape_cast %broadcast_in_dim3A_7 : vector<16xf32> to vector<1x1x16xf32>
      tpu.vector_store %arg5[%swap3A_937, %swap3A_938, %swap3A_939], %swap3A_942 {strides = array<i32>} : memref<4x80x128xf32, #tpu.memory_space<vmem>>, vector<1x1x16xf32>,
      %swap3A_943 = arith.constant 0 : i32
      %swap3A_944 = arith.index_cast %swap3A_943 : i32 to index
      %swap3A_945 = arith.index_cast %scan3A_922 : i32 to index
      %swap3A_946 = arith.constant 48 : index
      %swap3A_947 = tpu.vector_load %arg5[%swap3A_944, %swap3A_945, %swap3A_946] {strides = array<i32>} : memref<4x80x128xf32, #tpu.memory_space<vmem>>, vector<1x1x16xf32>,
      %swap3A_948 = vector.shape_cast %swap3A_947 : vector<1x1x16xf32> to vector<16xf32>
      %swap3A_949 = vector.shape_cast %broadcast_in_dim3A_7 : vector<16xf32> to vector<1x1x16xf32>
      tpu.vector_store %arg5[%swap3A_944, %swap3A_945, %swap3A_946], %swap3A_949 {strides = array<i32>} : memref<4x80x128xf32, #tpu.memory_space<vmem>>, vector<1x1x16xf32>,
      %swap3A_950 = arith.constant 0 : i32
      %swap3A_951 = arith.index_cast %swap3A_950 : i32 to index
      %swap3A_952 = arith.index_cast %scan3A_922 : i32 to index
      %swap3A_953 = arith.constant 64 : index
      %swap3A_954 = tpu.vector_load %arg5[%swap3A_951, %swap3A_952, %swap3A_953] {strides = array<i32>} : memref<4x80x128xf32, #tpu.memory_space<vmem>>, vector<1x1x16xf32>,
      %swap3A_955 = vector.shape_cast %swap3A_954 : vector<1x1x16xf32> to vector<16xf32>
      %swap3A_956 = vector.shape_cast %broadcast_in_dim3A_7 : vector<16xf32> to vector<1x1x16xf32>
      tpu.vector_store %arg5[%swap3A_951, %swap3A_952, %swap3A_953], %swap3A_956 {strides = array<i32>} : memref<4x80x128xf32, #tpu.memory_space<vmem>>, vector<1x1x16xf32>,
      %swap3A_957 = arith.constant 0 : i32
      %swap3A_958 = arith.index_cast %swap3A_957 : i32 to index
      %swap3A_959 = arith.index_cast %scan3A_922 : i32 to index
      %swap3A_960 = arith.constant 80 : index
      %swap3A_961 = tpu.vector_load %arg5[%swap3A_958, %swap3A_959, %swap3A_960] {strides = array<i32>} : memref<4x80x128xf32, #tpu.memory_space<vmem>>, vector<1x1x16xf32>,
      %swap3A_962 = vector.shape_cast %swap3A_961 : vector<1x1x16xf32> to vector<16xf32>
      %swap3A_963 = vector.shape_cast %broadcast_in_dim3A_7 : vector<16xf32> to vector<1x1x16xf32>
      tpu.vector_store %arg5[%swap3A_958, %swap3A_959, %swap3A_960], %swap3A_963 {strides = array<i32>} : memref<4x80x128xf32, #tpu.memory_space<vmem>>, vector<1x1x16xf32>,
      %swap3A_964 = arith.constant 0 : i32
      %swap3A_965 = arith.index_cast %swap3A_964 : i32 to index
      %swap3A_966 = arith.index_cast %scan3A_922 : i32 to index
      %swap3A_967 = arith.constant 96 : index
      %swap3A_968 = tpu.vector_load %arg5[%swap3A_965, %swap3A_966, %swap3A_967] {strides = array<i32>} : memref<4x80x128xf32, #tpu.memory_space<vmem>>, vector<1x1x16xf32>,
      %swap3A_969 = vector.shape_cast %swap3A_968 : vector<1x1x16xf32> to vector<16xf32>
      %swap3A_970 = vector.shape_cast %broadcast_in_dim3A_7 : vector<16xf32> to vector<1x1x16xf32>
      tpu.vector_store %arg5[%swap3A_965, %swap3A_966, %swap3A_967], %swap3A_970 {strides = array<i32>} : memref<4x80x128xf32, #tpu.memory_space<vmem>>, vector<1x1x16xf32>,
      %swap3A_971 = arith.constant 0 : i32
      %swap3A_972 = arith.index_cast %swap3A_971 : i32 to index
      %swap3A_973 = arith.index_cast %scan3A_922 : i32 to index
      %swap3A_974 = arith.constant 112 : index
      %swap3A_975 = tpu.vector_load %arg5[%swap3A_972, %swap3A_973, %swap3A_974] {strides = array<i32>} : memref<4x80x128xf32, #tpu.memory_space<vmem>>, vector<1x1x16xf32>,
      %swap3A_976 = vector.shape_cast %swap3A_975 : vector<1x1x16xf32> to vector<16xf32>
      %swap3A_977 = vector.shape_cast %broadcast_in_dim3A_7 : vector<16xf32> to vector<1x1x16xf32>
      tpu.vector_store %arg5[%swap3A_972, %swap3A_973, %swap3A_974], %swap3A_977 {strides = array<i32>} : memref<4x80x128xf32, #tpu.memory_space<vmem>>, vector<1x1x16xf32>,
    }
    %scan3A_12 = arith.constant 80 : i32
    %add3A = arith.constant 0 : i32
    %add3A_13 = arith.addi %mul3A_0, %add3A : i32
    %run_scoped3A = arith.constant 0 : i32
    "tpu.region"() ({
      %run_scoped3A_922 = tpu.sem_alloc : memref<!tpu.dma_semaphore, #tpu.memory_space<semaphore_mem>>
      %dma_start3A_923 = arith.constant 0 : i32
      %dma_start3A_924 = arith.constant 0 : i32
      %dma_start3A_925 = tpu.memref_slice %arg5[%run_scoped3A, %dma_start3A_923, %dma_start3A_924] : memref<4x80x128xf32, #tpu.memory_space<vmem>> -> memref<1x80x128xf32, #tpu.memory_space<vmem>>
      %dma_start3A_926 = tpu.memref_squeeze %dma_start3A_925 : memref<1x80x128xf32, #tpu.memory_space<vmem>> -> memref<80x128xf32, #tpu.memory_space<vmem>>
      %dma_start3A_927 = arith.constant 0 : i32
      %dma_start3A_928 = tpu.memref_slice %arg7[%add3A_13, %dma_start3A_927] : memref<10000x128xf32, #tpu.memory_space<vmem_shared>> -> memref<80x128xf32, #tpu.memory_space<vmem_shared>>
      %dma_start3A_929 = arith.constant 0 : i32
      %dma_start3A_930 = tpu.memref_slice %arg7[%add3A_13, %dma_start3A_929] : memref<10000x128xf32, #tpu.memory_space<vmem_shared>> -> memref<80x128xf32, #tpu.memory_space<vmem_shared>>
      %dma_start3A_931 = arith.constant 0 : i32
      %dma_start3A_932 = arith.constant 0 : i32
      %dma_start3A_933 = tpu.memref_slice %arg5[%run_scoped3A, %dma_start3A_931, %dma_start3A_932] : memref<4x80x128xf32, #tpu.memory_space<vmem>> -> memref<1x80x128xf32, #tpu.memory_space<vmem>>
      %dma_start3A_934 = tpu.memref_squeeze %dma_start3A_933 : memref<1x80x128xf32, #tpu.memory_space<vmem>> -> memref<80x128xf32, #tpu.memory_space<vmem>>
      tpu.enqueue_dma source(%dma_start3A_934 : memref<80x128xf32, #tpu.memory_space<vmem>>) target(%dma_start3A_930 : memref<80x128xf32, #tpu.memory_space<vmem_shared>>) target_semaphore(%run_scoped3A_922 : memref<!tpu.dma_semaphore, #tpu.memory_space<semaphore_mem>>)
      %dma_wait3A_935 = arith.constant 0 : i32
      %dma_wait3A_936 = arith.constant 0 : i32
      %dma_wait3A_937 = tpu.memref_slice %arg5[%run_scoped3A, %dma_wait3A_935, %dma_wait3A_936] : memref<4x80x128xf32, #tpu.memory_space<vmem>> -> memref<1x80x128xf32, #tpu.memory_space<vmem>>
      %dma_wait3A_938 = tpu.memref_squeeze %dma_wait3A_937 : memref<1x80x128xf32, #tpu.memory_space<vmem>> -> memref<80x128xf32, #tpu.memory_space<vmem>>
      %dma_wait3A_939 = arith.constant 0 : i32
      %dma_wait3A_940 = tpu.memref_slice %arg7[%add3A_13, %dma_wait3A_939] : memref<10000x128xf32, #tpu.memory_space<vmem_shared>> -> memref<80x128xf32, #tpu.memory_space<vmem_shared>>
      %dma_wait3A_941 = arith.constant 0 : i32
      %dma_wait3A_942 = tpu.memref_slice %arg7[%add3A_13, %dma_wait3A_941] : memref<10000x128xf32, #tpu.memory_space<vmem_shared>> -> memref<80x128xf32, #tpu.memory_space<vmem_shared>>
      %dma_wait3A_943 = arith.constant 0 : i32
      %dma_wait3A_944 = arith.constant 0 : i32
      %dma_wait3A_945 = tpu.memref_slice %arg5[%run_scoped3A, %dma_wait3A_943, %dma_wait3A_944] : memref<4x80x128xf32, #tpu.memory_space<vmem>> -> memref<1x80x128xf32, #tpu.memory_space<vmem>>
      %dma_wait3A_946 = tpu.memref_squeeze %dma_wait3A_945 : memref<1x80x128xf32, #tpu.memory_space<vmem>> -> memref<80x128xf32, #tpu.memory_space<vmem>>
      tpu.wait_dma2 semaphore(%run_scoped3A_922 : memref<!tpu.dma_semaphore, #tpu.memory_space<semaphore_mem>>) src(%dma_wait3A_946 : memref<80x128xf32, #tpu.memory_space<vmem>>) dst(%dma_wait3A_942 : memref<80x128xf32, #tpu.memory_space<vmem_shared>>)
      tpu.yield
    }) : () -> ()
    %add3A_14 = arith.constant 80 : i32
    %add3A_15 = arith.addi %mul3A_0, %add3A_14 : i32
    %run_scoped3A_16 = arith.constant 0 : i32
    "tpu.region"() ({
      %run_scoped3A_922 = tpu.sem_alloc : memref<!tpu.dma_semaphore, #tpu.memory_space<semaphore_mem>>
      %dma_start3A_923 = arith.constant 0 : i32
      %dma_start3A_924 = arith.constant 0 : i32
      %dma_start3A_925 = tpu.memref_slice %arg5[%run_scoped3A_16, %dma_start3A_923, %dma_start3A_924] : memref<4x80x128xf32, #tpu.memory_space<vmem>> -> memref<1x80x128xf32, #tpu.memory_space<vmem>>
      %dma_start3A_926 = tpu.memref_squeeze %dma_start3A_925 : memref<1x80x128xf32, #tpu.memory_space<vmem>> -> memref<80x128xf32, #tpu.memory_space<vmem>>
      %dma_start3A_927 = arith.constant 0 : i32
      %dma_start3A_928 = tpu.memref_slice %arg7[%add3A_15, %dma_start3A_927] : memref<10000x128xf32, #tpu.memory_space<vmem_shared>> -> memref<80x128xf32, #tpu.memory_space<vmem_shared>>
      %dma_start3A_929 = arith.constant 0 : i32
      %dma_start3A_930 = tpu.memref_slice %arg7[%add3A_15, %dma_start3A_929] : memref<10000x128xf32, #tpu.memory_space<vmem_shared>> -> memref<80x128xf32, #tpu.memory_space<vmem_shared>>
      %dma_start3A_931 = arith.constant 0 : i32
      %dma_start3A_932 = arith.constant 0 : i32
      %dma_start3A_933 = tpu.memref_slice %arg5[%run_scoped3A_16, %dma_start3A_931, %dma_start3A_932] : memref<4x80x128xf32, #tpu.memory_space<vmem>> -> memref<1x80x128xf32, #tpu.memory_space<vmem>>
      %dma_start3A_934 = tpu.memref_squeeze %dma_start3A_933 : memref<1x80x128xf32, #tpu.memory_space<vmem>> -> memref<80x128xf32, #tpu.memory_space<vmem>>
      tpu.enqueue_dma source(%dma_start3A_934 : memref<80x128xf32, #tpu.memory_space<vmem>>) target(%dma_start3A_930 : memref<80x128xf32, #tpu.memory_space<vmem_shared>>) target_semaphore(%run_scoped3A_922 : memref<!tpu.dma_semaphore, #tpu.memory_space<semaphore_mem>>)
      %dma_wait3A_935 = arith.constant 0 : i32
      %dma_wait3A_936 = arith.constant 0 : i32
      %dma_wait3A_937 = tpu.memref_slice %arg5[%run_scoped3A_16, %dma_wait3A_935, %dma_wait3A_936] : memref<4x80x128xf32, #tpu.memory_space<vmem>> -> memref<1x80x128xf32, #tpu.memory_space<vmem>>
      %dma_wait3A_938 = tpu.memref_squeeze %dma_wait3A_937 : memref<1x80x128xf32, #tpu.memory_space<vmem>> -> memref<80x128xf32, #tpu.memory_space<vmem>>
      %dma_wait3A_939 = arith.constant 0 : i32
      %dma_wait3A_940 = tpu.memref_slice %arg7[%add3A_15, %dma_wait3A_939] : memref<10000x128xf32, #tpu.memory_space<vmem_shared>> -> memref<80x128xf32, #tpu.memory_space<vmem_shared>>
      %dma_wait3A_941 = arith.constant 0 : i32
      %dma_wait3A_942 = tpu.memref_slice %arg7[%add3A_15, %dma_wait3A_941] : memref<10000x128xf32, #tpu.memory_space<vmem_shared>> -> memref<80x128xf32, #tpu.memory_space<vmem_shared>>
      %dma_wait3A_943 = arith.constant 0 : i32
      %dma_wait3A_944 = arith.constant 0 : i32
      %dma_wait3A_945 = tpu.memref_slice %arg5[%run_scoped3A_16, %dma_wait3A_943, %dma_wait3A_944] : memref<4x80x128xf32, #tpu.memory_space<vmem>> -> memref<1x80x128xf32, #tpu.memory_space<vmem>>
      %dma_wait3A_946 = tpu.memref_squeeze %dma_wait3A_945 : memref<1x80x128xf32, #tpu.memory_space<vmem>> -> memref<80x128xf32, #tpu.memory_space<vmem>>
      tpu.wait_dma2 semaphore(%run_scoped3A_922 : memref<!tpu.dma_semaphore, #tpu.memory_space<semaphore_mem>>) src(%dma_wait3A_946 : memref<80x128xf32, #tpu.memory_space<vmem>>) dst(%dma_wait3A_942 : memref<80x128xf32, #tpu.memory_space<vmem_shared>>)
      tpu.yield
    }) : () -> ()
    %add3A_17 = arith.constant 160 : i32
    %add3A_18 = arith.addi %mul3A_0, %add3A_17 : i32
    %run_scoped3A_19 = arith.constant 0 : i32
    "tpu.region"() ({
      %run_scoped3A_922 = tpu.sem_alloc : memref<!tpu.dma_semaphore, #tpu.memory_space<semaphore_mem>>
      %dma_start3A_923 = arith.constant 0 : i32
      %dma_start3A_924 = arith.constant 0 : i32
      %dma_start3A_925 = tpu.memref_slice %arg5[%run_scoped3A_19, %dma_start3A_923, %dma_start3A_924] : memref<4x80x128xf32, #tpu.memory_space<vmem>> -> memref<1x80x128xf32, #tpu.memory_space<vmem>>
      %dma_start3A_926 = tpu.memref_squeeze %dma_start3A_925 : memref<1x80x128xf32, #tpu.memory_space<vmem>> -> memref<80x128xf32, #tpu.memory_space<vmem>>
      %dma_start3A_927 = arith.constant 0 : i32
      %dma_start3A_928 = tpu.memref_slice %arg7[%add3A_18, %dma_start3A_927] : memref<10000x128xf32, #tpu.memory_space<vmem_shared>> -> memref<80x128xf32, #tpu.memory_space<vmem_shared>>
      %dma_start3A_929 = arith.constant 0 : i32
      %dma_start3A_930 = tpu.memref_slice %arg7[%add3A_18, %dma_start3A_929] : memref<10000x128xf32, #tpu.memory_space<vmem_shared>> -> memref<80x128xf32, #tpu.memory_space<vmem_shared>>
      %dma_start3A_931 = arith.constant 0 : i32
      %dma_start3A_932 = arith.constant 0 : i32
      %dma_start3A_933 = tpu.memref_slice %arg5[%run_scoped3A_19, %dma_start3A_931, %dma_start3A_932] : memref<4x80x128xf32, #tpu.memory_space<vmem>> -> memref<1x80x128xf32, #tpu.memory_space<vmem>>
      %dma_start3A_934 = tpu.memref_squeeze %dma_start3A_933 : memref<1x80x128xf32, #tpu.memory_space<vmem>> -> memref<80x128xf32, #tpu.memory_space<vmem>>
      tpu.enqueue_dma source(%dma_start3A_934 : memref<80x128xf32, #tpu.memory_space<vmem>>) target(%dma_start3A_930 : memref<80x128xf32, #tpu.memory_space<vmem_shared>>) target_semaphore(%run_scoped3A_922 : memref<!tpu.dma_semaphore, #tpu.memory_space<semaphore_mem>>)
      %dma_wait3A_935 = arith.constant 0 : i32
      %dma_wait3A_936 = arith.constant 0 : i32
      %dma_wait3A_937 = tpu.memref_slice %arg5[%run_scoped3A_19, %dma_wait3A_935, %dma_wait3A_936] : memref<4x80x128xf32, #tpu.memory_space<vmem>> -> memref<1x80x128xf32, #tpu.memory_space<vmem>>
      %dma_wait3A_938 = tpu.memref_squeeze %dma_wait3A_937 : memref<1x80x128xf32, #tpu.memory_space<vmem>> -> memref<80x128xf32, #tpu.memory_space<vmem>>
      %dma_wait3A_939 = arith.constant 0 : i32
      %dma_wait3A_940 = tpu.memref_slice %arg7[%add3A_18, %dma_wait3A_939] : memref<10000x128xf32, #tpu.memory_space<vmem_shared>> -> memref<80x128xf32, #tpu.memory_space<vmem_shared>>
      %dma_wait3A_941 = arith.constant 0 : i32
      %dma_wait3A_942 = tpu.memref_slice %arg7[%add3A_18, %dma_wait3A_941] : memref<10000x128xf32, #tpu.memory_space<vmem_shared>> -> memref<80x128xf32, #tpu.memory_space<vmem_shared>>
      %dma_wait3A_943 = arith.constant 0 : i32
      %dma_wait3A_944 = arith.constant 0 : i32
      %dma_wait3A_945 = tpu.memref_slice %arg5[%run_scoped3A_19, %dma_wait3A_943, %dma_wait3A_944] : memref<4x80x128xf32, #tpu.memory_space<vmem>> -> memref<1x80x128xf32, #tpu.memory_space<vmem>>
      %dma_wait3A_946 = tpu.memref_squeeze %dma_wait3A_945 : memref<1x80x128xf32, #tpu.memory_space<vmem>> -> memref<80x128xf32, #tpu.memory_space<vmem>>
      tpu.wait_dma2 semaphore(%run_scoped3A_922 : memref<!tpu.dma_semaphore, #tpu.memory_space<semaphore_mem>>) src(%dma_wait3A_946 : memref<80x128xf32, #tpu.memory_space<vmem>>) dst(%dma_wait3A_942 : memref<80x128xf32, #tpu.memory_space<vmem_shared>>)
      tpu.yield
    }) : () -> ()
    %add3A_20 = arith.constant 240 : i32
    %add3A_21 = arith.addi %mul3A_0, %add3A_20 : i32
    %run_scoped3A_22 = arith.constant 0 : i32
    "tpu.region"() ({
      %run_scoped3A_922 = tpu.sem_alloc : memref<!tpu.dma_semaphore, #tpu.memory_space<semaphore_mem>>
      %dma_start3A_923 = arith.constant 0 : i32
      %dma_start3A_924 = arith.constant 0 : i32
      %dma_start3A_925 = tpu.memref_slice %arg5[%run_scoped3A_22, %dma_start3A_923, %dma_start3A_924] : memref<4x80x128xf32, #tpu.memory_space<vmem>> -> memref<1x80x128xf32, #tpu.memory_space<vmem>>
      %dma_start3A_926 = tpu.memref_squeeze %dma_start3A_925 : memref<1x80x128xf32, #tpu.memory_space<vmem>> -> memref<80x128xf32, #tpu.memory_space<vmem>>
      %dma_start3A_927 = arith.constant 0 : i32
      %dma_start3A_928 = tpu.memref_slice %arg7[%add3A_21, %dma_start3A_927] : memref<10000x128xf32, #tpu.memory_space<vmem_shared>> -> memref<80x128xf32, #tpu.memory_space<vmem_shared>>
      %dma_start3A_929 = arith.constant 0 : i32
      %dma_start3A_930 = tpu.memref_slice %arg7[%add3A_21, %dma_start3A_929] : memref<10000x128xf32, #tpu.memory_space<vmem_shared>> -> memref<80x128xf32, #tpu.memory_space<vmem_shared>>
      %dma_start3A_931 = arith.constant 0 : i32
      %dma_start3A_932 = arith.constant 0 : i32
      %dma_start3A_933 = tpu.memref_slice %arg5[%run_scoped3A_22, %dma_start3A_931, %dma_start3A_932] : memref<4x80x128xf32, #tpu.memory_space<vmem>> -> memref<1x80x128xf32, #tpu.memory_space<vmem>>
      %dma_start3A_934 = tpu.memref_squeeze %dma_start3A_933 : memref<1x80x128xf32, #tpu.memory_space<vmem>> -> memref<80x128xf32, #tpu.memory_space<vmem>>
      tpu.enqueue_dma source(%dma_start3A_934 : memref<80x128xf32, #tpu.memory_space<vmem>>) target(%dma_start3A_930 : memref<80x128xf32, #tpu.memory_space<vmem_shared>>) target_semaphore(%run_scoped3A_922 : memref<!tpu.dma_semaphore, #tpu.memory_space<semaphore_mem>>)
      %dma_wait3A_935 = arith.constant 0 : i32
      %dma_wait3A_936 = arith.constant 0 : i32
      %dma_wait3A_937 = tpu.memref_slice %arg5[%run_scoped3A_22, %dma_wait3A_935, %dma_wait3A_936] : memref<4x80x128xf32, #tpu.memory_space<vmem>> -> memref<1x80x128xf32, #tpu.memory_space<vmem>>
      %dma_wait3A_938 = tpu.memref_squeeze %dma_wait3A_937 : memref<1x80x128xf32, #tpu.memory_space<vmem>> -> memref<80x128xf32, #tpu.memory_space<vmem>>
      %dma_wait3A_939 = arith.constant 0 : i32
      %dma_wait3A_940 = tpu.memref_slice %arg7[%add3A_21, %dma_wait3A_939] : memref<10000x128xf32, #tpu.memory_space<vmem_shared>> -> memref<80x128xf32, #tpu.memory_space<vmem_shared>>
      %dma_wait3A_941 = arith.constant 0 : i32
      %dma_wait3A_942 = tpu.memref_slice %arg7[%add3A_21, %dma_wait3A_941] : memref<10000x128xf32, #tpu.memory_space<vmem_shared>> -> memref<80x128xf32, #tpu.memory_space<vmem_shared>>
      %dma_wait3A_943 = arith.constant 0 : i32
      %dma_wait3A_944 = arith.constant 0 : i32
      %dma_wait3A_945 = tpu.memref_slice %arg5[%run_scoped3A_22, %dma_wait3A_943, %dma_wait3A_944] : memref<4x80x128xf32, #tpu.memory_space<vmem>> -> memref<1x80x128xf32, #tpu.memory_space<vmem>>
      %dma_wait3A_946 = tpu.memref_squeeze %dma_wait3A_945 : memref<1x80x128xf32, #tpu.memory_space<vmem>> -> memref<80x128xf32, #tpu.memory_space<vmem>>
      tpu.wait_dma2 semaphore(%run_scoped3A_922 : memref<!tpu.dma_semaphore, #tpu.memory_space<semaphore_mem>>) src(%dma_wait3A_946 : memref<80x128xf32, #tpu.memory_space<vmem>>) dst(%dma_wait3A_942 : memref<80x128xf32, #tpu.memory_space<vmem_shared>>)
      tpu.yield
    }) : () -> ()
    %add3A_23 = arith.constant 320 : i32
    %add3A_24 = arith.addi %mul3A_0, %add3A_23 : i32
    %run_scoped3A_25 = arith.constant 0 : i32
    "tpu.region"() ({
      %run_scoped3A_922 = tpu.sem_alloc : memref<!tpu.dma_semaphore, #tpu.memory_space<semaphore_mem>>
      %dma_start3A_923 = arith.constant 0 : i32
      %dma_start3A_924 = arith.constant 0 : i32
      %dma_start3A_925 = tpu.memref_slice %arg5[%run_scoped3A_25, %dma_start3A_923, %dma_start3A_924] : memref<4x80x128xf32, #tpu.memory_space<vmem>> -> memref<1x80x128xf32, #tpu.memory_space<vmem>>
      %dma_start3A_926 = tpu.memref_squeeze %dma_start3A_925 : memref<1x80x128xf32, #tpu.memory_space<vmem>> -> memref<80x128xf32, #tpu.memory_space<vmem>>
      %dma_start3A_927 = arith.constant 0 : i32
      %dma_start3A_928 = tpu.memref_slice %arg7[%add3A_24, %dma_start3A_927] : memref<10000x128xf32, #tpu.memory_space<vmem_shared>> -> memref<80x128xf32, #tpu.memory_space<vmem_shared>>
      %dma_start3A_929 = arith.constant 0 : i32
      %dma_start3A_930 = tpu.memref_slice %arg7[%add3A_24, %dma_start3A_929] : memref<10000x128xf32, #tpu.memory_space<vmem_shared>> -> memref<80x128xf32, #tpu.memory_space<vmem_shared>>
      %dma_start3A_931 = arith.constant 0 : i32
      %dma_start3A_932 = arith.constant 0 : i32
      %dma_start3A_933 = tpu.memref_slice %arg5[%run_scoped3A_25, %dma_start3A_931, %dma_start3A_932] : memref<4x80x128xf32, #tpu.memory_space<vmem>> -> memref<1x80x128xf32, #tpu.memory_space<vmem>>
      %dma_start3A_934 = tpu.memref_squeeze %dma_start3A_933 : memref<1x80x128xf32, #tpu.memory_space<vmem>> -> memref<80x128xf32, #tpu.memory_space<vmem>>
      tpu.enqueue_dma source(%dma_start3A_934 : memref<80x128xf32, #tpu.memory_space<vmem>>) target(%dma_start3A_930 : memref<80x128xf32, #tpu.memory_space<vmem_shared>>) target_semaphore(%run_scoped3A_922 : memref<!tpu.dma_semaphore, #tpu.memory_space<semaphore_mem>>)
      %dma_wait3A_935 = arith.constant 0 : i32
      %dma_wait3A_936 = arith.constant 0 : i32
      %dma_wait3A_937 = tpu.memref_slice %arg5[%run_scoped3A_25, %dma_wait3A_935, %dma_wait3A_936] : memref<4x80x128xf32, #tpu.memory_space<vmem>> -> memref<1x80x128xf32, #tpu.memory_space<vmem>>
      %dma_wait3A_938 = tpu.memref_squeeze %dma_wait3A_937 : memref<1x80x128xf32, #tpu.memory_space<vmem>> -> memref<80x128xf32, #tpu.memory_space<vmem>>
      %dma_wait3A_939 = arith.constant 0 : i32
      %dma_wait3A_940 = tpu.memref_slice %arg7[%add3A_24, %dma_wait3A_939] : memref<10000x128xf32, #tpu.memory_space<vmem_shared>> -> memref<80x128xf32, #tpu.memory_space<vmem_shared>>
      %dma_wait3A_941 = arith.constant 0 : i32
      %dma_wait3A_942 = tpu.memref_slice %arg7[%add3A_24, %dma_wait3A_941] : memref<10000x128xf32, #tpu.memory_space<vmem_shared>> -> memref<80x128xf32, #tpu.memory_space<vmem_shared>>
      %dma_wait3A_943 = arith.constant 0 : i32
      %dma_wait3A_944 = arith.constant 0 : i32
      %dma_wait3A_945 = tpu.memref_slice %arg5[%run_scoped3A_25, %dma_wait3A_943, %dma_wait3A_944] : memref<4x80x128xf32, #tpu.memory_space<vmem>> -> memref<1x80x128xf32, #tpu.memory_space<vmem>>
      %dma_wait3A_946 = tpu.memref_squeeze %dma_wait3A_945 : memref<1x80x128xf32, #tpu.memory_space<vmem>> -> memref<80x128xf32, #tpu.memory_space<vmem>>
      tpu.wait_dma2 semaphore(%run_scoped3A_922 : memref<!tpu.dma_semaphore, #tpu.memory_space<semaphore_mem>>) src(%dma_wait3A_946 : memref<80x128xf32, #tpu.memory_space<vmem>>) dst(%dma_wait3A_942 : memref<80x128xf32, #tpu.memory_space<vmem_shared>>)
      tpu.yield
    }) : () -> ()
    %add3A_26 = arith.constant 400 : i32
    %add3A_27 = arith.addi %mul3A_0, %add3A_26 : i32
    %run_scoped3A_28 = arith.constant 0 : i32
    "tpu.region"() ({
      %run_scoped3A_922 = tpu.sem_alloc : memref<!tpu.dma_semaphore, #tpu.memory_space<semaphore_mem>>
      %dma_start3A_923 = arith.constant 0 : i32
      %dma_start3A_924 = arith.constant 0 : i32
      %dma_start3A_925 = tpu.memref_slice %arg5[%run_scoped3A_28, %dma_start3A_923, %dma_start3A_924] : memref<4x80x128xf32, #tpu.memory_space<vmem>> -> memref<1x80x128xf32, #tpu.memory_space<vmem>>
      %dma_start3A_926 = tpu.memref_squeeze %dma_start3A_925 : memref<1x80x128xf32, #tpu.memory_space<vmem>> -> memref<80x128xf32, #tpu.memory_space<vmem>>
      %dma_start3A_927 = arith.constant 0 : i32
      %dma_start3A_928 = tpu.memref_slice %arg7[%add3A_27, %dma_start3A_927] : memref<10000x128xf32, #tpu.memory_space<vmem_shared>> -> memref<80x128xf32, #tpu.memory_space<vmem_shared>>
      %dma_start3A_929 = arith.constant 0 : i32
      %dma_start3A_930 = tpu.memref_slice %arg7[%add3A_27, %dma_start3A_929] : memref<10000x128xf32, #tpu.memory_space<vmem_shared>> -> memref<80x128xf32, #tpu.memory_space<vmem_shared>>
      %dma_start3A_931 = arith.constant 0 : i32
      %dma_start3A_932 = arith.constant 0 : i32
      %dma_start3A_933 = tpu.memref_slice %arg5[%run_scoped3A_28, %dma_start3A_931, %dma_start3A_932] : memref<4x80x128xf32, #tpu.memory_space<vmem>> -> memref<1x80x128xf32, #tpu.memory_space<vmem>>
      %dma_start3A_934 = tpu.memref_squeeze %dma_start3A_933 : memref<1x80x128xf32, #tpu.memory_space<vmem>> -> memref<80x128xf32, #tpu.memory_space<vmem>>
      tpu.enqueue_dma source(%dma_start3A_934 : memref<80x128xf32, #tpu.memory_space<vmem>>) target(%dma_start3A_930 : memref<80x128xf32, #tpu.memory_space<vmem_shared>>) target_semaphore(%run_scoped3A_922 : memref<!tpu.dma_semaphore, #tpu.memory_space<semaphore_mem>>)
      %dma_wait3A_935 = arith.constant 0 : i32
      %dma_wait3A_936 = arith.constant 0 : i32
      %dma_wait3A_937 = tpu.memref_slice %arg5[%run_scoped3A_28, %dma_wait3A_935, %dma_wait3A_936] : memref<4x80x128xf32, #tpu.memory_space<vmem>> -> memref<1x80x128xf32, #tpu.memory_space<vmem>>
      %dma_wait3A_938 = tpu.memref_squeeze %dma_wait3A_937 : memref<1x80x128xf32, #tpu.memory_space<vmem>> -> memref<80x128xf32, #tpu.memory_space<vmem>>
      %dma_wait3A_939 = arith.constant 0 : i32
      %dma_wait3A_940 = tpu.memref_slice %arg7[%add3A_27, %dma_wait3A_939] : memref<10000x128xf32, #tpu.memory_space<vmem_shared>> -> memref<80x128xf32, #tpu.memory_space<vmem_shared>>
      %dma_wait3A_941 = arith.constant 0 : i32
      %dma_wait3A_942 = tpu.memref_slice %arg7[%add3A_27, %dma_wait3A_941] : memref<10000x128xf32, #tpu.memory_space<vmem_shared>> -> memref<80x128xf32, #tpu.memory_space<vmem_shared>>
      %dma_wait3A_943 = arith.constant 0 : i32
      %dma_wait3A_944 = arith.constant 0 : i32
      %dma_wait3A_945 = tpu.memref_slice %arg5[%run_scoped3A_28, %dma_wait3A_943, %dma_wait3A_944] : memref<4x80x128xf32, #tpu.memory_space<vmem>> -> memref<1x80x128xf32, #tpu.memory_space<vmem>>
      %dma_wait3A_946 = tpu.memref_squeeze %dma_wait3A_945 : memref<1x80x128xf32, #tpu.memory_space<vmem>> -> memref<80x128xf32, #tpu.memory_space<vmem>>
      tpu.wait_dma2 semaphore(%run_scoped3A_922 : memref<!tpu.dma_semaphore, #tpu.memory_space<semaphore_mem>>) src(%dma_wait3A_946 : memref<80x128xf32, #tpu.memory_space<vmem>>) dst(%dma_wait3A_942 : memref<80x128xf32, #tpu.memory_space<vmem_shared>>)
      tpu.yield
    }) : () -> ()
    %add3A_29 = arith.constant 480 : i32
    %add3A_30 = arith.addi %mul3A_0, %add3A_29 : i32
    %run_scoped3A_31 = arith.constant 0 : i32
    "tpu.region"() ({
      %run_scoped3A_922 = tpu.sem_alloc : memref<!tpu.dma_semaphore, #tpu.memory_space<semaphore_mem>>
      %dma_start3A_923 = arith.constant 0 : i32
      %dma_start3A_924 = arith.constant 0 : i32
      %dma_start3A_925 = tpu.memref_slice %arg5[%run_scoped3A_31, %dma_start3A_923, %dma_start3A_924] : memref<4x80x128xf32, #tpu.memory_space<vmem>> -> memref<1x80x128xf32, #tpu.memory_space<vmem>>
      %dma_start3A_926 = tpu.memref_squeeze %dma_start3A_925 : memref<1x80x128xf32, #tpu.memory_space<vmem>> -> memref<80x128xf32, #tpu.memory_space<vmem>>
      %dma_start3A_927 = arith.constant 0 : i32
      %dma_start3A_928 = tpu.memref_slice %arg7[%add3A_30, %dma_start3A_927] : memref<10000x128xf32, #tpu.memory_space<vmem_shared>> -> memref<80x128xf32, #tpu.memory_space<vmem_shared>>
      %dma_start3A_929 = arith.constant 0 : i32
      %dma_start3A_930 = tpu.memref_slice %arg7[%add3A_30, %dma_start3A_929] : memref<10000x128xf32, #tpu.memory_space<vmem_shared>> -> memref<80x128xf32, #tpu.memory_space<vmem_shared>>
      %dma_start3A_931 = arith.constant 0 : i32
      %dma_start3A_932 = arith.constant 0 : i32
      %dma_start3A_933 = tpu.memref_slice %arg5[%run_scoped3A_31, %dma_start3A_931, %dma_start3A_932] : memref<4x80x128xf32, #tpu.memory_space<vmem>> -> memref<1x80x128xf32, #tpu.memory_space<vmem>>
      %dma_start3A_934 = tpu.memref_squeeze %dma_start3A_933 : memref<1x80x128xf32, #tpu.memory_space<vmem>> -> memref<80x128xf32, #tpu.memory_space<vmem>>
      tpu.enqueue_dma source(%dma_start3A_934 : memref<80x128xf32, #tpu.memory_space<vmem>>) target(%dma_start3A_930 : memref<80x128xf32, #tpu.memory_space<vmem_shared>>) target_semaphore(%run_scoped3A_922 : memref<!tpu.dma_semaphore, #tpu.memory_space<semaphore_mem>>)
      %dma_wait3A_935 = arith.constant 0 : i32
      %dma_wait3A_936 = arith.constant 0 : i32
      %dma_wait3A_937 = tpu.memref_slice %arg5[%run_scoped3A_31, %dma_wait3A_935, %dma_wait3A_936] : memref<4x80x128xf32, #tpu.memory_space<vmem>> -> memref<1x80x128xf32, #tpu.memory_space<vmem>>
      %dma_wait3A_938 = tpu.memref_squeeze %dma_wait3A_937 : memref<1x80x128xf32, #tpu.memory_space<vmem>> -> memref<80x128xf32, #tpu.memory_space<vmem>>
      %dma_wait3A_939 = arith.constant 0 : i32
      %dma_wait3A_940 = tpu.memref_slice %arg7[%add3A_30, %dma_wait3A_939] : memref<10000x128xf32, #tpu.memory_space<vmem_shared>> -> memref<80x128xf32, #tpu.memory_space<vmem_shared>>
      %dma_wait3A_941 = arith.constant 0 : i32
      %dma_wait3A_942 = tpu.memref_slice %arg7[%add3A_30, %dma_wait3A_941] : memref<10000x128xf32, #tpu.memory_space<vmem_shared>> -> memref<80x128xf32, #tpu.memory_space<vmem_shared>>
      %dma_wait3A_943 = arith.constant 0 : i32
      %dma_wait3A_944 = arith.constant 0 : i32
      %dma_wait3A_945 = tpu.memref_slice %arg5[%run_scoped3A_31, %dma_wait3A_943, %dma_wait3A_944] : memref<4x80x128xf32, #tpu.memory_space<vmem>> -> memref<1x80x128xf32, #tpu.memory_space<vmem>>
      %dma_wait3A_946 = tpu.memref_squeeze %dma_wait3A_945 : memref<1x80x128xf32, #tpu.memory_space<vmem>> -> memref<80x128xf32, #tpu.memory_space<vmem>>
      tpu.wait_dma2 semaphore(%run_scoped3A_922 : memref<!tpu.dma_semaphore, #tpu.memory_space<semaphore_mem>>) src(%dma_wait3A_946 : memref<80x128xf32, #tpu.memory_space<vmem>>) dst(%dma_wait3A_942 : memref<80x128xf32, #tpu.memory_space<vmem_shared>>)
      tpu.yield
    }) : () -> ()
    %add3A_32 = arith.constant 560 : i32
    %add3A_33 = arith.addi %mul3A_0, %add3A_32 : i32
    %run_scoped3A_34 = arith.constant 0 : i32
    "tpu.region"() ({
      %run_scoped3A_922 = tpu.sem_alloc : memref<!tpu.dma_semaphore, #tpu.memory_space<semaphore_mem>>
      %dma_start3A_923 = arith.constant 0 : i32
      %dma_start3A_924 = arith.constant 0 : i32
      %dma_start3A_925 = tpu.memref_slice %arg5[%run_scoped3A_34, %dma_start3A_923, %dma_start3A_924] : memref<4x80x128xf32, #tpu.memory_space<vmem>> -> memref<1x80x128xf32, #tpu.memory_space<vmem>>
      %dma_start3A_926 = tpu.memref_squeeze %dma_start3A_925 : memref<1x80x128xf32, #tpu.memory_space<vmem>> -> memref<80x128xf32, #tpu.memory_space<vmem>>
      %dma_start3A_927 = arith.constant 0 : i32
      %dma_start3A_928 = tpu.memref_slice %arg7[%add3A_33, %dma_start3A_927] : memref<10000x128xf32, #tpu.memory_space<vmem_shared>> -> memref<80x128xf32, #tpu.memory_space<vmem_shared>>
      %dma_start3A_929 = arith.constant 0 : i32
      %dma_start3A_930 = tpu.memref_slice %arg7[%add3A_33, %dma_start3A_929] : memref<10000x128xf32, #tpu.memory_space<vmem_shared>> -> memref<80x128xf32, #tpu.memory_space<vmem_shared>>
      %dma_start3A_931 = arith.constant 0 : i32
      %dma_start3A_932 = arith.constant 0 : i32
      %dma_start3A_933 = tpu.memref_slice %arg5[%run_scoped3A_34, %dma_start3A_931, %dma_start3A_932] : memref<4x80x128xf32, #tpu.memory_space<vmem>> -> memref<1x80x128xf32, #tpu.memory_space<vmem>>
      %dma_start3A_934 = tpu.memref_squeeze %dma_start3A_933 : memref<1x80x128xf32, #tpu.memory_space<vmem>> -> memref<80x128xf32, #tpu.memory_space<vmem>>
      tpu.enqueue_dma source(%dma_start3A_934 : memref<80x128xf32, #tpu.memory_space<vmem>>) target(%dma_start3A_930 : memref<80x128xf32, #tpu.memory_space<vmem_shared>>) target_semaphore(%run_scoped3A_922 : memref<!tpu.dma_semaphore, #tpu.memory_space<semaphore_mem>>)
      %dma_wait3A_935 = arith.constant 0 : i32
      %dma_wait3A_936 = arith.constant 0 : i32
      %dma_wait3A_937 = tpu.memref_slice %arg5[%run_scoped3A_34, %dma_wait3A_935, %dma_wait3A_936] : memref<4x80x128xf32, #tpu.memory_space<vmem>> -> memref<1x80x128xf32, #tpu.memory_space<vmem>>
      %dma_wait3A_938 = tpu.memref_squeeze %dma_wait3A_937 : memref<1x80x128xf32, #tpu.memory_space<vmem>> -> memref<80x128xf32, #tpu.memory_space<vmem>>
      %dma_wait3A_939 = arith.constant 0 : i32
      %dma_wait3A_940 = tpu.memref_slice %arg7[%add3A_33, %dma_wait3A_939] : memref<10000x128xf32, #tpu.memory_space<vmem_shared>> -> memref<80x128xf32, #tpu.memory_space<vmem_shared>>
      %dma_wait3A_941 = arith.constant 0 : i32
      %dma_wait3A_942 = tpu.memref_slice %arg7[%add3A_33, %dma_wait3A_941] : memref<10000x128xf32, #tpu.memory_space<vmem_shared>> -> memref<80x128xf32, #tpu.memory_space<vmem_shared>>
      %dma_wait3A_943 = arith.constant 0 : i32
      %dma_wait3A_944 = arith.constant 0 : i32
      %dma_wait3A_945 = tpu.memref_slice %arg5[%run_scoped3A_34, %dma_wait3A_943, %dma_wait3A_944] : memref<4x80x128xf32, #tpu.memory_space<vmem>> -> memref<1x80x128xf32, #tpu.memory_space<vmem>>
      %dma_wait3A_946 = tpu.memref_squeeze %dma_wait3A_945 : memref<1x80x128xf32, #tpu.memory_space<vmem>> -> memref<80x128xf32, #tpu.memory_space<vmem>>
      tpu.wait_dma2 semaphore(%run_scoped3A_922 : memref<!tpu.dma_semaphore, #tpu.memory_space<semaphore_mem>>) src(%dma_wait3A_946 : memref<80x128xf32, #tpu.memory_space<vmem>>) dst(%dma_wait3A_942 : memref<80x128xf32, #tpu.memory_space<vmem_shared>>)
      tpu.yield
    }) : () -> ()
    %barrier3A = arith.constant 0 : index
    tpu.barrier barrier_id(%barrier3A)
    %add3A_35 = arith.constant 0 : i32
    %add3A_36 = arith.addi %mul3A_6, %add3A_35 : i32
    %add3A_37 = arith.constant 0 : i32
    %add3A_38 = arith.addi %mul3A_2, %add3A_37 : i32
    %dma_start3A = arith.constant 0 : i32
    %dma_start3A_39 = arith.constant 0 : i32
    %dma_start3A_40 = arith.constant 0 : i32
    %dma_start3A_41 = tpu.memref_slice %arg5[%dma_start3A, %dma_start3A_39, %dma_start3A_40] : memref<4x80x128xf32, #tpu.memory_space<vmem>> -> memref<1x80x128xf32, #tpu.memory_space<vmem>>
    %dma_start3A_42 = tpu.memref_squeeze %dma_start3A_41 : memref<1x80x128xf32, #tpu.memory_space<vmem>> -> memref<80x128xf32, #tpu.memory_space<vmem>>
    %dma_start3A_43 = arith.constant 0 : i32
    %dma_start3A_44 = tpu.memref_slice %arg2[%arg0, %add3A_36, %dma_start3A_43] : memref<2x160000x128xf32, #tpu.memory_space<hbm>> -> memref<1x80x128xf32, #tpu.memory_space<hbm>>
    %dma_start3A_45 = tpu.memref_squeeze %dma_start3A_44 : memref<1x80x128xf32, #tpu.memory_space<hbm>> -> memref<80x128xf32, #tpu.memory_space<hbm>>
    %dma_start3A_46 = arith.constant 0 : i32
    %dma_start3A_47 = arith.constant 0 : i32
    %dma_start3A_48 = tpu.memref_slice %arg5[%dma_start3A, %dma_start3A_46, %dma_start3A_47] : memref<4x80x128xf32, #tpu.memory_space<vmem>> -> memref<1x80x128xf32, #tpu.memory_space<vmem>>
    %dma_start3A_49 = tpu.memref_squeeze %dma_start3A_48 : memref<1x80x128xf32, #tpu.memory_space<vmem>> -> memref<80x128xf32, #tpu.memory_space<vmem>>
    %dma_start3A_50 = arith.constant 0 : i32
    %dma_start3A_51 = tpu.memref_slice %arg2[%arg0, %add3A_36, %dma_start3A_50] : memref<2x160000x128xf32, #tpu.memory_space<hbm>> -> memref<1x80x128xf32, #tpu.memory_space<hbm>>
    %dma_start3A_52 = tpu.memref_squeeze %dma_start3A_51 : memref<1x80x128xf32, #tpu.memory_space<hbm>> -> memref<80x128xf32, #tpu.memory_space<hbm>>
    tpu.enqueue_dma source(%dma_start3A_52 : memref<80x128xf32, #tpu.memory_space<hbm>>) target(%dma_start3A_49 : memref<80x128xf32, #tpu.memory_space<vmem>>) target_semaphore(%arg8 : memref<!tpu.dma_semaphore, #tpu.memory_space<semaphore_mem>>)
    %dma_start3A_53 = arith.constant 0 : i32
    %dma_start3A_54 = arith.constant 0 : i32
    %dma_start3A_55 = arith.constant 0 : i32
    %dma_start3A_56 = tpu.memref_slice %arg6[%dma_start3A_53, %dma_start3A_54, %dma_start3A_55] : memref<4x1x80xi32, #tpu.memory_space<vmem>> -> memref<1x1x80xi32, #tpu.memory_space<vmem>>
    %dma_start3A_57 = tpu.memref_squeeze %dma_start3A_56 : memref<1x1x80xi32, #tpu.memory_space<vmem>> -> memref<1x80xi32, #tpu.memory_space<vmem>>
    %dma_start3A_58 = arith.constant 0 : i32
    %dma_start3A_59 = arith.constant 0 : i32
    %dma_start3A_60 = tpu.memref_slice %arg3[%arg0, %add3A_38, %dma_start3A_58, %dma_start3A_59] : memref<2x2000x1x80xi32, #tpu.memory_space<hbm>> -> memref<1x1x1x80xi32, #tpu.memory_space<hbm>>
    %dma_start3A_61 = tpu.memref_squeeze %dma_start3A_60 : memref<1x1x1x80xi32, #tpu.memory_space<hbm>> -> memref<1x80xi32, #tpu.memory_space<hbm>>
    %dma_start3A_62 = arith.constant 0 : i32
    %dma_start3A_63 = arith.constant 0 : i32
    %dma_start3A_64 = tpu.memref_slice %arg6[%dma_start3A_53, %dma_start3A_62, %dma_start3A_63] : memref<4x1x80xi32, #tpu.memory_space<vmem>> -> memref<1x1x80xi32, #tpu.memory_space<vmem>>
    %dma_start3A_65 = tpu.memref_squeeze %dma_start3A_64 : memref<1x1x80xi32, #tpu.memory_space<vmem>> -> memref<1x80xi32, #tpu.memory_space<vmem>>
    %dma_start3A_66 = arith.constant 0 : i32
    %dma_start3A_67 = arith.constant 0 : i32
    %dma_start3A_68 = tpu.memref_slice %arg3[%arg0, %add3A_38, %dma_start3A_66, %dma_start3A_67] : memref<2x2000x1x80xi32, #tpu.memory_space<hbm>> -> memref<1x1x1x80xi32, #tpu.memory_space<hbm>>
    %dma_start3A_69 = tpu.memref_squeeze %dma_start3A_68 : memref<1x1x1x80xi32, #tpu.memory_space<hbm>> -> memref<1x80xi32, #tpu.memory_space<hbm>>
    tpu.enqueue_dma source(%dma_start3A_69 : memref<1x80xi32, #tpu.memory_space<hbm>>) target(%dma_start3A_65 : memref<1x80xi32, #tpu.memory_space<vmem>>) target_semaphore(%arg8 : memref<!tpu.dma_semaphore, #tpu.memory_space<semaphore_mem>>)
    %add3A_70 = arith.constant 80 : i32
    %add3A_71 = arith.addi %mul3A_6, %add3A_70 : i32
    %add3A_72 = arith.constant 1 : i32
    %add3A_73 = arith.addi %mul3A_2, %add3A_72 : i32
    %dma_start3A_74 = arith.constant 1 : i32
    %dma_start3A_75 = arith.constant 0 : i32
    %dma_start3A_76 = arith.constant 0 : i32
    %dma_start3A_77 = tpu.memref_slice %arg5[%dma_start3A_74, %dma_start3A_75, %dma_start3A_76] : memref<4x80x128xf32, #tpu.memory_space<vmem>> -> memref<1x80x128xf32, #tpu.memory_space<vmem>>
    %dma_start3A_78 = tpu.memref_squeeze %dma_start3A_77 : memref<1x80x128xf32, #tpu.memory_space<vmem>> -> memref<80x128xf32, #tpu.memory_space<vmem>>
    %dma_start3A_79 = arith.constant 0 : i32
    %dma_start3A_80 = tpu.memref_slice %arg2[%arg0, %add3A_71, %dma_start3A_79] : memref<2x160000x128xf32, #tpu.memory_space<hbm>> -> memref<1x80x128xf32, #tpu.memory_space<hbm>>
    %dma_start3A_81 = tpu.memref_squeeze %dma_start3A_80 : memref<1x80x128xf32, #tpu.memory_space<hbm>> -> memref<80x128xf32, #tpu.memory_space<hbm>>
    %dma_start3A_82 = arith.constant 0 : i32
    %dma_start3A_83 = arith.constant 0 : i32
    %dma_start3A_84 = tpu.memref_slice %arg5[%dma_start3A_74, %dma_start3A_82, %dma_start3A_83] : memref<4x80x128xf32, #tpu.memory_space<vmem>> -> memref<1x80x128xf32, #tpu.memory_space<vmem>>
    %dma_start3A_85 = tpu.memref_squeeze %dma_start3A_84 : memref<1x80x128xf32, #tpu.memory_space<vmem>> -> memref<80x128xf32, #tpu.memory_space<vmem>>
    %dma_start3A_86 = arith.constant 0 : i32
    %dma_start3A_87 = tpu.memref_slice %arg2[%arg0, %add3A_71, %dma_start3A_86] : memref<2x160000x128xf32, #tpu.memory_space<hbm>> -> memref<1x80x128xf32, #tpu.memory_space<hbm>>
    %dma_start3A_88 = tpu.memref_squeeze %dma_start3A_87 : memref<1x80x128xf32, #tpu.memory_space<hbm>> -> memref<80x128xf32, #tpu.memory_space<hbm>>
    tpu.enqueue_dma source(%dma_start3A_88 : memref<80x128xf32, #tpu.memory_space<hbm>>) target(%dma_start3A_85 : memref<80x128xf32, #tpu.memory_space<vmem>>) target_semaphore(%arg8 : memref<!tpu.dma_semaphore, #tpu.memory_space<semaphore_mem>>)
    %dma_start3A_89 = arith.constant 1 : i32
    %dma_start3A_90 = arith.constant 0 : i32
    %dma_start3A_91 = arith.constant 0 : i32
    %dma_start3A_92 = tpu.memref_slice %arg6[%dma_start3A_89, %dma_start3A_90, %dma_start3A_91] : memref<4x1x80xi32, #tpu.memory_space<vmem>> -> memref<1x1x80xi32, #tpu.memory_space<vmem>>
    %dma_start3A_93 = tpu.memref_squeeze %dma_start3A_92 : memref<1x1x80xi32, #tpu.memory_space<vmem>> -> memref<1x80xi32, #tpu.memory_space<vmem>>
    %dma_start3A_94 = arith.constant 0 : i32
    %dma_start3A_95 = arith.constant 0 : i32
    %dma_start3A_96 = tpu.memref_slice %arg3[%arg0, %add3A_73, %dma_start3A_94, %dma_start3A_95] : memref<2x2000x1x80xi32, #tpu.memory_space<hbm>> -> memref<1x1x1x80xi32, #tpu.memory_space<hbm>>
    %dma_start3A_97 = tpu.memref_squeeze %dma_start3A_96 : memref<1x1x1x80xi32, #tpu.memory_space<hbm>> -> memref<1x80xi32, #tpu.memory_space<hbm>>
    %dma_start3A_98 = arith.constant 0 : i32
    %dma_start3A_99 = arith.constant 0 : i32
    %dma_start3A_100 = tpu.memref_slice %arg6[%dma_start3A_89, %dma_start3A_98, %dma_start3A_99] : memref<4x1x80xi32, #tpu.memory_space<vmem>> -> memref<1x1x80xi32, #tpu.memory_space<vmem>>
    %dma_start3A_101 = tpu.memref_squeeze %dma_start3A_100 : memref<1x1x80xi32, #tpu.memory_space<vmem>> -> memref<1x80xi32, #tpu.memory_space<vmem>>
    %dma_start3A_102 = arith.constant 0 : i32
    %dma_start3A_103 = arith.constant 0 : i32
    %dma_start3A_104 = tpu.memref_slice %arg3[%arg0, %add3A_73, %dma_start3A_102, %dma_start3A_103] : memref<2x2000x1x80xi32, #tpu.memory_space<hbm>> -> memref<1x1x1x80xi32, #tpu.memory_space<hbm>>
    %dma_start3A_105 = tpu.memref_squeeze %dma_start3A_104 : memref<1x1x1x80xi32, #tpu.memory_space<hbm>> -> memref<1x80xi32, #tpu.memory_space<hbm>>
    tpu.enqueue_dma source(%dma_start3A_105 : memref<1x80xi32, #tpu.memory_space<hbm>>) target(%dma_start3A_101 : memref<1x80xi32, #tpu.memory_space<vmem>>) target_semaphore(%arg8 : memref<!tpu.dma_semaphore, #tpu.memory_space<semaphore_mem>>)
    %add3A_106 = arith.constant 160 : i32
    %add3A_107 = arith.addi %mul3A_6, %add3A_106 : i32
    %add3A_108 = arith.constant 2 : i32
    %add3A_109 = arith.addi %mul3A_2, %add3A_108 : i32
    %dma_start3A_110 = arith.constant 2 : i32
    %dma_start3A_111 = arith.constant 0 : i32
    %dma_start3A_112 = arith.constant 0 : i32
    %dma_start3A_113 = tpu.memref_slice %arg5[%dma_start3A_110, %dma_start3A_111, %dma_start3A_112] : memref<4x80x128xf32, #tpu.memory_space<vmem>> -> memref<1x80x128xf32, #tpu.memory_space<vmem>>
    %dma_start3A_114 = tpu.memref_squeeze %dma_start3A_113 : memref<1x80x128xf32, #tpu.memory_space<vmem>> -> memref<80x128xf32, #tpu.memory_space<vmem>>
    %dma_start3A_115 = arith.constant 0 : i32
    %dma_start3A_116 = tpu.memref_slice %arg2[%arg0, %add3A_107, %dma_start3A_115] : memref<2x160000x128xf32, #tpu.memory_space<hbm>> -> memref<1x80x128xf32, #tpu.memory_space<hbm>>
    %dma_start3A_117 = tpu.memref_squeeze %dma_start3A_116 : memref<1x80x128xf32, #tpu.memory_space<hbm>> -> memref<80x128xf32, #tpu.memory_space<hbm>>
    %dma_start3A_118 = arith.constant 0 : i32
    %dma_start3A_119 = arith.constant 0 : i32
    %dma_start3A_120 = tpu.memref_slice %arg5[%dma_start3A_110, %dma_start3A_118, %dma_start3A_119] : memref<4x80x128xf32, #tpu.memory_space<vmem>> -> memref<1x80x128xf32, #tpu.memory_space<vmem>>
    %dma_start3A_121 = tpu.memref_squeeze %dma_start3A_120 : memref<1x80x128xf32, #tpu.memory_space<vmem>> -> memref<80x128xf32, #tpu.memory_space<vmem>>
    %dma_start3A_122 = arith.constant 0 : i32
    %dma_start3A_123 = tpu.memref_slice %arg2[%arg0, %add3A_107, %dma_start3A_122] : memref<2x160000x128xf32, #tpu.memory_space<hbm>> -> memref<1x80x128xf32, #tpu.memory_space<hbm>>
    %dma_start3A_124 = tpu.memref_squeeze %dma_start3A_123 : memref<1x80x128xf32, #tpu.memory_space<hbm>> -> memref<80x128xf32, #tpu.memory_space<hbm>>
    tpu.enqueue_dma source(%dma_start3A_124 : memref<80x128xf32, #tpu.memory_space<hbm>>) target(%dma_start3A_121 : memref<80x128xf32, #tpu.memory_space<vmem>>) target_semaphore(%arg8 : memref<!tpu.dma_semaphore, #tpu.memory_space<semaphore_mem>>)
    %dma_start3A_125 = arith.constant 2 : i32
    %dma_start3A_126 = arith.constant 0 : i32
    %dma_start3A_127 = arith.constant 0 : i32
    %dma_start3A_128 = tpu.memref_slice %arg6[%dma_start3A_125, %dma_start3A_126, %dma_start3A_127] : memref<4x1x80xi32, #tpu.memory_space<vmem>> -> memref<1x1x80xi32, #tpu.memory_space<vmem>>
    %dma_start3A_129 = tpu.memref_squeeze %dma_start3A_128 : memref<1x1x80xi32, #tpu.memory_space<vmem>> -> memref<1x80xi32, #tpu.memory_space<vmem>>
    %dma_start3A_130 = arith.constant 0 : i32
    %dma_start3A_131 = arith.constant 0 : i32
    %dma_start3A_132 = tpu.memref_slice %arg3[%arg0, %add3A_109, %dma_start3A_130, %dma_start3A_131] : memref<2x2000x1x80xi32, #tpu.memory_space<hbm>> -> memref<1x1x1x80xi32, #tpu.memory_space<hbm>>
    %dma_start3A_133 = tpu.memref_squeeze %dma_start3A_132 : memref<1x1x1x80xi32, #tpu.memory_space<hbm>> -> memref<1x80xi32, #tpu.memory_space<hbm>>
    %dma_start3A_134 = arith.constant 0 : i32
    %dma_start3A_135 = arith.constant 0 : i32
    %dma_start3A_136 = tpu.memref_slice %arg6[%dma_start3A_125, %dma_start3A_134, %dma_start3A_135] : memref<4x1x80xi32, #tpu.memory_space<vmem>> -> memref<1x1x80xi32, #tpu.memory_space<vmem>>
    %dma_start3A_137 = tpu.memref_squeeze %dma_start3A_136 : memref<1x1x80xi32, #tpu.memory_space<vmem>> -> memref<1x80xi32, #tpu.memory_space<vmem>>
    %dma_start3A_138 = arith.constant 0 : i32
    %dma_start3A_139 = arith.constant 0 : i32
    %dma_start3A_140 = tpu.memref_slice %arg3[%arg0, %add3A_109, %dma_start3A_138, %dma_start3A_139] : memref<2x2000x1x80xi32, #tpu.memory_space<hbm>> -> memref<1x1x1x80xi32, #tpu.memory_space<hbm>>
    %dma_start3A_141 = tpu.memref_squeeze %dma_start3A_140 : memref<1x1x1x80xi32, #tpu.memory_space<hbm>> -> memref<1x80xi32, #tpu.memory_space<hbm>>
    tpu.enqueue_dma source(%dma_start3A_141 : memref<1x80xi32, #tpu.memory_space<hbm>>) target(%dma_start3A_137 : memref<1x80xi32, #tpu.memory_space<vmem>>) target_semaphore(%arg8 : memref<!tpu.dma_semaphore, #tpu.memory_space<semaphore_mem>>)
    %add3A_142 = arith.constant 0 : i32
    %add3A_143 = arith.addi %mul3A_6, %add3A_142 : i32
    %add3A_144 = arith.constant 0 : i32
    %add3A_145 = arith.addi %mul3A_2, %add3A_144 : i32
    %dma_wait3A = arith.constant 0 : i32
    %dma_wait3A_146 = arith.constant 0 : i32
    %dma_wait3A_147 = arith.constant 0 : i32
    %dma_wait3A_148 = tpu.memref_slice %arg5[%dma_wait3A, %dma_wait3A_146, %dma_wait3A_147] : memref<4x80x128xf32, #tpu.memory_space<vmem>> -> memref<1x80x128xf32, #tpu.memory_space<vmem>>
    %dma_wait3A_149 = tpu.memref_squeeze %dma_wait3A_148 : memref<1x80x128xf32, #tpu.memory_space<vmem>> -> memref<80x128xf32, #tpu.memory_space<vmem>>
    %dma_wait3A_150 = arith.constant 0 : i32
    %dma_wait3A_151 = tpu.memref_slice %arg2[%arg0, %add3A_143, %dma_wait3A_150] : memref<2x160000x128xf32, #tpu.memory_space<hbm>> -> memref<1x80x128xf32, #tpu.memory_space<hbm>>
    %dma_wait3A_152 = tpu.memref_squeeze %dma_wait3A_151 : memref<1x80x128xf32, #tpu.memory_space<hbm>> -> memref<80x128xf32, #tpu.memory_space<hbm>>
    %dma_wait3A_153 = arith.constant 0 : i32
    %dma_wait3A_154 = arith.constant 0 : i32
    %dma_wait3A_155 = tpu.memref_slice %arg5[%dma_wait3A, %dma_wait3A_153, %dma_wait3A_154] : memref<4x80x128xf32, #tpu.memory_space<vmem>> -> memref<1x80x128xf32, #tpu.memory_space<vmem>>
    %dma_wait3A_156 = tpu.memref_squeeze %dma_wait3A_155 : memref<1x80x128xf32, #tpu.memory_space<vmem>> -> memref<80x128xf32, #tpu.memory_space<vmem>>
    %dma_wait3A_157 = arith.constant 0 : i32
    %dma_wait3A_158 = tpu.memref_slice %arg2[%arg0, %add3A_143, %dma_wait3A_157] : memref<2x160000x128xf32, #tpu.memory_space<hbm>> -> memref<1x80x128xf32, #tpu.memory_space<hbm>>
    %dma_wait3A_159 = tpu.memref_squeeze %dma_wait3A_158 : memref<1x80x128xf32, #tpu.memory_space<hbm>> -> memref<80x128xf32, #tpu.memory_space<hbm>>
    tpu.wait_dma2 semaphore(%arg8 : memref<!tpu.dma_semaphore, #tpu.memory_space<semaphore_mem>>) src(%dma_wait3A_159 : memref<80x128xf32, #tpu.memory_space<hbm>>) dst(%dma_wait3A_156 : memref<80x128xf32, #tpu.memory_space<vmem>>)
    %dma_wait3A_160 = arith.constant 0 : i32
    %dma_wait3A_161 = arith.constant 0 : i32
    %dma_wait3A_162 = arith.constant 0 : i32
    %dma_wait3A_163 = tpu.memref_slice %arg6[%dma_wait3A_160, %dma_wait3A_161, %dma_wait3A_162] : memref<4x1x80xi32, #tpu.memory_space<vmem>> -> memref<1x1x80xi32, #tpu.memory_space<vmem>>
    %dma_wait3A_164 = tpu.memref_squeeze %dma_wait3A_163 : memref<1x1x80xi32, #tpu.memory_space<vmem>> -> memref<1x80xi32, #tpu.memory_space<vmem>>
    %dma_wait3A_165 = arith.constant 0 : i32
    %dma_wait3A_166 = arith.constant 0 : i32
    %dma_wait3A_167 = tpu.memref_slice %arg3[%arg0, %add3A_145, %dma_wait3A_165, %dma_wait3A_166] : memref<2x2000x1x80xi32, #tpu.memory_space<hbm>> -> memref<1x1x1x80xi32, #tpu.memory_space<hbm>>
    %dma_wait3A_168 = tpu.memref_squeeze %dma_wait3A_167 : memref<1x1x1x80xi32, #tpu.memory_space<hbm>> -> memref<1x80xi32, #tpu.memory_space<hbm>>
    %dma_wait3A_169 = arith.constant 0 : i32
    %dma_wait3A_170 = arith.constant 0 : i32
    %dma_wait3A_171 = tpu.memref_slice %arg6[%dma_wait3A_160, %dma_wait3A_169, %dma_wait3A_170] : memref<4x1x80xi32, #tpu.memory_space<vmem>> -> memref<1x1x80xi32, #tpu.memory_space<vmem>>
    %dma_wait3A_172 = tpu.memref_squeeze %dma_wait3A_171 : memref<1x1x80xi32, #tpu.memory_space<vmem>> -> memref<1x80xi32, #tpu.memory_space<vmem>>
    %dma_wait3A_173 = arith.constant 0 : i32
    %dma_wait3A_174 = arith.constant 0 : i32
    %dma_wait3A_175 = tpu.memref_slice %arg3[%arg0, %add3A_145, %dma_wait3A_173, %dma_wait3A_174] : memref<2x2000x1x80xi32, #tpu.memory_space<hbm>> -> memref<1x1x1x80xi32, #tpu.memory_space<hbm>>
    %dma_wait3A_176 = tpu.memref_squeeze %dma_wait3A_175 : memref<1x1x1x80xi32, #tpu.memory_space<hbm>> -> memref<1x80xi32, #tpu.memory_space<hbm>>
    tpu.wait_dma2 semaphore(%arg8 : memref<!tpu.dma_semaphore, #tpu.memory_space<semaphore_mem>>) src(%dma_wait3A_176 : memref<1x80xi32, #tpu.memory_space<hbm>>) dst(%dma_wait3A_172 : memref<1x80xi32, #tpu.memory_space<vmem>>)
    %dma_start3A_177 = arith.constant 0 : i32
    %dma_start3A_178 = arith.constant 0 : i32
    %dma_start3A_179 = arith.constant 0 : i32
    %dma_start3A_180 = arith.constant 0 : i32
    %dma_start3A_181 = arith.constant 0 : i32
    %dma_start3A_182 = tpu.memref_slice %arg5[%dma_start3A_177, %dma_start3A_180, %dma_start3A_181] : memref<4x80x128xf32, #tpu.memory_space<vmem>> -> memref<1x80x128xf32, #tpu.memory_space<vmem>>
    %dma_start3A_183 = tpu.memref_squeeze %dma_start3A_182 : memref<1x80x128xf32, #tpu.memory_space<vmem>> -> memref<80x128xf32, #tpu.memory_space<vmem>>
    %dma_start3A_184 = arith.constant 0 : i32
    %dma_start3A_185 = tpu.memref_slice %arg6[%dma_start3A_178, %dma_start3A_179, %dma_start3A_184] : memref<4x1x80xi32, #tpu.memory_space<vmem>> -> memref<1x1x80xi32, #tpu.memory_space<vmem>>
    %dma_start3A_186 = tpu.memref_squeeze %dma_start3A_185 : memref<1x1x80xi32, #tpu.memory_space<vmem>> -> memref<80xi32, #tpu.memory_space<vmem>>
    %dma_start3A_187 = arith.constant 0 : i32
    %dma_start3A_188 = arith.constant 0 : i32
    %dma_start3A_189 = tpu.memref_slice %arg7[%dma_start3A_187, %dma_start3A_188] : memref<10000x128xf32, #tpu.memory_space<vmem_shared>> -> memref<10000x128xf32, #tpu.memory_space<vmem_shared>>
    tpu.enqueue_indirect_dma source(%dma_start3A_183 : memref<80x128xf32, #tpu.memory_space<vmem>>) target(%dma_start3A_189 : memref<10000x128xf32, #tpu.memory_space<vmem_shared>>) offsets(%dma_start3A_186 : memref<80xi32, #tpu.memory_space<vmem>>) semaphore(%arg9 : memref<!tpu.dma_semaphore, #tpu.memory_space<semaphore_mem>>) {add = true}
    %add3A_190 = arith.constant 240 : i32
    %add3A_191 = arith.addi %mul3A_6, %add3A_190 : i32
    %add3A_192 = arith.constant 3 : i32
    %add3A_193 = arith.addi %mul3A_2, %add3A_192 : i32
    %dma_start3A_194 = arith.constant 3 : i32
    %dma_start3A_195 = arith.constant 0 : i32
    %dma_start3A_196 = arith.constant 0 : i32
    %dma_start3A_197 = tpu.memref_slice %arg5[%dma_start3A_194, %dma_start3A_195, %dma_start3A_196] : memref<4x80x128xf32, #tpu.memory_space<vmem>> -> memref<1x80x128xf32, #tpu.memory_space<vmem>>
    %dma_start3A_198 = tpu.memref_squeeze %dma_start3A_197 : memref<1x80x128xf32, #tpu.memory_space<vmem>> -> memref<80x128xf32, #tpu.memory_space<vmem>>
    %dma_start3A_199 = arith.constant 0 : i32
    %dma_start3A_200 = tpu.memref_slice %arg2[%arg0, %add3A_191, %dma_start3A_199] : memref<2x160000x128xf32, #tpu.memory_space<hbm>> -> memref<1x80x128xf32, #tpu.memory_space<hbm>>
    %dma_start3A_201 = tpu.memref_squeeze %dma_start3A_200 : memref<1x80x128xf32, #tpu.memory_space<hbm>> -> memref<80x128xf32, #tpu.memory_space<hbm>>
    %dma_start3A_202 = arith.constant 0 : i32
    %dma_start3A_203 = arith.constant 0 : i32
    %dma_start3A_204 = tpu.memref_slice %arg5[%dma_start3A_194, %dma_start3A_202, %dma_start3A_203] : memref<4x80x128xf32, #tpu.memory_space<vmem>> -> memref<1x80x128xf32, #tpu.memory_space<vmem>>
    %dma_start3A_205 = tpu.memref_squeeze %dma_start3A_204 : memref<1x80x128xf32, #tpu.memory_space<vmem>> -> memref<80x128xf32, #tpu.memory_space<vmem>>
    %dma_start3A_206 = arith.constant 0 : i32
    %dma_start3A_207 = tpu.memref_slice %arg2[%arg0, %add3A_191, %dma_start3A_206] : memref<2x160000x128xf32, #tpu.memory_space<hbm>> -> memref<1x80x128xf32, #tpu.memory_space<hbm>>
    %dma_start3A_208 = tpu.memref_squeeze %dma_start3A_207 : memref<1x80x128xf32, #tpu.memory_space<hbm>> -> memref<80x128xf32, #tpu.memory_space<hbm>>
    tpu.enqueue_dma source(%dma_start3A_208 : memref<80x128xf32, #tpu.memory_space<hbm>>) target(%dma_start3A_205 : memref<80x128xf32, #tpu.memory_space<vmem>>) target_semaphore(%arg8 : memref<!tpu.dma_semaphore, #tpu.memory_space<semaphore_mem>>)
    %dma_start3A_209 = arith.constant 3 : i32
    %dma_start3A_210 = arith.constant 0 : i32
    %dma_start3A_211 = arith.constant 0 : i32
    %dma_start3A_212 = tpu.memref_slice %arg6[%dma_start3A_209, %dma_start3A_210, %dma_start3A_211] : memref<4x1x80xi32, #tpu.memory_space<vmem>> -> memref<1x1x80xi32, #tpu.memory_space<vmem>>
    %dma_start3A_213 = tpu.memref_squeeze %dma_start3A_212 : memref<1x1x80xi32, #tpu.memory_space<vmem>> -> memref<1x80xi32, #tpu.memory_space<vmem>>
    %dma_start3A_214 = arith.constant 0 : i32
    %dma_start3A_215 = arith.constant 0 : i32
    %dma_start3A_216 = tpu.memref_slice %arg3[%arg0, %add3A_193, %dma_start3A_214, %dma_start3A_215] : memref<2x2000x1x80xi32, #tpu.memory_space<hbm>> -> memref<1x1x1x80xi32, #tpu.memory_space<hbm>>
    %dma_start3A_217 = tpu.memref_squeeze %dma_start3A_216 : memref<1x1x1x80xi32, #tpu.memory_space<hbm>> -> memref<1x80xi32, #tpu.memory_space<hbm>>
    %dma_start3A_218 = arith.constant 0 : i32
    %dma_start3A_219 = arith.constant 0 : i32
    %dma_start3A_220 = tpu.memref_slice %arg6[%dma_start3A_209, %dma_start3A_218, %dma_start3A_219] : memref<4x1x80xi32, #tpu.memory_space<vmem>> -> memref<1x1x80xi32, #tpu.memory_space<vmem>>
    %dma_start3A_221 = tpu.memref_squeeze %dma_start3A_220 : memref<1x1x80xi32, #tpu.memory_space<vmem>> -> memref<1x80xi32, #tpu.memory_space<vmem>>
    %dma_start3A_222 = arith.constant 0 : i32
    %dma_start3A_223 = arith.constant 0 : i32
    %dma_start3A_224 = tpu.memref_slice %arg3[%arg0, %add3A_193, %dma_start3A_222, %dma_start3A_223] : memref<2x2000x1x80xi32, #tpu.memory_space<hbm>> -> memref<1x1x1x80xi32, #tpu.memory_space<hbm>>
    %dma_start3A_225 = tpu.memref_squeeze %dma_start3A_224 : memref<1x1x1x80xi32, #tpu.memory_space<hbm>> -> memref<1x80xi32, #tpu.memory_space<hbm>>
    tpu.enqueue_dma source(%dma_start3A_225 : memref<1x80xi32, #tpu.memory_space<hbm>>) target(%dma_start3A_221 : memref<1x80xi32, #tpu.memory_space<vmem>>) target_semaphore(%arg8 : memref<!tpu.dma_semaphore, #tpu.memory_space<semaphore_mem>>)
    %add3A_226 = arith.constant 80 : i32
    %add3A_227 = arith.addi %mul3A_6, %add3A_226 : i32
    %add3A_228 = arith.constant 1 : i32
    %add3A_229 = arith.addi %mul3A_2, %add3A_228 : i32
    %dma_wait3A_230 = arith.constant 1 : i32
    %dma_wait3A_231 = arith.constant 0 : i32
    %dma_wait3A_232 = arith.constant 0 : i32
    %dma_wait3A_233 = tpu.memref_slice %arg5[%dma_wait3A_230, %dma_wait3A_231, %dma_wait3A_232] : memref<4x80x128xf32, #tpu.memory_space<vmem>> -> memref<1x80x128xf32, #tpu.memory_space<vmem>>
    %dma_wait3A_234 = tpu.memref_squeeze %dma_wait3A_233 : memref<1x80x128xf32, #tpu.memory_space<vmem>> -> memref<80x128xf32, #tpu.memory_space<vmem>>
    %dma_wait3A_235 = arith.constant 0 : i32
    %dma_wait3A_236 = tpu.memref_slice %arg2[%arg0, %add3A_227, %dma_wait3A_235] : memref<2x160000x128xf32, #tpu.memory_space<hbm>> -> memref<1x80x128xf32, #tpu.memory_space<hbm>>
    %dma_wait3A_237 = tpu.memref_squeeze %dma_wait3A_236 : memref<1x80x128xf32, #tpu.memory_space<hbm>> -> memref<80x128xf32, #tpu.memory_space<hbm>>
    %dma_wait3A_238 = arith.constant 0 : i32
    %dma_wait3A_239 = arith.constant 0 : i32
    %dma_wait3A_240 = tpu.memref_slice %arg5[%dma_wait3A_230, %dma_wait3A_238, %dma_wait3A_239] : memref<4x80x128xf32, #tpu.memory_space<vmem>> -> memref<1x80x128xf32, #tpu.memory_space<vmem>>
    %dma_wait3A_241 = tpu.memref_squeeze %dma_wait3A_240 : memref<1x80x128xf32, #tpu.memory_space<vmem>> -> memref<80x128xf32, #tpu.memory_space<vmem>>
    %dma_wait3A_242 = arith.constant 0 : i32
    %dma_wait3A_243 = tpu.memref_slice %arg2[%arg0, %add3A_227, %dma_wait3A_242] : memref<2x160000x128xf32, #tpu.memory_space<hbm>> -> memref<1x80x128xf32, #tpu.memory_space<hbm>>
    %dma_wait3A_244 = tpu.memref_squeeze %dma_wait3A_243 : memref<1x80x128xf32, #tpu.memory_space<hbm>> -> memref<80x128xf32, #tpu.memory_space<hbm>>
    tpu.wait_dma2 semaphore(%arg8 : memref<!tpu.dma_semaphore, #tpu.memory_space<semaphore_mem>>) src(%dma_wait3A_244 : memref<80x128xf32, #tpu.memory_space<hbm>>) dst(%dma_wait3A_241 : memref<80x128xf32, #tpu.memory_space<vmem>>)
    %dma_wait3A_245 = arith.constant 1 : i32
    %dma_wait3A_246 = arith.constant 0 : i32
    %dma_wait3A_247 = arith.constant 0 : i32
    %dma_wait3A_248 = tpu.memref_slice %arg6[%dma_wait3A_245, %dma_wait3A_246, %dma_wait3A_247] : memref<4x1x80xi32, #tpu.memory_space<vmem>> -> memref<1x1x80xi32, #tpu.memory_space<vmem>>
    %dma_wait3A_249 = tpu.memref_squeeze %dma_wait3A_248 : memref<1x1x80xi32, #tpu.memory_space<vmem>> -> memref<1x80xi32, #tpu.memory_space<vmem>>
    %dma_wait3A_250 = arith.constant 0 : i32
    %dma_wait3A_251 = arith.constant 0 : i32
    %dma_wait3A_252 = tpu.memref_slice %arg3[%arg0, %add3A_229, %dma_wait3A_250, %dma_wait3A_251] : memref<2x2000x1x80xi32, #tpu.memory_space<hbm>> -> memref<1x1x1x80xi32, #tpu.memory_space<hbm>>
    %dma_wait3A_253 = tpu.memref_squeeze %dma_wait3A_252 : memref<1x1x1x80xi32, #tpu.memory_space<hbm>> -> memref<1x80xi32, #tpu.memory_space<hbm>>
    %dma_wait3A_254 = arith.constant 0 : i32
    %dma_wait3A_255 = arith.constant 0 : i32
    %dma_wait3A_256 = tpu.memref_slice %arg6[%dma_wait3A_245, %dma_wait3A_254, %dma_wait3A_255] : memref<4x1x80xi32, #tpu.memory_space<vmem>> -> memref<1x1x80xi32, #tpu.memory_space<vmem>>
    %dma_wait3A_257 = tpu.memref_squeeze %dma_wait3A_256 : memref<1x1x80xi32, #tpu.memory_space<vmem>> -> memref<1x80xi32, #tpu.memory_space<vmem>>
    %dma_wait3A_258 = arith.constant 0 : i32
    %dma_wait3A_259 = arith.constant 0 : i32
    %dma_wait3A_260 = tpu.memref_slice %arg3[%arg0, %add3A_229, %dma_wait3A_258, %dma_wait3A_259] : memref<2x2000x1x80xi32, #tpu.memory_space<hbm>> -> memref<1x1x1x80xi32, #tpu.memory_space<hbm>>
    %dma_wait3A_261 = tpu.memref_squeeze %dma_wait3A_260 : memref<1x1x1x80xi32, #tpu.memory_space<hbm>> -> memref<1x80xi32, #tpu.memory_space<hbm>>
    tpu.wait_dma2 semaphore(%arg8 : memref<!tpu.dma_semaphore, #tpu.memory_space<semaphore_mem>>) src(%dma_wait3A_261 : memref<1x80xi32, #tpu.memory_space<hbm>>) dst(%dma_wait3A_257 : memref<1x80xi32, #tpu.memory_space<vmem>>)
    %dma_start3A_262 = arith.constant 1 : i32
    %dma_start3A_263 = arith.constant 1 : i32
    %dma_start3A_264 = arith.constant 0 : i32
    %dma_start3A_265 = arith.constant 0 : i32
    %dma_start3A_266 = arith.constant 0 : i32
    %dma_start3A_267 = tpu.memref_slice %arg5[%dma_start3A_262, %dma_start3A_265, %dma_start3A_266] : memref<4x80x128xf32, #tpu.memory_space<vmem>> -> memref<1x80x128xf32, #tpu.memory_space<vmem>>
    %dma_start3A_268 = tpu.memref_squeeze %dma_start3A_267 : memref<1x80x128xf32, #tpu.memory_space<vmem>> -> memref<80x128xf32, #tpu.memory_space<vmem>>
    %dma_start3A_269 = arith.constant 0 : i32
    %dma_start3A_270 = tpu.memref_slice %arg6[%dma_start3A_263, %dma_start3A_264, %dma_start3A_269] : memref<4x1x80xi32, #tpu.memory_space<vmem>> -> memref<1x1x80xi32, #tpu.memory_space<vmem>>
    %dma_start3A_271 = tpu.memref_squeeze %dma_start3A_270 : memref<1x1x80xi32, #tpu.memory_space<vmem>> -> memref<80xi32, #tpu.memory_space<vmem>>
    %dma_start3A_272 = arith.constant 0 : i32
    %dma_start3A_273 = arith.constant 0 : i32
    %dma_start3A_274 = tpu.memref_slice %arg7[%dma_start3A_272, %dma_start3A_273] : memref<10000x128xf32, #tpu.memory_space<vmem_shared>> -> memref<10000x128xf32, #tpu.memory_space<vmem_shared>>
    tpu.enqueue_indirect_dma source(%dma_start3A_268 : memref<80x128xf32, #tpu.memory_space<vmem>>) target(%dma_start3A_274 : memref<10000x128xf32, #tpu.memory_space<vmem_shared>>) offsets(%dma_start3A_271 : memref<80xi32, #tpu.memory_space<vmem>>) semaphore(%arg9 : memref<!tpu.dma_semaphore, #tpu.memory_space<semaphore_mem>>) {add = true}
    %dma_wait3A_275 = arith.constant 0 : i32
    %dma_wait3A_276 = arith.constant 0 : i32
    %dma_wait3A_277 = arith.constant 0 : i32
    %dma_wait3A_278 = arith.constant 0 : i32
    %dma_wait3A_279 = arith.constant 0 : i32
    %dma_wait3A_280 = tpu.memref_slice %arg5[%dma_wait3A_275, %dma_wait3A_278, %dma_wait3A_279] : memref<4x80x128xf32, #tpu.memory_space<vmem>> -> memref<1x80x128xf32, #tpu.memory_space<vmem>>
    %dma_wait3A_281 = tpu.memref_squeeze %dma_wait3A_280 : memref<1x80x128xf32, #tpu.memory_space<vmem>> -> memref<80x128xf32, #tpu.memory_space<vmem>>
    %dma_wait3A_282 = arith.constant 0 : i32
    %dma_wait3A_283 = tpu.memref_slice %arg6[%dma_wait3A_276, %dma_wait3A_277, %dma_wait3A_282] : memref<4x1x80xi32, #tpu.memory_space<vmem>> -> memref<1x1x80xi32, #tpu.memory_space<vmem>>
    %dma_wait3A_284 = tpu.memref_squeeze %dma_wait3A_283 : memref<1x1x80xi32, #tpu.memory_space<vmem>> -> memref<80xi32, #tpu.memory_space<vmem>>
    %dma_wait3A_285 = arith.constant 0 : i32
    %dma_wait3A_286 = arith.constant 0 : i32
    %dma_wait3A_287 = tpu.memref_slice %arg7[%dma_wait3A_285, %dma_wait3A_286] : memref<10000x128xf32, #tpu.memory_space<vmem_shared>> -> memref<10000x128xf32, #tpu.memory_space<vmem_shared>>
    tpu.wait_indirect_dma semaphore(%arg9 : memref<!tpu.dma_semaphore, #tpu.memory_space<semaphore_mem>>) src(%dma_wait3A_281 : memref<80x128xf32, #tpu.memory_space<vmem>>) dst(%dma_wait3A_287 : memref<10000x128xf32, #tpu.memory_space<vmem_shared>>)
    %add3A_288 = arith.constant 320 : i32
    %add3A_289 = arith.addi %mul3A_6, %add3A_288 : i32
    %add3A_290 = arith.constant 4 : i32
    %add3A_291 = arith.addi %mul3A_2, %add3A_290 : i32
    %dma_start3A_292 = arith.constant 0 : i32
    %dma_start3A_293 = arith.constant 0 : i32
    %dma_start3A_294 = arith.constant 0 : i32
    %dma_start3A_295 = tpu.memref_slice %arg5[%dma_start3A_292, %dma_start3A_293, %dma_start3A_294] : memref<4x80x128xf32, #tpu.memory_space<vmem>> -> memref<1x80x128xf32, #tpu.memory_space<vmem>>
    %dma_start3A_296 = tpu.memref_squeeze %dma_start3A_295 : memref<1x80x128xf32, #tpu.memory_space<vmem>> -> memref<80x128xf32, #tpu.memory_space<vmem>>
    %dma_start3A_297 = arith.constant 0 : i32
    %dma_start3A_298 = tpu.memref_slice %arg2[%arg0, %add3A_289, %dma_start3A_297] : memref<2x160000x128xf32, #tpu.memory_space<hbm>> -> memref<1x80x128xf32, #tpu.memory_space<hbm>>
    %dma_start3A_299 = tpu.memref_squeeze %dma_start3A_298 : memref<1x80x128xf32, #tpu.memory_space<hbm>> -> memref<80x128xf32, #tpu.memory_space<hbm>>
    %dma_start3A_300 = arith.constant 0 : i32
    %dma_start3A_301 = arith.constant 0 : i32
    %dma_start3A_302 = tpu.memref_slice %arg5[%dma_start3A_292, %dma_start3A_300, %dma_start3A_301] : memref<4x80x128xf32, #tpu.memory_space<vmem>> -> memref<1x80x128xf32, #tpu.memory_space<vmem>>
    %dma_start3A_303 = tpu.memref_squeeze %dma_start3A_302 : memref<1x80x128xf32, #tpu.memory_space<vmem>> -> memref<80x128xf32, #tpu.memory_space<vmem>>
    %dma_start3A_304 = arith.constant 0 : i32
    %dma_start3A_305 = tpu.memref_slice %arg2[%arg0, %add3A_289, %dma_start3A_304] : memref<2x160000x128xf32, #tpu.memory_space<hbm>> -> memref<1x80x128xf32, #tpu.memory_space<hbm>>
    %dma_start3A_306 = tpu.memref_squeeze %dma_start3A_305 : memref<1x80x128xf32, #tpu.memory_space<hbm>> -> memref<80x128xf32, #tpu.memory_space<hbm>>
    tpu.enqueue_dma source(%dma_start3A_306 : memref<80x128xf32, #tpu.memory_space<hbm>>) target(%dma_start3A_303 : memref<80x128xf32, #tpu.memory_space<vmem>>) target_semaphore(%arg8 : memref<!tpu.dma_semaphore, #tpu.memory_space<semaphore_mem>>)
    %dma_start3A_307 = arith.constant 0 : i32
    %dma_start3A_308 = arith.constant 0 : i32
    %dma_start3A_309 = arith.constant 0 : i32
    %dma_start3A_310 = tpu.memref_slice %arg6[%dma_start3A_307, %dma_start3A_308, %dma_start3A_309] : memref<4x1x80xi32, #tpu.memory_space<vmem>> -> memref<1x1x80xi32, #tpu.memory_space<vmem>>
    %dma_start3A_311 = tpu.memref_squeeze %dma_start3A_310 : memref<1x1x80xi32, #tpu.memory_space<vmem>> -> memref<1x80xi32, #tpu.memory_space<vmem>>
    %dma_start3A_312 = arith.constant 0 : i32
    %dma_start3A_313 = arith.constant 0 : i32
    %dma_start3A_314 = tpu.memref_slice %arg3[%arg0, %add3A_291, %dma_start3A_312, %dma_start3A_313] : memref<2x2000x1x80xi32, #tpu.memory_space<hbm>> -> memref<1x1x1x80xi32, #tpu.memory_space<hbm>>
    %dma_start3A_315 = tpu.memref_squeeze %dma_start3A_314 : memref<1x1x1x80xi32, #tpu.memory_space<hbm>> -> memref<1x80xi32, #tpu.memory_space<hbm>>
    %dma_start3A_316 = arith.constant 0 : i32
    %dma_start3A_317 = arith.constant 0 : i32
    %dma_start3A_318 = tpu.memref_slice %arg6[%dma_start3A_307, %dma_start3A_316, %dma_start3A_317] : memref<4x1x80xi32, #tpu.memory_space<vmem>> -> memref<1x1x80xi32, #tpu.memory_space<vmem>>
    %dma_start3A_319 = tpu.memref_squeeze %dma_start3A_318 : memref<1x1x80xi32, #tpu.memory_space<vmem>> -> memref<1x80xi32, #tpu.memory_space<vmem>>
    %dma_start3A_320 = arith.constant 0 : i32
    %dma_start3A_321 = arith.constant 0 : i32
    %dma_start3A_322 = tpu.memref_slice %arg3[%arg0, %add3A_291, %dma_start3A_320, %dma_start3A_321] : memref<2x2000x1x80xi32, #tpu.memory_space<hbm>> -> memref<1x1x1x80xi32, #tpu.memory_space<hbm>>
    %dma_start3A_323 = tpu.memref_squeeze %dma_start3A_322 : memref<1x1x1x80xi32, #tpu.memory_space<hbm>> -> memref<1x80xi32, #tpu.memory_space<hbm>>
    tpu.enqueue_dma source(%dma_start3A_323 : memref<1x80xi32, #tpu.memory_space<hbm>>) target(%dma_start3A_319 : memref<1x80xi32, #tpu.memory_space<vmem>>) target_semaphore(%arg8 : memref<!tpu.dma_semaphore, #tpu.memory_space<semaphore_mem>>)
    %add3A_324 = arith.constant 160 : i32
    %add3A_325 = arith.addi %mul3A_6, %add3A_324 : i32
    %add3A_326 = arith.constant 2 : i32
    %add3A_327 = arith.addi %mul3A_2, %add3A_326 : i32
    %dma_wait3A_328 = arith.constant 2 : i32
    %dma_wait3A_329 = arith.constant 0 : i32
    %dma_wait3A_330 = arith.constant 0 : i32
    %dma_wait3A_331 = tpu.memref_slice %arg5[%dma_wait3A_328, %dma_wait3A_329, %dma_wait3A_330] : memref<4x80x128xf32, #tpu.memory_space<vmem>> -> memref<1x80x128xf32, #tpu.memory_space<vmem>>
    %dma_wait3A_332 = tpu.memref_squeeze %dma_wait3A_331 : memref<1x80x128xf32, #tpu.memory_space<vmem>> -> memref<80x128xf32, #tpu.memory_space<vmem>>
    %dma_wait3A_333 = arith.constant 0 : i32
    %dma_wait3A_334 = tpu.memref_slice %arg2[%arg0, %add3A_325, %dma_wait3A_333] : memref<2x160000x128xf32, #tpu.memory_space<hbm>> -> memref<1x80x128xf32, #tpu.memory_space<hbm>>
    %dma_wait3A_335 = tpu.memref_squeeze %dma_wait3A_334 : memref<1x80x128xf32, #tpu.memory_space<hbm>> -> memref<80x128xf32, #tpu.memory_space<hbm>>
    %dma_wait3A_336 = arith.constant 0 : i32
    %dma_wait3A_337 = arith.constant 0 : i32
    %dma_wait3A_338 = tpu.memref_slice %arg5[%dma_wait3A_328, %dma_wait3A_336, %dma_wait3A_337] : memref<4x80x128xf32, #tpu.memory_space<vmem>> -> memref<1x80x128xf32, #tpu.memory_space<vmem>>
    %dma_wait3A_339 = tpu.memref_squeeze %dma_wait3A_338 : memref<1x80x128xf32, #tpu.memory_space<vmem>> -> memref<80x128xf32, #tpu.memory_space<vmem>>
    %dma_wait3A_340 = arith.constant 0 : i32
    %dma_wait3A_341 = tpu.memref_slice %arg2[%arg0, %add3A_325, %dma_wait3A_340] : memref<2x160000x128xf32, #tpu.memory_space<hbm>> -> memref<1x80x128xf32, #tpu.memory_space<hbm>>
    %dma_wait3A_342 = tpu.memref_squeeze %dma_wait3A_341 : memref<1x80x128xf32, #tpu.memory_space<hbm>> -> memref<80x128xf32, #tpu.memory_space<hbm>>
    tpu.wait_dma2 semaphore(%arg8 : memref<!tpu.dma_semaphore, #tpu.memory_space<semaphore_mem>>) src(%dma_wait3A_342 : memref<80x128xf32, #tpu.memory_space<hbm>>) dst(%dma_wait3A_339 : memref<80x128xf32, #tpu.memory_space<vmem>>)
    %dma_wait3A_343 = arith.constant 2 : i32
    %dma_wait3A_344 = arith.constant 0 : i32
    %dma_wait3A_345 = arith.constant 0 : i32
    %dma_wait3A_346 = tpu.memref_slice %arg6[%dma_wait3A_343, %dma_wait3A_344, %dma_wait3A_345] : memref<4x1x80xi32, #tpu.memory_space<vmem>> -> memref<1x1x80xi32, #tpu.memory_space<vmem>>
    %dma_wait3A_347 = tpu.memref_squeeze %dma_wait3A_346 : memref<1x1x80xi32, #tpu.memory_space<vmem>> -> memref<1x80xi32, #tpu.memory_space<vmem>>
    %dma_wait3A_348 = arith.constant 0 : i32
    %dma_wait3A_349 = arith.constant 0 : i32
    %dma_wait3A_350 = tpu.memref_slice %arg3[%arg0, %add3A_327, %dma_wait3A_348, %dma_wait3A_349] : memref<2x2000x1x80xi32, #tpu.memory_space<hbm>> -> memref<1x1x1x80xi32, #tpu.memory_space<hbm>>
    %dma_wait3A_351 = tpu.memref_squeeze %dma_wait3A_350 : memref<1x1x1x80xi32, #tpu.memory_space<hbm>> -> memref<1x80xi32, #tpu.memory_space<hbm>>
    %dma_wait3A_352 = arith.constant 0 : i32
    %dma_wait3A_353 = arith.constant 0 : i32
    %dma_wait3A_354 = tpu.memref_slice %arg6[%dma_wait3A_343, %dma_wait3A_352, %dma_wait3A_353] : memref<4x1x80xi32, #tpu.memory_space<vmem>> -> memref<1x1x80xi32, #tpu.memory_space<vmem>>
    %dma_wait3A_355 = tpu.memref_squeeze %dma_wait3A_354 : memref<1x1x80xi32, #tpu.memory_space<vmem>> -> memref<1x80xi32, #tpu.memory_space<vmem>>
    %dma_wait3A_356 = arith.constant 0 : i32
    %dma_wait3A_357 = arith.constant 0 : i32
    %dma_wait3A_358 = tpu.memref_slice %arg3[%arg0, %add3A_327, %dma_wait3A_356, %dma_wait3A_357] : memref<2x2000x1x80xi32, #tpu.memory_space<hbm>> -> memref<1x1x1x80xi32, #tpu.memory_space<hbm>>
    %dma_wait3A_359 = tpu.memref_squeeze %dma_wait3A_358 : memref<1x1x1x80xi32, #tpu.memory_space<hbm>> -> memref<1x80xi32, #tpu.memory_space<hbm>>
    tpu.wait_dma2 semaphore(%arg8 : memref<!tpu.dma_semaphore, #tpu.memory_space<semaphore_mem>>) src(%dma_wait3A_359 : memref<1x80xi32, #tpu.memory_space<hbm>>) dst(%dma_wait3A_355 : memref<1x80xi32, #tpu.memory_space<vmem>>)
    %dma_start3A_360 = arith.constant 2 : i32
    %dma_start3A_361 = arith.constant 2 : i32
    %dma_start3A_362 = arith.constant 0 : i32
    %dma_start3A_363 = arith.constant 0 : i32
    %dma_start3A_364 = arith.constant 0 : i32
    %dma_start3A_365 = tpu.memref_slice %arg5[%dma_start3A_360, %dma_start3A_363, %dma_start3A_364] : memref<4x80x128xf32, #tpu.memory_space<vmem>> -> memref<1x80x128xf32, #tpu.memory_space<vmem>>
    %dma_start3A_366 = tpu.memref_squeeze %dma_start3A_365 : memref<1x80x128xf32, #tpu.memory_space<vmem>> -> memref<80x128xf32, #tpu.memory_space<vmem>>
    %dma_start3A_367 = arith.constant 0 : i32
    %dma_start3A_368 = tpu.memref_slice %arg6[%dma_start3A_361, %dma_start3A_362, %dma_start3A_367] : memref<4x1x80xi32, #tpu.memory_space<vmem>> -> memref<1x1x80xi32, #tpu.memory_space<vmem>>
    %dma_start3A_369 = tpu.memref_squeeze %dma_start3A_368 : memref<1x1x80xi32, #tpu.memory_space<vmem>> -> memref<80xi32, #tpu.memory_space<vmem>>
    %dma_start3A_370 = arith.constant 0 : i32
    %dma_start3A_371 = arith.constant 0 : i32
    %dma_start3A_372 = tpu.memref_slice %arg7[%dma_start3A_370, %dma_start3A_371] : memref<10000x128xf32, #tpu.memory_space<vmem_shared>> -> memref<10000x128xf32, #tpu.memory_space<vmem_shared>>
    tpu.enqueue_indirect_dma source(%dma_start3A_366 : memref<80x128xf32, #tpu.memory_space<vmem>>) target(%dma_start3A_372 : memref<10000x128xf32, #tpu.memory_space<vmem_shared>>) offsets(%dma_start3A_369 : memref<80xi32, #tpu.memory_space<vmem>>) semaphore(%arg9 : memref<!tpu.dma_semaphore, #tpu.memory_space<semaphore_mem>>) {add = true}
    %dma_wait3A_373 = arith.constant 1 : i32
    %dma_wait3A_374 = arith.constant 1 : i32
    %dma_wait3A_375 = arith.constant 0 : i32
    %dma_wait3A_376 = arith.constant 0 : i32
    %dma_wait3A_377 = arith.constant 0 : i32
    %dma_wait3A_378 = tpu.memref_slice %arg5[%dma_wait3A_373, %dma_wait3A_376, %dma_wait3A_377] : memref<4x80x128xf32, #tpu.memory_space<vmem>> -> memref<1x80x128xf32, #tpu.memory_space<vmem>>
    %dma_wait3A_379 = tpu.memref_squeeze %dma_wait3A_378 : memref<1x80x128xf32, #tpu.memory_space<vmem>> -> memref<80x128xf32, #tpu.memory_space<vmem>>
    %dma_wait3A_380 = arith.constant 0 : i32
    %dma_wait3A_381 = tpu.memref_slice %arg6[%dma_wait3A_374, %dma_wait3A_375, %dma_wait3A_380] : memref<4x1x80xi32, #tpu.memory_space<vmem>> -> memref<1x1x80xi32, #tpu.memory_space<vmem>>
    %dma_wait3A_382 = tpu.memref_squeeze %dma_wait3A_381 : memref<1x1x80xi32, #tpu.memory_space<vmem>> -> memref<80xi32, #tpu.memory_space<vmem>>
    %dma_wait3A_383 = arith.constant 0 : i32
    %dma_wait3A_384 = arith.constant 0 : i32
    %dma_wait3A_385 = tpu.memref_slice %arg7[%dma_wait3A_383, %dma_wait3A_384] : memref<10000x128xf32, #tpu.memory_space<vmem_shared>> -> memref<10000x128xf32, #tpu.memory_space<vmem_shared>>
    tpu.wait_indirect_dma semaphore(%arg9 : memref<!tpu.dma_semaphore, #tpu.memory_space<semaphore_mem>>) src(%dma_wait3A_379 : memref<80x128xf32, #tpu.memory_space<vmem>>) dst(%dma_wait3A_385 : memref<10000x128xf32, #tpu.memory_space<vmem_shared>>)
    %add3A_386 = arith.constant 400 : i32
    %add3A_387 = arith.addi %mul3A_6, %add3A_386 : i32
    %add3A_388 = arith.constant 5 : i32
    %add3A_389 = arith.addi %mul3A_2, %add3A_388 : i32
    %dma_start3A_390 = arith.constant 1 : i32
    %dma_start3A_391 = arith.constant 0 : i32
    %dma_start3A_392 = arith.constant 0 : i32
    %dma_start3A_393 = tpu.memref_slice %arg5[%dma_start3A_390, %dma_start3A_391, %dma_start3A_392] : memref<4x80x128xf32, #tpu.memory_space<vmem>> -> memref<1x80x128xf32, #tpu.memory_space<vmem>>
    %dma_start3A_394 = tpu.memref_squeeze %dma_start3A_393 : memref<1x80x128xf32, #tpu.memory_space<vmem>> -> memref<80x128xf32, #tpu.memory_space<vmem>>
    %dma_start3A_395 = arith.constant 0 : i32
    %dma_start3A_396 = tpu.memref_slice %arg2[%arg0, %add3A_387, %dma_start3A_395] : memref<2x160000x128xf32, #tpu.memory_space<hbm>> -> memref<1x80x128xf32, #tpu.memory_space<hbm>>
    %dma_start3A_397 = tpu.memref_squeeze %dma_start3A_396 : memref<1x80x128xf32, #tpu.memory_space<hbm>> -> memref<80x128xf32, #tpu.memory_space<hbm>>
    %dma_start3A_398 = arith.constant 0 : i32
    %dma_start3A_399 = arith.constant 0 : i32
    %dma_start3A_400 = tpu.memref_slice %arg5[%dma_start3A_390, %dma_start3A_398, %dma_start3A_399] : memref<4x80x128xf32, #tpu.memory_space<vmem>> -> memref<1x80x128xf32, #tpu.memory_space<vmem>>
    %dma_start3A_401 = tpu.memref_squeeze %dma_start3A_400 : memref<1x80x128xf32, #tpu.memory_space<vmem>> -> memref<80x128xf32, #tpu.memory_space<vmem>>
    %dma_start3A_402 = arith.constant 0 : i32
    %dma_start3A_403 = tpu.memref_slice %arg2[%arg0, %add3A_387, %dma_start3A_402] : memref<2x160000x128xf32, #tpu.memory_space<hbm>> -> memref<1x80x128xf32, #tpu.memory_space<hbm>>
    %dma_start3A_404 = tpu.memref_squeeze %dma_start3A_403 : memref<1x80x128xf32, #tpu.memory_space<hbm>> -> memref<80x128xf32, #tpu.memory_space<hbm>>
    tpu.enqueue_dma source(%dma_start3A_404 : memref<80x128xf32, #tpu.memory_space<hbm>>) target(%dma_start3A_401 : memref<80x128xf32, #tpu.memory_space<vmem>>) target_semaphore(%arg8 : memref<!tpu.dma_semaphore, #tpu.memory_space<semaphore_mem>>)
    %dma_start3A_405 = arith.constant 1 : i32
    %dma_start3A_406 = arith.constant 0 : i32
    %dma_start3A_407 = arith.constant 0 : i32
    %dma_start3A_408 = tpu.memref_slice %arg6[%dma_start3A_405, %dma_start3A_406, %dma_start3A_407] : memref<4x1x80xi32, #tpu.memory_space<vmem>> -> memref<1x1x80xi32, #tpu.memory_space<vmem>>
    %dma_start3A_409 = tpu.memref_squeeze %dma_start3A_408 : memref<1x1x80xi32, #tpu.memory_space<vmem>> -> memref<1x80xi32, #tpu.memory_space<vmem>>
    %dma_start3A_410 = arith.constant 0 : i32
    %dma_start3A_411 = arith.constant 0 : i32
    %dma_start3A_412 = tpu.memref_slice %arg3[%arg0, %add3A_389, %dma_start3A_410, %dma_start3A_411] : memref<2x2000x1x80xi32, #tpu.memory_space<hbm>> -> memref<1x1x1x80xi32, #tpu.memory_space<hbm>>
    %dma_start3A_413 = tpu.memref_squeeze %dma_start3A_412 : memref<1x1x1x80xi32, #tpu.memory_space<hbm>> -> memref<1x80xi32, #tpu.memory_space<hbm>>
    %dma_start3A_414 = arith.constant 0 : i32
    %dma_start3A_415 = arith.constant 0 : i32
    %dma_start3A_416 = tpu.memref_slice %arg6[%dma_start3A_405, %dma_start3A_414, %dma_start3A_415] : memref<4x1x80xi32, #tpu.memory_space<vmem>> -> memref<1x1x80xi32, #tpu.memory_space<vmem>>
    %dma_start3A_417 = tpu.memref_squeeze %dma_start3A_416 : memref<1x1x80xi32, #tpu.memory_space<vmem>> -> memref<1x80xi32, #tpu.memory_space<vmem>>
    %dma_start3A_418 = arith.constant 0 : i32
    %dma_start3A_419 = arith.constant 0 : i32
    %dma_start3A_420 = tpu.memref_slice %arg3[%arg0, %add3A_389, %dma_start3A_418, %dma_start3A_419] : memref<2x2000x1x80xi32, #tpu.memory_space<hbm>> -> memref<1x1x1x80xi32, #tpu.memory_space<hbm>>
    %dma_start3A_421 = tpu.memref_squeeze %dma_start3A_420 : memref<1x1x1x80xi32, #tpu.memory_space<hbm>> -> memref<1x80xi32, #tpu.memory_space<hbm>>
    tpu.enqueue_dma source(%dma_start3A_421 : memref<1x80xi32, #tpu.memory_space<hbm>>) target(%dma_start3A_417 : memref<1x80xi32, #tpu.memory_space<vmem>>) target_semaphore(%arg8 : memref<!tpu.dma_semaphore, #tpu.memory_space<semaphore_mem>>)
    %add3A_422 = arith.constant 240 : i32
    %add3A_423 = arith.addi %mul3A_6, %add3A_422 : i32
    %add3A_424 = arith.constant 3 : i32
    %add3A_425 = arith.addi %mul3A_2, %add3A_424 : i32
    %dma_wait3A_426 = arith.constant 3 : i32
    %dma_wait3A_427 = arith.constant 0 : i32
    %dma_wait3A_428 = arith.constant 0 : i32
    %dma_wait3A_429 = tpu.memref_slice %arg5[%dma_wait3A_426, %dma_wait3A_427, %dma_wait3A_428] : memref<4x80x128xf32, #tpu.memory_space<vmem>> -> memref<1x80x128xf32, #tpu.memory_space<vmem>>
    %dma_wait3A_430 = tpu.memref_squeeze %dma_wait3A_429 : memref<1x80x128xf32, #tpu.memory_space<vmem>> -> memref<80x128xf32, #tpu.memory_space<vmem>>
    %dma_wait3A_431 = arith.constant 0 : i32
    %dma_wait3A_432 = tpu.memref_slice %arg2[%arg0, %add3A_423, %dma_wait3A_431] : memref<2x160000x128xf32, #tpu.memory_space<hbm>> -> memref<1x80x128xf32, #tpu.memory_space<hbm>>
    %dma_wait3A_433 = tpu.memref_squeeze %dma_wait3A_432 : memref<1x80x128xf32, #tpu.memory_space<hbm>> -> memref<80x128xf32, #tpu.memory_space<hbm>>
    %dma_wait3A_434 = arith.constant 0 : i32
    %dma_wait3A_435 = arith.constant 0 : i32
    %dma_wait3A_436 = tpu.memref_slice %arg5[%dma_wait3A_426, %dma_wait3A_434, %dma_wait3A_435] : memref<4x80x128xf32, #tpu.memory_space<vmem>> -> memref<1x80x128xf32, #tpu.memory_space<vmem>>
    %dma_wait3A_437 = tpu.memref_squeeze %dma_wait3A_436 : memref<1x80x128xf32, #tpu.memory_space<vmem>> -> memref<80x128xf32, #tpu.memory_space<vmem>>
    %dma_wait3A_438 = arith.constant 0 : i32
    %dma_wait3A_439 = tpu.memref_slice %arg2[%arg0, %add3A_423, %dma_wait3A_438] : memref<2x160000x128xf32, #tpu.memory_space<hbm>> -> memref<1x80x128xf32, #tpu.memory_space<hbm>>
    %dma_wait3A_440 = tpu.memref_squeeze %dma_wait3A_439 : memref<1x80x128xf32, #tpu.memory_space<hbm>> -> memref<80x128xf32, #tpu.memory_space<hbm>>
    tpu.wait_dma2 semaphore(%arg8 : memref<!tpu.dma_semaphore, #tpu.memory_space<semaphore_mem>>) src(%dma_wait3A_440 : memref<80x128xf32, #tpu.memory_space<hbm>>) dst(%dma_wait3A_437 : memref<80x128xf32, #tpu.memory_space<vmem>>)
    %dma_wait3A_441 = arith.constant 3 : i32
    %dma_wait3A_442 = arith.constant 0 : i32
    %dma_wait3A_443 = arith.constant 0 : i32
    %dma_wait3A_444 = tpu.memref_slice %arg6[%dma_wait3A_441, %dma_wait3A_442, %dma_wait3A_443] : memref<4x1x80xi32, #tpu.memory_space<vmem>> -> memref<1x1x80xi32, #tpu.memory_space<vmem>>
    %dma_wait3A_445 = tpu.memref_squeeze %dma_wait3A_444 : memref<1x1x80xi32, #tpu.memory_space<vmem>> -> memref<1x80xi32, #tpu.memory_space<vmem>>
    %dma_wait3A_446 = arith.constant 0 : i32
    %dma_wait3A_447 = arith.constant 0 : i32
    %dma_wait3A_448 = tpu.memref_slice %arg3[%arg0, %add3A_425, %dma_wait3A_446, %dma_wait3A_447] : memref<2x2000x1x80xi32, #tpu.memory_space<hbm>> -> memref<1x1x1x80xi32, #tpu.memory_space<hbm>>
    %dma_wait3A_449 = tpu.memref_squeeze %dma_wait3A_448 : memref<1x1x1x80xi32, #tpu.memory_space<hbm>> -> memref<1x80xi32, #tpu.memory_space<hbm>>
    %dma_wait3A_450 = arith.constant 0 : i32
    %dma_wait3A_451 = arith.constant 0 : i32
    %dma_wait3A_452 = tpu.memref_slice %arg6[%dma_wait3A_441, %dma_wait3A_450, %dma_wait3A_451] : memref<4x1x80xi32, #tpu.memory_space<vmem>> -> memref<1x1x80xi32, #tpu.memory_space<vmem>>
    %dma_wait3A_453 = tpu.memref_squeeze %dma_wait3A_452 : memref<1x1x80xi32, #tpu.memory_space<vmem>> -> memref<1x80xi32, #tpu.memory_space<vmem>>
    %dma_wait3A_454 = arith.constant 0 : i32
    %dma_wait3A_455 = arith.constant 0 : i32
    %dma_wait3A_456 = tpu.memref_slice %arg3[%arg0, %add3A_425, %dma_wait3A_454, %dma_wait3A_455] : memref<2x2000x1x80xi32, #tpu.memory_space<hbm>> -> memref<1x1x1x80xi32, #tpu.memory_space<hbm>>
    %dma_wait3A_457 = tpu.memref_squeeze %dma_wait3A_456 : memref<1x1x1x80xi32, #tpu.memory_space<hbm>> -> memref<1x80xi32, #tpu.memory_space<hbm>>
    tpu.wait_dma2 semaphore(%arg8 : memref<!tpu.dma_semaphore, #tpu.memory_space<semaphore_mem>>) src(%dma_wait3A_457 : memref<1x80xi32, #tpu.memory_space<hbm>>) dst(%dma_wait3A_453 : memref<1x80xi32, #tpu.memory_space<vmem>>)
    %dma_start3A_458 = arith.constant 3 : i32
    %dma_start3A_459 = arith.constant 3 : i32
    %dma_start3A_460 = arith.constant 0 : i32
    %dma_start3A_461 = arith.constant 0 : i32
    %dma_start3A_462 = arith.constant 0 : i32
    %dma_start3A_463 = tpu.memref_slice %arg5[%dma_start3A_458, %dma_start3A_461, %dma_start3A_462] : memref<4x80x128xf32, #tpu.memory_space<vmem>> -> memref<1x80x128xf32, #tpu.memory_space<vmem>>
    %dma_start3A_464 = tpu.memref_squeeze %dma_start3A_463 : memref<1x80x128xf32, #tpu.memory_space<vmem>> -> memref<80x128xf32, #tpu.memory_space<vmem>>
    %dma_start3A_465 = arith.constant 0 : i32
    %dma_start3A_466 = tpu.memref_slice %arg6[%dma_start3A_459, %dma_start3A_460, %dma_start3A_465] : memref<4x1x80xi32, #tpu.memory_space<vmem>> -> memref<1x1x80xi32, #tpu.memory_space<vmem>>
    %dma_start3A_467 = tpu.memref_squeeze %dma_start3A_466 : memref<1x1x80xi32, #tpu.memory_space<vmem>> -> memref<80xi32, #tpu.memory_space<vmem>>
    %dma_start3A_468 = arith.constant 0 : i32
    %dma_start3A_469 = arith.constant 0 : i32
    %dma_start3A_470 = tpu.memref_slice %arg7[%dma_start3A_468, %dma_start3A_469] : memref<10000x128xf32, #tpu.memory_space<vmem_shared>> -> memref<10000x128xf32, #tpu.memory_space<vmem_shared>>
    tpu.enqueue_indirect_dma source(%dma_start3A_464 : memref<80x128xf32, #tpu.memory_space<vmem>>) target(%dma_start3A_470 : memref<10000x128xf32, #tpu.memory_space<vmem_shared>>) offsets(%dma_start3A_467 : memref<80xi32, #tpu.memory_space<vmem>>) semaphore(%arg9 : memref<!tpu.dma_semaphore, #tpu.memory_space<semaphore_mem>>) {add = true}
    %dma_wait3A_471 = arith.constant 2 : i32
    %dma_wait3A_472 = arith.constant 2 : i32
    %dma_wait3A_473 = arith.constant 0 : i32
    %dma_wait3A_474 = arith.constant 0 : i32
    %dma_wait3A_475 = arith.constant 0 : i32
    %dma_wait3A_476 = tpu.memref_slice %arg5[%dma_wait3A_471, %dma_wait3A_474, %dma_wait3A_475] : memref<4x80x128xf32, #tpu.memory_space<vmem>> -> memref<1x80x128xf32, #tpu.memory_space<vmem>>
    %dma_wait3A_477 = tpu.memref_squeeze %dma_wait3A_476 : memref<1x80x128xf32, #tpu.memory_space<vmem>> -> memref<80x128xf32, #tpu.memory_space<vmem>>
    %dma_wait3A_478 = arith.constant 0 : i32
    %dma_wait3A_479 = tpu.memref_slice %arg6[%dma_wait3A_472, %dma_wait3A_473, %dma_wait3A_478] : memref<4x1x80xi32, #tpu.memory_space<vmem>> -> memref<1x1x80xi32, #tpu.memory_space<vmem>>
    %dma_wait3A_480 = tpu.memref_squeeze %dma_wait3A_479 : memref<1x1x80xi32, #tpu.memory_space<vmem>> -> memref<80xi32, #tpu.memory_space<vmem>>
    %dma_wait3A_481 = arith.constant 0 : i32
    %dma_wait3A_482 = arith.constant 0 : i32
    %dma_wait3A_483 = tpu.memref_slice %arg7[%dma_wait3A_481, %dma_wait3A_482] : memref<10000x128xf32, #tpu.memory_space<vmem_shared>> -> memref<10000x128xf32, #tpu.memory_space<vmem_shared>>
    tpu.wait_indirect_dma semaphore(%arg9 : memref<!tpu.dma_semaphore, #tpu.memory_space<semaphore_mem>>) src(%dma_wait3A_477 : memref<80x128xf32, #tpu.memory_space<vmem>>) dst(%dma_wait3A_483 : memref<10000x128xf32, #tpu.memory_space<vmem_shared>>)
    %add3A_484 = arith.constant 480 : i32
    %add3A_485 = arith.addi %mul3A_6, %add3A_484 : i32
    %add3A_486 = arith.constant 6 : i32
    %add3A_487 = arith.addi %mul3A_2, %add3A_486 : i32
    %dma_start3A_488 = arith.constant 2 : i32
    %dma_start3A_489 = arith.constant 0 : i32
    %dma_start3A_490 = arith.constant 0 : i32
    %dma_start3A_491 = tpu.memref_slice %arg5[%dma_start3A_488, %dma_start3A_489, %dma_start3A_490] : memref<4x80x128xf32, #tpu.memory_space<vmem>> -> memref<1x80x128xf32, #tpu.memory_space<vmem>>
    %dma_start3A_492 = tpu.memref_squeeze %dma_start3A_491 : memref<1x80x128xf32, #tpu.memory_space<vmem>> -> memref<80x128xf32, #tpu.memory_space<vmem>>
    %dma_start3A_493 = arith.constant 0 : i32
    %dma_start3A_494 = tpu.memref_slice %arg2[%arg0, %add3A_485, %dma_start3A_493] : memref<2x160000x128xf32, #tpu.memory_space<hbm>> -> memref<1x80x128xf32, #tpu.memory_space<hbm>>
    %dma_start3A_495 = tpu.memref_squeeze %dma_start3A_494 : memref<1x80x128xf32, #tpu.memory_space<hbm>> -> memref<80x128xf32, #tpu.memory_space<hbm>>
    %dma_start3A_496 = arith.constant 0 : i32
    %dma_start3A_497 = arith.constant 0 : i32
    %dma_start3A_498 = tpu.memref_slice %arg5[%dma_start3A_488, %dma_start3A_496, %dma_start3A_497] : memref<4x80x128xf32, #tpu.memory_space<vmem>> -> memref<1x80x128xf32, #tpu.memory_space<vmem>>
    %dma_start3A_499 = tpu.memref_squeeze %dma_start3A_498 : memref<1x80x128xf32, #tpu.memory_space<vmem>> -> memref<80x128xf32, #tpu.memory_space<vmem>>
    %dma_start3A_500 = arith.constant 0 : i32
    %dma_start3A_501 = tpu.memref_slice %arg2[%arg0, %add3A_485, %dma_start3A_500] : memref<2x160000x128xf32, #tpu.memory_space<hbm>> -> memref<1x80x128xf32, #tpu.memory_space<hbm>>
    %dma_start3A_502 = tpu.memref_squeeze %dma_start3A_501 : memref<1x80x128xf32, #tpu.memory_space<hbm>> -> memref<80x128xf32, #tpu.memory_space<hbm>>
    tpu.enqueue_dma source(%dma_start3A_502 : memref<80x128xf32, #tpu.memory_space<hbm>>) target(%dma_start3A_499 : memref<80x128xf32, #tpu.memory_space<vmem>>) target_semaphore(%arg8 : memref<!tpu.dma_semaphore, #tpu.memory_space<semaphore_mem>>)
    %dma_start3A_503 = arith.constant 2 : i32
    %dma_start3A_504 = arith.constant 0 : i32
    %dma_start3A_505 = arith.constant 0 : i32
    %dma_start3A_506 = tpu.memref_slice %arg6[%dma_start3A_503, %dma_start3A_504, %dma_start3A_505] : memref<4x1x80xi32, #tpu.memory_space<vmem>> -> memref<1x1x80xi32, #tpu.memory_space<vmem>>
    %dma_start3A_507 = tpu.memref_squeeze %dma_start3A_506 : memref<1x1x80xi32, #tpu.memory_space<vmem>> -> memref<1x80xi32, #tpu.memory_space<vmem>>
    %dma_start3A_508 = arith.constant 0 : i32
    %dma_start3A_509 = arith.constant 0 : i32
    %dma_start3A_510 = tpu.memref_slice %arg3[%arg0, %add3A_487, %dma_start3A_508, %dma_start3A_509] : memref<2x2000x1x80xi32, #tpu.memory_space<hbm>> -> memref<1x1x1x80xi32, #tpu.memory_space<hbm>>
    %dma_start3A_511 = tpu.memref_squeeze %dma_start3A_510 : memref<1x1x1x80xi32, #tpu.memory_space<hbm>> -> memref<1x80xi32, #tpu.memory_space<hbm>>
    %dma_start3A_512 = arith.constant 0 : i32
    %dma_start3A_513 = arith.constant 0 : i32
    %dma_start3A_514 = tpu.memref_slice %arg6[%dma_start3A_503, %dma_start3A_512, %dma_start3A_513] : memref<4x1x80xi32, #tpu.memory_space<vmem>> -> memref<1x1x80xi32, #tpu.memory_space<vmem>>
    %dma_start3A_515 = tpu.memref_squeeze %dma_start3A_514 : memref<1x1x80xi32, #tpu.memory_space<vmem>> -> memref<1x80xi32, #tpu.memory_space<vmem>>
    %dma_start3A_516 = arith.constant 0 : i32
    %dma_start3A_517 = arith.constant 0 : i32
    %dma_start3A_518 = tpu.memref_slice %arg3[%arg0, %add3A_487, %dma_start3A_516, %dma_start3A_517] : memref<2x2000x1x80xi32, #tpu.memory_space<hbm>> -> memref<1x1x1x80xi32, #tpu.memory_space<hbm>>
    %dma_start3A_519 = tpu.memref_squeeze %dma_start3A_518 : memref<1x1x1x80xi32, #tpu.memory_space<hbm>> -> memref<1x80xi32, #tpu.memory_space<hbm>>
    tpu.enqueue_dma source(%dma_start3A_519 : memref<1x80xi32, #tpu.memory_space<hbm>>) target(%dma_start3A_515 : memref<1x80xi32, #tpu.memory_space<vmem>>) target_semaphore(%arg8 : memref<!tpu.dma_semaphore, #tpu.memory_space<semaphore_mem>>)
    %scan3A_520 = arith.constant 0 : i32
    %scan3A_521 = arith.constant 0 : i32
    %scan3A_522 = arith.constant 29 : i32
    %scan3A_523 = arith.addi %scan3A_521, %scan3A_522 : i32
    %scan3A_524 = arith.constant 1 : i32
    scf.for %scan3A_922 = %scan3A_521 to %scan3A_523 step %scan3A_524  : i32 {
      %mul3A_923 = arith.constant 4 : i32
      %mul3A_924 = arith.muli %mul3A_923, %scan3A_922 : i32
      %add3A_925 = arith.constant 4 : i32
      %add3A_926 = arith.addi %mul3A_924, %add3A_925 : i32
      %add3A_927 = arith.constant 0 : i32
      %add3A_928 = arith.addi %add3A_926, %add3A_927 : i32
      %mul3A_929 = arith.constant 80 : i32
      %mul3A_930 = arith.muli %add3A_928, %mul3A_929 : i32
      %add3A_931 = arith.addi %mul3A_6, %mul3A_930 : i32
      %add3A_932 = arith.addi %mul3A_2, %add3A_928 : i32
      %dma_wait3A_933 = arith.constant 0 : i32
      %dma_wait3A_934 = arith.constant 0 : i32
      %dma_wait3A_935 = arith.constant 0 : i32
      %dma_wait3A_936 = tpu.memref_slice %arg5[%dma_wait3A_933, %dma_wait3A_934, %dma_wait3A_935] : memref<4x80x128xf32, #tpu.memory_space<vmem>> -> memref<1x80x128xf32, #tpu.memory_space<vmem>>
      %dma_wait3A_937 = tpu.memref_squeeze %dma_wait3A_936 : memref<1x80x128xf32, #tpu.memory_space<vmem>> -> memref<80x128xf32, #tpu.memory_space<vmem>>
      %dma_wait3A_938 = arith.constant 0 : i32
      %dma_wait3A_939 = tpu.memref_slice %arg2[%arg0, %add3A_931, %dma_wait3A_938] : memref<2x160000x128xf32, #tpu.memory_space<hbm>> -> memref<1x80x128xf32, #tpu.memory_space<hbm>>
      %dma_wait3A_940 = tpu.memref_squeeze %dma_wait3A_939 : memref<1x80x128xf32, #tpu.memory_space<hbm>> -> memref<80x128xf32, #tpu.memory_space<hbm>>
      %dma_wait3A_941 = arith.constant 0 : i32
      %dma_wait3A_942 = arith.constant 0 : i32
      %dma_wait3A_943 = tpu.memref_slice %arg5[%dma_wait3A_933, %dma_wait3A_941, %dma_wait3A_942] : memref<4x80x128xf32, #tpu.memory_space<vmem>> -> memref<1x80x128xf32, #tpu.memory_space<vmem>>
      %dma_wait3A_944 = tpu.memref_squeeze %dma_wait3A_943 : memref<1x80x128xf32, #tpu.memory_space<vmem>> -> memref<80x128xf32, #tpu.memory_space<vmem>>
      %dma_wait3A_945 = arith.constant 0 : i32
      %dma_wait3A_946 = tpu.memref_slice %arg2[%arg0, %add3A_931, %dma_wait3A_945] : memref<2x160000x128xf32, #tpu.memory_space<hbm>> -> memref<1x80x128xf32, #tpu.memory_space<hbm>>
      %dma_wait3A_947 = tpu.memref_squeeze %dma_wait3A_946 : memref<1x80x128xf32, #tpu.memory_space<hbm>> -> memref<80x128xf32, #tpu.memory_space<hbm>>
      tpu.wait_dma2 semaphore(%arg8 : memref<!tpu.dma_semaphore, #tpu.memory_space<semaphore_mem>>) src(%dma_wait3A_947 : memref<80x128xf32, #tpu.memory_space<hbm>>) dst(%dma_wait3A_944 : memref<80x128xf32, #tpu.memory_space<vmem>>)
      %dma_wait3A_948 = arith.constant 0 : i32
      %dma_wait3A_949 = arith.constant 0 : i32
      %dma_wait3A_950 = arith.constant 0 : i32
      %dma_wait3A_951 = tpu.memref_slice %arg6[%dma_wait3A_948, %dma_wait3A_949, %dma_wait3A_950] : memref<4x1x80xi32, #tpu.memory_space<vmem>> -> memref<1x1x80xi32, #tpu.memory_space<vmem>>
      %dma_wait3A_952 = tpu.memref_squeeze %dma_wait3A_951 : memref<1x1x80xi32, #tpu.memory_space<vmem>> -> memref<1x80xi32, #tpu.memory_space<vmem>>
      %dma_wait3A_953 = arith.constant 0 : i32
      %dma_wait3A_954 = arith.constant 0 : i32
      %dma_wait3A_955 = tpu.memref_slice %arg3[%arg0, %add3A_932, %dma_wait3A_953, %dma_wait3A_954] : memref<2x2000x1x80xi32, #tpu.memory_space<hbm>> -> memref<1x1x1x80xi32, #tpu.memory_space<hbm>>
      %dma_wait3A_956 = tpu.memref_squeeze %dma_wait3A_955 : memref<1x1x1x80xi32, #tpu.memory_space<hbm>> -> memref<1x80xi32, #tpu.memory_space<hbm>>
      %dma_wait3A_957 = arith.constant 0 : i32
      %dma_wait3A_958 = arith.constant 0 : i32
      %dma_wait3A_959 = tpu.memref_slice %arg6[%dma_wait3A_948, %dma_wait3A_957, %dma_wait3A_958] : memref<4x1x80xi32, #tpu.memory_space<vmem>> -> memref<1x1x80xi32, #tpu.memory_space<vmem>>
      %dma_wait3A_960 = tpu.memref_squeeze %dma_wait3A_959 : memref<1x1x80xi32, #tpu.memory_space<vmem>> -> memref<1x80xi32, #tpu.memory_space<vmem>>
      %dma_wait3A_961 = arith.constant 0 : i32
      %dma_wait3A_962 = arith.constant 0 : i32
      %dma_wait3A_963 = tpu.memref_slice %arg3[%arg0, %add3A_932, %dma_wait3A_961, %dma_wait3A_962] : memref<2x2000x1x80xi32, #tpu.memory_space<hbm>> -> memref<1x1x1x80xi32, #tpu.memory_space<hbm>>
      %dma_wait3A_964 = tpu.memref_squeeze %dma_wait3A_963 : memref<1x1x1x80xi32, #tpu.memory_space<hbm>> -> memref<1x80xi32, #tpu.memory_space<hbm>>
      tpu.wait_dma2 semaphore(%arg8 : memref<!tpu.dma_semaphore, #tpu.memory_space<semaphore_mem>>) src(%dma_wait3A_964 : memref<1x80xi32, #tpu.memory_space<hbm>>) dst(%dma_wait3A_960 : memref<1x80xi32, #tpu.memory_space<vmem>>)
      %dma_start3A_965 = arith.constant 0 : i32
      %dma_start3A_966 = arith.constant 0 : i32
      %dma_start3A_967 = arith.constant 0 : i32
      %dma_start3A_968 = arith.constant 0 : i32
      %dma_start3A_969 = arith.constant 0 : i32
      %dma_start3A_970 = tpu.memref_slice %arg5[%dma_start3A_965, %dma_start3A_968, %dma_start3A_969] : memref<4x80x128xf32, #tpu.memory_space<vmem>> -> memref<1x80x128xf32, #tpu.memory_space<vmem>>
      %dma_start3A_971 = tpu.memref_squeeze %dma_start3A_970 : memref<1x80x128xf32, #tpu.memory_space<vmem>> -> memref<80x128xf32, #tpu.memory_space<vmem>>
      %dma_start3A_972 = arith.constant 0 : i32
      %dma_start3A_973 = tpu.memref_slice %arg6[%dma_start3A_966, %dma_start3A_967, %dma_start3A_972] : memref<4x1x80xi32, #tpu.memory_space<vmem>> -> memref<1x1x80xi32, #tpu.memory_space<vmem>>
      %dma_start3A_974 = tpu.memref_squeeze %dma_start3A_973 : memref<1x1x80xi32, #tpu.memory_space<vmem>> -> memref<80xi32, #tpu.memory_space<vmem>>
      %dma_start3A_975 = arith.constant 0 : i32
      %dma_start3A_976 = arith.constant 0 : i32
      %dma_start3A_977 = tpu.memref_slice %arg7[%dma_start3A_975, %dma_start3A_976] : memref<10000x128xf32, #tpu.memory_space<vmem_shared>> -> memref<10000x128xf32, #tpu.memory_space<vmem_shared>>
      tpu.enqueue_indirect_dma source(%dma_start3A_971 : memref<80x128xf32, #tpu.memory_space<vmem>>) target(%dma_start3A_977 : memref<10000x128xf32, #tpu.memory_space<vmem_shared>>) offsets(%dma_start3A_974 : memref<80xi32, #tpu.memory_space<vmem>>) semaphore(%arg9 : memref<!tpu.dma_semaphore, #tpu.memory_space<semaphore_mem>>) {add = true}
      %dma_wait3A_978 = arith.constant 3 : i32
      %dma_wait3A_979 = arith.constant 3 : i32
      %dma_wait3A_980 = arith.constant 0 : i32
      %dma_wait3A_981 = arith.constant 0 : i32
      %dma_wait3A_982 = arith.constant 0 : i32
      %dma_wait3A_983 = tpu.memref_slice %arg5[%dma_wait3A_978, %dma_wait3A_981, %dma_wait3A_982] : memref<4x80x128xf32, #tpu.memory_space<vmem>> -> memref<1x80x128xf32, #tpu.memory_space<vmem>>
      %dma_wait3A_984 = tpu.memref_squeeze %dma_wait3A_983 : memref<1x80x128xf32, #tpu.memory_space<vmem>> -> memref<80x128xf32, #tpu.memory_space<vmem>>
      %dma_wait3A_985 = arith.constant 0 : i32
      %dma_wait3A_986 = tpu.memref_slice %arg6[%dma_wait3A_979, %dma_wait3A_980, %dma_wait3A_985] : memref<4x1x80xi32, #tpu.memory_space<vmem>> -> memref<1x1x80xi32, #tpu.memory_space<vmem>>
      %dma_wait3A_987 = tpu.memref_squeeze %dma_wait3A_986 : memref<1x1x80xi32, #tpu.memory_space<vmem>> -> memref<80xi32, #tpu.memory_space<vmem>>
      %dma_wait3A_988 = arith.constant 0 : i32
      %dma_wait3A_989 = arith.constant 0 : i32
      %dma_wait3A_990 = tpu.memref_slice %arg7[%dma_wait3A_988, %dma_wait3A_989] : memref<10000x128xf32, #tpu.memory_space<vmem_shared>> -> memref<10000x128xf32, #tpu.memory_space<vmem_shared>>
      tpu.wait_indirect_dma semaphore(%arg9 : memref<!tpu.dma_semaphore, #tpu.memory_space<semaphore_mem>>) src(%dma_wait3A_984 : memref<80x128xf32, #tpu.memory_space<vmem>>) dst(%dma_wait3A_990 : memref<10000x128xf32, #tpu.memory_space<vmem_shared>>)
      %add3A_991 = arith.constant 3 : i32
      %add3A_992 = arith.addi %add3A_928, %add3A_991 : i32
      %mul3A_993 = arith.constant 80 : i32
      %mul3A_994 = arith.muli %add3A_992, %mul3A_993 : i32
      %add3A_995 = arith.addi %mul3A_6, %mul3A_994 : i32
      %add3A_996 = arith.addi %mul3A_2, %add3A_992 : i32
      %dma_start3A_997 = arith.constant 3 : i32
      %dma_start3A_998 = arith.constant 0 : i32
      %dma_start3A_999 = arith.constant 0 : i32
      %dma_start3A_1000 = tpu.memref_slice %arg5[%dma_start3A_997, %dma_start3A_998, %dma_start3A_999] : memref<4x80x128xf32, #tpu.memory_space<vmem>> -> memref<1x80x128xf32, #tpu.memory_space<vmem>>
      %dma_start3A_1001 = tpu.memref_squeeze %dma_start3A_1000 : memref<1x80x128xf32, #tpu.memory_space<vmem>> -> memref<80x128xf32, #tpu.memory_space<vmem>>
      %dma_start3A_1002 = arith.constant 0 : i32
      %dma_start3A_1003 = tpu.memref_slice %arg2[%arg0, %add3A_995, %dma_start3A_1002] : memref<2x160000x128xf32, #tpu.memory_space<hbm>> -> memref<1x80x128xf32, #tpu.memory_space<hbm>>
      %dma_start3A_1004 = tpu.memref_squeeze %dma_start3A_1003 : memref<1x80x128xf32, #tpu.memory_space<hbm>> -> memref<80x128xf32, #tpu.memory_space<hbm>>
      %dma_start3A_1005 = arith.constant 0 : i32
      %dma_start3A_1006 = arith.constant 0 : i32
      %dma_start3A_1007 = tpu.memref_slice %arg5[%dma_start3A_997, %dma_start3A_1005, %dma_start3A_1006] : memref<4x80x128xf32, #tpu.memory_space<vmem>> -> memref<1x80x128xf32, #tpu.memory_space<vmem>>
      %dma_start3A_1008 = tpu.memref_squeeze %dma_start3A_1007 : memref<1x80x128xf32, #tpu.memory_space<vmem>> -> memref<80x128xf32, #tpu.memory_space<vmem>>
      %dma_start3A_1009 = arith.constant 0 : i32
      %dma_start3A_1010 = tpu.memref_slice %arg2[%arg0, %add3A_995, %dma_start3A_1009] : memref<2x160000x128xf32, #tpu.memory_space<hbm>> -> memref<1x80x128xf32, #tpu.memory_space<hbm>>
      %dma_start3A_1011 = tpu.memref_squeeze %dma_start3A_1010 : memref<1x80x128xf32, #tpu.memory_space<hbm>> -> memref<80x128xf32, #tpu.memory_space<hbm>>
      tpu.enqueue_dma source(%dma_start3A_1011 : memref<80x128xf32, #tpu.memory_space<hbm>>) target(%dma_start3A_1008 : memref<80x128xf32, #tpu.memory_space<vmem>>) target_semaphore(%arg8 : memref<!tpu.dma_semaphore, #tpu.memory_space<semaphore_mem>>)
      %dma_start3A_1012 = arith.constant 3 : i32
      %dma_start3A_1013 = arith.constant 0 : i32
      %dma_start3A_1014 = arith.constant 0 : i32
      %dma_start3A_1015 = tpu.memref_slice %arg6[%dma_start3A_1012, %dma_start3A_1013, %dma_start3A_1014] : memref<4x1x80xi32, #tpu.memory_space<vmem>> -> memref<1x1x80xi32, #tpu.memory_space<vmem>>
      %dma_start3A_1016 = tpu.memref_squeeze %dma_start3A_1015 : memref<1x1x80xi32, #tpu.memory_space<vmem>> -> memref<1x80xi32, #tpu.memory_space<vmem>>
      %dma_start3A_1017 = arith.constant 0 : i32
      %dma_start3A_1018 = arith.constant 0 : i32
      %dma_start3A_1019 = tpu.memref_slice %arg3[%arg0, %add3A_996, %dma_start3A_1017, %dma_start3A_1018] : memref<2x2000x1x80xi32, #tpu.memory_space<hbm>> -> memref<1x1x1x80xi32, #tpu.memory_space<hbm>>
      %dma_start3A_1020 = tpu.memref_squeeze %dma_start3A_1019 : memref<1x1x1x80xi32, #tpu.memory_space<hbm>> -> memref<1x80xi32, #tpu.memory_space<hbm>>
      %dma_start3A_1021 = arith.constant 0 : i32
      %dma_start3A_1022 = arith.constant 0 : i32
      %dma_start3A_1023 = tpu.memref_slice %arg6[%dma_start3A_1012, %dma_start3A_1021, %dma_start3A_1022] : memref<4x1x80xi32, #tpu.memory_space<vmem>> -> memref<1x1x80xi32, #tpu.memory_space<vmem>>
      %dma_start3A_1024 = tpu.memref_squeeze %dma_start3A_1023 : memref<1x1x80xi32, #tpu.memory_space<vmem>> -> memref<1x80xi32, #tpu.memory_space<vmem>>
      %dma_start3A_1025 = arith.constant 0 : i32
      %dma_start3A_1026 = arith.constant 0 : i32
      %dma_start3A_1027 = tpu.memref_slice %arg3[%arg0, %add3A_996, %dma_start3A_1025, %dma_start3A_1026] : memref<2x2000x1x80xi32, #tpu.memory_space<hbm>> -> memref<1x1x1x80xi32, #tpu.memory_space<hbm>>
      %dma_start3A_1028 = tpu.memref_squeeze %dma_start3A_1027 : memref<1x1x1x80xi32, #tpu.memory_space<hbm>> -> memref<1x80xi32, #tpu.memory_space<hbm>>
      tpu.enqueue_dma source(%dma_start3A_1028 : memref<1x80xi32, #tpu.memory_space<hbm>>) target(%dma_start3A_1024 : memref<1x80xi32, #tpu.memory_space<vmem>>) target_semaphore(%arg8 : memref<!tpu.dma_semaphore, #tpu.memory_space<semaphore_mem>>)
      %add3A_1029 = arith.constant 1 : i32
      %add3A_1030 = arith.addi %add3A_926, %add3A_1029 : i32
      %mul3A_1031 = arith.constant 80 : i32
      %mul3A_1032 = arith.muli %add3A_1030, %mul3A_1031 : i32
      %add3A_1033 = arith.addi %mul3A_6, %mul3A_1032 : i32
      %add3A_1034 = arith.addi %mul3A_2, %add3A_1030 : i32
      %dma_wait3A_1035 = arith.constant 1 : i32
      %dma_wait3A_1036 = arith.constant 0 : i32
      %dma_wait3A_1037 = arith.constant 0 : i32
      %dma_wait3A_1038 = tpu.memref_slice %arg5[%dma_wait3A_1035, %dma_wait3A_1036, %dma_wait3A_1037] : memref<4x80x128xf32, #tpu.memory_space<vmem>> -> memref<1x80x128xf32, #tpu.memory_space<vmem>>
      %dma_wait3A_1039 = tpu.memref_squeeze %dma_wait3A_1038 : memref<1x80x128xf32, #tpu.memory_space<vmem>> -> memref<80x128xf32, #tpu.memory_space<vmem>>
      %dma_wait3A_1040 = arith.constant 0 : i32
      %dma_wait3A_1041 = tpu.memref_slice %arg2[%arg0, %add3A_1033, %dma_wait3A_1040] : memref<2x160000x128xf32, #tpu.memory_space<hbm>> -> memref<1x80x128xf32, #tpu.memory_space<hbm>>
      %dma_wait3A_1042 = tpu.memref_squeeze %dma_wait3A_1041 : memref<1x80x128xf32, #tpu.memory_space<hbm>> -> memref<80x128xf32, #tpu.memory_space<hbm>>
      %dma_wait3A_1043 = arith.constant 0 : i32
      %dma_wait3A_1044 = arith.constant 0 : i32
      %dma_wait3A_1045 = tpu.memref_slice %arg5[%dma_wait3A_1035, %dma_wait3A_1043, %dma_wait3A_1044] : memref<4x80x128xf32, #tpu.memory_space<vmem>> -> memref<1x80x128xf32, #tpu.memory_space<vmem>>
      %dma_wait3A_1046 = tpu.memref_squeeze %dma_wait3A_1045 : memref<1x80x128xf32, #tpu.memory_space<vmem>> -> memref<80x128xf32, #tpu.memory_space<vmem>>
      %dma_wait3A_1047 = arith.constant 0 : i32
      %dma_wait3A_1048 = tpu.memref_slice %arg2[%arg0, %add3A_1033, %dma_wait3A_1047] : memref<2x160000x128xf32, #tpu.memory_space<hbm>> -> memref<1x80x128xf32, #tpu.memory_space<hbm>>
      %dma_wait3A_1049 = tpu.memref_squeeze %dma_wait3A_1048 : memref<1x80x128xf32, #tpu.memory_space<hbm>> -> memref<80x128xf32, #tpu.memory_space<hbm>>
      tpu.wait_dma2 semaphore(%arg8 : memref<!tpu.dma_semaphore, #tpu.memory_space<semaphore_mem>>) src(%dma_wait3A_1049 : memref<80x128xf32, #tpu.memory_space<hbm>>) dst(%dma_wait3A_1046 : memref<80x128xf32, #tpu.memory_space<vmem>>)
      %dma_wait3A_1050 = arith.constant 1 : i32
      %dma_wait3A_1051 = arith.constant 0 : i32
      %dma_wait3A_1052 = arith.constant 0 : i32
      %dma_wait3A_1053 = tpu.memref_slice %arg6[%dma_wait3A_1050, %dma_wait3A_1051, %dma_wait3A_1052] : memref<4x1x80xi32, #tpu.memory_space<vmem>> -> memref<1x1x80xi32, #tpu.memory_space<vmem>>
      %dma_wait3A_1054 = tpu.memref_squeeze %dma_wait3A_1053 : memref<1x1x80xi32, #tpu.memory_space<vmem>> -> memref<1x80xi32, #tpu.memory_space<vmem>>
      %dma_wait3A_1055 = arith.constant 0 : i32
      %dma_wait3A_1056 = arith.constant 0 : i32
      %dma_wait3A_1057 = tpu.memref_slice %arg3[%arg0, %add3A_1034, %dma_wait3A_1055, %dma_wait3A_1056] : memref<2x2000x1x80xi32, #tpu.memory_space<hbm>> -> memref<1x1x1x80xi32, #tpu.memory_space<hbm>>
      %dma_wait3A_1058 = tpu.memref_squeeze %dma_wait3A_1057 : memref<1x1x1x80xi32, #tpu.memory_space<hbm>> -> memref<1x80xi32, #tpu.memory_space<hbm>>
      %dma_wait3A_1059 = arith.constant 0 : i32
      %dma_wait3A_1060 = arith.constant 0 : i32
      %dma_wait3A_1061 = tpu.memref_slice %arg6[%dma_wait3A_1050, %dma_wait3A_1059, %dma_wait3A_1060] : memref<4x1x80xi32, #tpu.memory_space<vmem>> -> memref<1x1x80xi32, #tpu.memory_space<vmem>>
      %dma_wait3A_1062 = tpu.memref_squeeze %dma_wait3A_1061 : memref<1x1x80xi32, #tpu.memory_space<vmem>> -> memref<1x80xi32, #tpu.memory_space<vmem>>
      %dma_wait3A_1063 = arith.constant 0 : i32
      %dma_wait3A_1064 = arith.constant 0 : i32
      %dma_wait3A_1065 = tpu.memref_slice %arg3[%arg0, %add3A_1034, %dma_wait3A_1063, %dma_wait3A_1064] : memref<2x2000x1x80xi32, #tpu.memory_space<hbm>> -> memref<1x1x1x80xi32, #tpu.memory_space<hbm>>
      %dma_wait3A_1066 = tpu.memref_squeeze %dma_wait3A_1065 : memref<1x1x1x80xi32, #tpu.memory_space<hbm>> -> memref<1x80xi32, #tpu.memory_space<hbm>>
      tpu.wait_dma2 semaphore(%arg8 : memref<!tpu.dma_semaphore, #tpu.memory_space<semaphore_mem>>) src(%dma_wait3A_1066 : memref<1x80xi32, #tpu.memory_space<hbm>>) dst(%dma_wait3A_1062 : memref<1x80xi32, #tpu.memory_space<vmem>>)
      %dma_start3A_1067 = arith.constant 1 : i32
      %dma_start3A_1068 = arith.constant 1 : i32
      %dma_start3A_1069 = arith.constant 0 : i32
      %dma_start3A_1070 = arith.constant 0 : i32
      %dma_start3A_1071 = arith.constant 0 : i32
      %dma_start3A_1072 = tpu.memref_slice %arg5[%dma_start3A_1067, %dma_start3A_1070, %dma_start3A_1071] : memref<4x80x128xf32, #tpu.memory_space<vmem>> -> memref<1x80x128xf32, #tpu.memory_space<vmem>>
      %dma_start3A_1073 = tpu.memref_squeeze %dma_start3A_1072 : memref<1x80x128xf32, #tpu.memory_space<vmem>> -> memref<80x128xf32, #tpu.memory_space<vmem>>
      %dma_start3A_1074 = arith.constant 0 : i32
      %dma_start3A_1075 = tpu.memref_slice %arg6[%dma_start3A_1068, %dma_start3A_1069, %dma_start3A_1074] : memref<4x1x80xi32, #tpu.memory_space<vmem>> -> memref<1x1x80xi32, #tpu.memory_space<vmem>>
      %dma_start3A_1076 = tpu.memref_squeeze %dma_start3A_1075 : memref<1x1x80xi32, #tpu.memory_space<vmem>> -> memref<80xi32, #tpu.memory_space<vmem>>
      %dma_start3A_1077 = arith.constant 0 : i32
      %dma_start3A_1078 = arith.constant 0 : i32
      %dma_start3A_1079 = tpu.memref_slice %arg7[%dma_start3A_1077, %dma_start3A_1078] : memref<10000x128xf32, #tpu.memory_space<vmem_shared>> -> memref<10000x128xf32, #tpu.memory_space<vmem_shared>>
      tpu.enqueue_indirect_dma source(%dma_start3A_1073 : memref<80x128xf32, #tpu.memory_space<vmem>>) target(%dma_start3A_1079 : memref<10000x128xf32, #tpu.memory_space<vmem_shared>>) offsets(%dma_start3A_1076 : memref<80xi32, #tpu.memory_space<vmem>>) semaphore(%arg9 : memref<!tpu.dma_semaphore, #tpu.memory_space<semaphore_mem>>) {add = true}
      %dma_wait3A_1080 = arith.constant 0 : i32
      %dma_wait3A_1081 = arith.constant 0 : i32
      %dma_wait3A_1082 = arith.constant 0 : i32
      %dma_wait3A_1083 = arith.constant 0 : i32
      %dma_wait3A_1084 = arith.constant 0 : i32
      %dma_wait3A_1085 = tpu.memref_slice %arg5[%dma_wait3A_1080, %dma_wait3A_1083, %dma_wait3A_1084] : memref<4x80x128xf32, #tpu.memory_space<vmem>> -> memref<1x80x128xf32, #tpu.memory_space<vmem>>
      %dma_wait3A_1086 = tpu.memref_squeeze %dma_wait3A_1085 : memref<1x80x128xf32, #tpu.memory_space<vmem>> -> memref<80x128xf32, #tpu.memory_space<vmem>>
      %dma_wait3A_1087 = arith.constant 0 : i32
      %dma_wait3A_1088 = tpu.memref_slice %arg6[%dma_wait3A_1081, %dma_wait3A_1082, %dma_wait3A_1087] : memref<4x1x80xi32, #tpu.memory_space<vmem>> -> memref<1x1x80xi32, #tpu.memory_space<vmem>>
      %dma_wait3A_1089 = tpu.memref_squeeze %dma_wait3A_1088 : memref<1x1x80xi32, #tpu.memory_space<vmem>> -> memref<80xi32, #tpu.memory_space<vmem>>
      %dma_wait3A_1090 = arith.constant 0 : i32
      %dma_wait3A_1091 = arith.constant 0 : i32
      %dma_wait3A_1092 = tpu.memref_slice %arg7[%dma_wait3A_1090, %dma_wait3A_1091] : memref<10000x128xf32, #tpu.memory_space<vmem_shared>> -> memref<10000x128xf32, #tpu.memory_space<vmem_shared>>
      tpu.wait_indirect_dma semaphore(%arg9 : memref<!tpu.dma_semaphore, #tpu.memory_space<semaphore_mem>>) src(%dma_wait3A_1086 : memref<80x128xf32, #tpu.memory_space<vmem>>) dst(%dma_wait3A_1092 : memref<10000x128xf32, #tpu.memory_space<vmem_shared>>)
      %add3A_1093 = arith.constant 3 : i32
      %add3A_1094 = arith.addi %add3A_1030, %add3A_1093 : i32
      %mul3A_1095 = arith.constant 80 : i32
      %mul3A_1096 = arith.muli %add3A_1094, %mul3A_1095 : i32
      %add3A_1097 = arith.addi %mul3A_6, %mul3A_1096 : i32
      %add3A_1098 = arith.addi %mul3A_2, %add3A_1094 : i32
      %dma_start3A_1099 = arith.constant 0 : i32
      %dma_start3A_1100 = arith.constant 0 : i32
      %dma_start3A_1101 = arith.constant 0 : i32
      %dma_start3A_1102 = tpu.memref_slice %arg5[%dma_start3A_1099, %dma_start3A_1100, %dma_start3A_1101] : memref<4x80x128xf32, #tpu.memory_space<vmem>> -> memref<1x80x128xf32, #tpu.memory_space<vmem>>
      %dma_start3A_1103 = tpu.memref_squeeze %dma_start3A_1102 : memref<1x80x128xf32, #tpu.memory_space<vmem>> -> memref<80x128xf32, #tpu.memory_space<vmem>>
      %dma_start3A_1104 = arith.constant 0 : i32
      %dma_start3A_1105 = tpu.memref_slice %arg2[%arg0, %add3A_1097, %dma_start3A_1104] : memref<2x160000x128xf32, #tpu.memory_space<hbm>> -> memref<1x80x128xf32, #tpu.memory_space<hbm>>
      %dma_start3A_1106 = tpu.memref_squeeze %dma_start3A_1105 : memref<1x80x128xf32, #tpu.memory_space<hbm>> -> memref<80x128xf32, #tpu.memory_space<hbm>>
      %dma_start3A_1107 = arith.constant 0 : i32
      %dma_start3A_1108 = arith.constant 0 : i32
      %dma_start3A_1109 = tpu.memref_slice %arg5[%dma_start3A_1099, %dma_start3A_1107, %dma_start3A_1108] : memref<4x80x128xf32, #tpu.memory_space<vmem>> -> memref<1x80x128xf32, #tpu.memory_space<vmem>>
      %dma_start3A_1110 = tpu.memref_squeeze %dma_start3A_1109 : memref<1x80x128xf32, #tpu.memory_space<vmem>> -> memref<80x128xf32, #tpu.memory_space<vmem>>
      %dma_start3A_1111 = arith.constant 0 : i32
      %dma_start3A_1112 = tpu.memref_slice %arg2[%arg0, %add3A_1097, %dma_start3A_1111] : memref<2x160000x128xf32, #tpu.memory_space<hbm>> -> memref<1x80x128xf32, #tpu.memory_space<hbm>>
      %dma_start3A_1113 = tpu.memref_squeeze %dma_start3A_1112 : memref<1x80x128xf32, #tpu.memory_space<hbm>> -> memref<80x128xf32, #tpu.memory_space<hbm>>
      tpu.enqueue_dma source(%dma_start3A_1113 : memref<80x128xf32, #tpu.memory_space<hbm>>) target(%dma_start3A_1110 : memref<80x128xf32, #tpu.memory_space<vmem>>) target_semaphore(%arg8 : memref<!tpu.dma_semaphore, #tpu.memory_space<semaphore_mem>>)
      %dma_start3A_1114 = arith.constant 0 : i32
      %dma_start3A_1115 = arith.constant 0 : i32
      %dma_start3A_1116 = arith.constant 0 : i32
      %dma_start3A_1117 = tpu.memref_slice %arg6[%dma_start3A_1114, %dma_start3A_1115, %dma_start3A_1116] : memref<4x1x80xi32, #tpu.memory_space<vmem>> -> memref<1x1x80xi32, #tpu.memory_space<vmem>>
      %dma_start3A_1118 = tpu.memref_squeeze %dma_start3A_1117 : memref<1x1x80xi32, #tpu.memory_space<vmem>> -> memref<1x80xi32, #tpu.memory_space<vmem>>
      %dma_start3A_1119 = arith.constant 0 : i32
      %dma_start3A_1120 = arith.constant 0 : i32
      %dma_start3A_1121 = tpu.memref_slice %arg3[%arg0, %add3A_1098, %dma_start3A_1119, %dma_start3A_1120] : memref<2x2000x1x80xi32, #tpu.memory_space<hbm>> -> memref<1x1x1x80xi32, #tpu.memory_space<hbm>>
      %dma_start3A_1122 = tpu.memref_squeeze %dma_start3A_1121 : memref<1x1x1x80xi32, #tpu.memory_space<hbm>> -> memref<1x80xi32, #tpu.memory_space<hbm>>
      %dma_start3A_1123 = arith.constant 0 : i32
      %dma_start3A_1124 = arith.constant 0 : i32
      %dma_start3A_1125 = tpu.memref_slice %arg6[%dma_start3A_1114, %dma_start3A_1123, %dma_start3A_1124] : memref<4x1x80xi32, #tpu.memory_space<vmem>> -> memref<1x1x80xi32, #tpu.memory_space<vmem>>
      %dma_start3A_1126 = tpu.memref_squeeze %dma_start3A_1125 : memref<1x1x80xi32, #tpu.memory_space<vmem>> -> memref<1x80xi32, #tpu.memory_space<vmem>>
      %dma_start3A_1127 = arith.constant 0 : i32
      %dma_start3A_1128 = arith.constant 0 : i32
      %dma_start3A_1129 = tpu.memref_slice %arg3[%arg0, %add3A_1098, %dma_start3A_1127, %dma_start3A_1128] : memref<2x2000x1x80xi32, #tpu.memory_space<hbm>> -> memref<1x1x1x80xi32, #tpu.memory_space<hbm>>
      %dma_start3A_1130 = tpu.memref_squeeze %dma_start3A_1129 : memref<1x1x1x80xi32, #tpu.memory_space<hbm>> -> memref<1x80xi32, #tpu.memory_space<hbm>>
      tpu.enqueue_dma source(%dma_start3A_1130 : memref<1x80xi32, #tpu.memory_space<hbm>>) target(%dma_start3A_1126 : memref<1x80xi32, #tpu.memory_space<vmem>>) target_semaphore(%arg8 : memref<!tpu.dma_semaphore, #tpu.memory_space<semaphore_mem>>)
      %add3A_1131 = arith.constant 2 : i32
      %add3A_1132 = arith.addi %add3A_926, %add3A_1131 : i32
      %mul3A_1133 = arith.constant 80 : i32
      %mul3A_1134 = arith.muli %add3A_1132, %mul3A_1133 : i32
      %add3A_1135 = arith.addi %mul3A_6, %mul3A_1134 : i32
      %add3A_1136 = arith.addi %mul3A_2, %add3A_1132 : i32
      %dma_wait3A_1137 = arith.constant 2 : i32
      %dma_wait3A_1138 = arith.constant 0 : i32
      %dma_wait3A_1139 = arith.constant 0 : i32
      %dma_wait3A_1140 = tpu.memref_slice %arg5[%dma_wait3A_1137, %dma_wait3A_1138, %dma_wait3A_1139] : memref<4x80x128xf32, #tpu.memory_space<vmem>> -> memref<1x80x128xf32, #tpu.memory_space<vmem>>
      %dma_wait3A_1141 = tpu.memref_squeeze %dma_wait3A_1140 : memref<1x80x128xf32, #tpu.memory_space<vmem>> -> memref<80x128xf32, #tpu.memory_space<vmem>>
      %dma_wait3A_1142 = arith.constant 0 : i32
      %dma_wait3A_1143 = tpu.memref_slice %arg2[%arg0, %add3A_1135, %dma_wait3A_1142] : memref<2x160000x128xf32, #tpu.memory_space<hbm>> -> memref<1x80x128xf32, #tpu.memory_space<hbm>>
      %dma_wait3A_1144 = tpu.memref_squeeze %dma_wait3A_1143 : memref<1x80x128xf32, #tpu.memory_space<hbm>> -> memref<80x128xf32, #tpu.memory_space<hbm>>
      %dma_wait3A_1145 = arith.constant 0 : i32
      %dma_wait3A_1146 = arith.constant 0 : i32
      %dma_wait3A_1147 = tpu.memref_slice %arg5[%dma_wait3A_1137, %dma_wait3A_1145, %dma_wait3A_1146] : memref<4x80x128xf32, #tpu.memory_space<vmem>> -> memref<1x80x128xf32, #tpu.memory_space<vmem>>
      %dma_wait3A_1148 = tpu.memref_squeeze %dma_wait3A_1147 : memref<1x80x128xf32, #tpu.memory_space<vmem>> -> memref<80x128xf32, #tpu.memory_space<vmem>>
      %dma_wait3A_1149 = arith.constant 0 : i32
      %dma_wait3A_1150 = tpu.memref_slice %arg2[%arg0, %add3A_1135, %dma_wait3A_1149] : memref<2x160000x128xf32, #tpu.memory_space<hbm>> -> memref<1x80x128xf32, #tpu.memory_space<hbm>>
      %dma_wait3A_1151 = tpu.memref_squeeze %dma_wait3A_1150 : memref<1x80x128xf32, #tpu.memory_space<hbm>> -> memref<80x128xf32, #tpu.memory_space<hbm>>
      tpu.wait_dma2 semaphore(%arg8 : memref<!tpu.dma_semaphore, #tpu.memory_space<semaphore_mem>>) src(%dma_wait3A_1151 : memref<80x128xf32, #tpu.memory_space<hbm>>) dst(%dma_wait3A_1148 : memref<80x128xf32, #tpu.memory_space<vmem>>)
      %dma_wait3A_1152 = arith.constant 2 : i32
      %dma_wait3A_1153 = arith.constant 0 : i32
      %dma_wait3A_1154 = arith.constant 0 : i32
      %dma_wait3A_1155 = tpu.memref_slice %arg6[%dma_wait3A_1152, %dma_wait3A_1153, %dma_wait3A_1154] : memref<4x1x80xi32, #tpu.memory_space<vmem>> -> memref<1x1x80xi32, #tpu.memory_space<vmem>>
      %dma_wait3A_1156 = tpu.memref_squeeze %dma_wait3A_1155 : memref<1x1x80xi32, #tpu.memory_space<vmem>> -> memref<1x80xi32, #tpu.memory_space<vmem>>
      %dma_wait3A_1157 = arith.constant 0 : i32
      %dma_wait3A_1158 = arith.constant 0 : i32
      %dma_wait3A_1159 = tpu.memref_slice %arg3[%arg0, %add3A_1136, %dma_wait3A_1157, %dma_wait3A_1158] : memref<2x2000x1x80xi32, #tpu.memory_space<hbm>> -> memref<1x1x1x80xi32, #tpu.memory_space<hbm>>
      %dma_wait3A_1160 = tpu.memref_squeeze %dma_wait3A_1159 : memref<1x1x1x80xi32, #tpu.memory_space<hbm>> -> memref<1x80xi32, #tpu.memory_space<hbm>>
      %dma_wait3A_1161 = arith.constant 0 : i32
      %dma_wait3A_1162 = arith.constant 0 : i32
      %dma_wait3A_1163 = tpu.memref_slice %arg6[%dma_wait3A_1152, %dma_wait3A_1161, %dma_wait3A_1162] : memref<4x1x80xi32, #tpu.memory_space<vmem>> -> memref<1x1x80xi32, #tpu.memory_space<vmem>>
      %dma_wait3A_1164 = tpu.memref_squeeze %dma_wait3A_1163 : memref<1x1x80xi32, #tpu.memory_space<vmem>> -> memref<1x80xi32, #tpu.memory_space<vmem>>
      %dma_wait3A_1165 = arith.constant 0 : i32
      %dma_wait3A_1166 = arith.constant 0 : i32
      %dma_wait3A_1167 = tpu.memref_slice %arg3[%arg0, %add3A_1136, %dma_wait3A_1165, %dma_wait3A_1166] : memref<2x2000x1x80xi32, #tpu.memory_space<hbm>> -> memref<1x1x1x80xi32, #tpu.memory_space<hbm>>
      %dma_wait3A_1168 = tpu.memref_squeeze %dma_wait3A_1167 : memref<1x1x1x80xi32, #tpu.memory_space<hbm>> -> memref<1x80xi32, #tpu.memory_space<hbm>>
      tpu.wait_dma2 semaphore(%arg8 : memref<!tpu.dma_semaphore, #tpu.memory_space<semaphore_mem>>) src(%dma_wait3A_1168 : memref<1x80xi32, #tpu.memory_space<hbm>>) dst(%dma_wait3A_1164 : memref<1x80xi32, #tpu.memory_space<vmem>>)
      %dma_start3A_1169 = arith.constant 2 : i32
      %dma_start3A_1170 = arith.constant 2 : i32
      %dma_start3A_1171 = arith.constant 0 : i32
      %dma_start3A_1172 = arith.constant 0 : i32
      %dma_start3A_1173 = arith.constant 0 : i32
      %dma_start3A_1174 = tpu.memref_slice %arg5[%dma_start3A_1169, %dma_start3A_1172, %dma_start3A_1173] : memref<4x80x128xf32, #tpu.memory_space<vmem>> -> memref<1x80x128xf32, #tpu.memory_space<vmem>>
      %dma_start3A_1175 = tpu.memref_squeeze %dma_start3A_1174 : memref<1x80x128xf32, #tpu.memory_space<vmem>> -> memref<80x128xf32, #tpu.memory_space<vmem>>
      %dma_start3A_1176 = arith.constant 0 : i32
      %dma_start3A_1177 = tpu.memref_slice %arg6[%dma_start3A_1170, %dma_start3A_1171, %dma_start3A_1176] : memref<4x1x80xi32, #tpu.memory_space<vmem>> -> memref<1x1x80xi32, #tpu.memory_space<vmem>>
      %dma_start3A_1178 = tpu.memref_squeeze %dma_start3A_1177 : memref<1x1x80xi32, #tpu.memory_space<vmem>> -> memref<80xi32, #tpu.memory_space<vmem>>
      %dma_start3A_1179 = arith.constant 0 : i32
      %dma_start3A_1180 = arith.constant 0 : i32
      %dma_start3A_1181 = tpu.memref_slice %arg7[%dma_start3A_1179, %dma_start3A_1180] : memref<10000x128xf32, #tpu.memory_space<vmem_shared>> -> memref<10000x128xf32, #tpu.memory_space<vmem_shared>>
      tpu.enqueue_indirect_dma source(%dma_start3A_1175 : memref<80x128xf32, #tpu.memory_space<vmem>>) target(%dma_start3A_1181 : memref<10000x128xf32, #tpu.memory_space<vmem_shared>>) offsets(%dma_start3A_1178 : memref<80xi32, #tpu.memory_space<vmem>>) semaphore(%arg9 : memref<!tpu.dma_semaphore, #tpu.memory_space<semaphore_mem>>) {add = true}
      %dma_wait3A_1182 = arith.constant 1 : i32
      %dma_wait3A_1183 = arith.constant 1 : i32
      %dma_wait3A_1184 = arith.constant 0 : i32
      %dma_wait3A_1185 = arith.constant 0 : i32
      %dma_wait3A_1186 = arith.constant 0 : i32
      %dma_wait3A_1187 = tpu.memref_slice %arg5[%dma_wait3A_1182, %dma_wait3A_1185, %dma_wait3A_1186] : memref<4x80x128xf32, #tpu.memory_space<vmem>> -> memref<1x80x128xf32, #tpu.memory_space<vmem>>
      %dma_wait3A_1188 = tpu.memref_squeeze %dma_wait3A_1187 : memref<1x80x128xf32, #tpu.memory_space<vmem>> -> memref<80x128xf32, #tpu.memory_space<vmem>>
      %dma_wait3A_1189 = arith.constant 0 : i32
      %dma_wait3A_1190 = tpu.memref_slice %arg6[%dma_wait3A_1183, %dma_wait3A_1184, %dma_wait3A_1189] : memref<4x1x80xi32, #tpu.memory_space<vmem>> -> memref<1x1x80xi32, #tpu.memory_space<vmem>>
      %dma_wait3A_1191 = tpu.memref_squeeze %dma_wait3A_1190 : memref<1x1x80xi32, #tpu.memory_space<vmem>> -> memref<80xi32, #tpu.memory_space<vmem>>
      %dma_wait3A_1192 = arith.constant 0 : i32
      %dma_wait3A_1193 = arith.constant 0 : i32
      %dma_wait3A_1194 = tpu.memref_slice %arg7[%dma_wait3A_1192, %dma_wait3A_1193] : memref<10000x128xf32, #tpu.memory_space<vmem_shared>> -> memref<10000x128xf32, #tpu.memory_space<vmem_shared>>
      tpu.wait_indirect_dma semaphore(%arg9 : memref<!tpu.dma_semaphore, #tpu.memory_space<semaphore_mem>>) src(%dma_wait3A_1188 : memref<80x128xf32, #tpu.memory_space<vmem>>) dst(%dma_wait3A_1194 : memref<10000x128xf32, #tpu.memory_space<vmem_shared>>)
      %add3A_1195 = arith.constant 3 : i32
      %add3A_1196 = arith.addi %add3A_1132, %add3A_1195 : i32
      %mul3A_1197 = arith.constant 80 : i32
      %mul3A_1198 = arith.muli %add3A_1196, %mul3A_1197 : i32
      %add3A_1199 = arith.addi %mul3A_6, %mul3A_1198 : i32
      %add3A_1200 = arith.addi %mul3A_2, %add3A_1196 : i32
      %dma_start3A_1201 = arith.constant 1 : i32
      %dma_start3A_1202 = arith.constant 0 : i32
      %dma_start3A_1203 = arith.constant 0 : i32
      %dma_start3A_1204 = tpu.memref_slice %arg5[%dma_start3A_1201, %dma_start3A_1202, %dma_start3A_1203] : memref<4x80x128xf32, #tpu.memory_space<vmem>> -> memref<1x80x128xf32, #tpu.memory_space<vmem>>
      %dma_start3A_1205 = tpu.memref_squeeze %dma_start3A_1204 : memref<1x80x128xf32, #tpu.memory_space<vmem>> -> memref<80x128xf32, #tpu.memory_space<vmem>>
      %dma_start3A_1206 = arith.constant 0 : i32
      %dma_start3A_1207 = tpu.memref_slice %arg2[%arg0, %add3A_1199, %dma_start3A_1206] : memref<2x160000x128xf32, #tpu.memory_space<hbm>> -> memref<1x80x128xf32, #tpu.memory_space<hbm>>
      %dma_start3A_1208 = tpu.memref_squeeze %dma_start3A_1207 : memref<1x80x128xf32, #tpu.memory_space<hbm>> -> memref<80x128xf32, #tpu.memory_space<hbm>>
      %dma_start3A_1209 = arith.constant 0 : i32
      %dma_start3A_1210 = arith.constant 0 : i32
      %dma_start3A_1211 = tpu.memref_slice %arg5[%dma_start3A_1201, %dma_start3A_1209, %dma_start3A_1210] : memref<4x80x128xf32, #tpu.memory_space<vmem>> -> memref<1x80x128xf32, #tpu.memory_space<vmem>>
      %dma_start3A_1212 = tpu.memref_squeeze %dma_start3A_1211 : memref<1x80x128xf32, #tpu.memory_space<vmem>> -> memref<80x128xf32, #tpu.memory_space<vmem>>
      %dma_start3A_1213 = arith.constant 0 : i32
      %dma_start3A_1214 = tpu.memref_slice %arg2[%arg0, %add3A_1199, %dma_start3A_1213] : memref<2x160000x128xf32, #tpu.memory_space<hbm>> -> memref<1x80x128xf32, #tpu.memory_space<hbm>>
      %dma_start3A_1215 = tpu.memref_squeeze %dma_start3A_1214 : memref<1x80x128xf32, #tpu.memory_space<hbm>> -> memref<80x128xf32, #tpu.memory_space<hbm>>
      tpu.enqueue_dma source(%dma_start3A_1215 : memref<80x128xf32, #tpu.memory_space<hbm>>) target(%dma_start3A_1212 : memref<80x128xf32, #tpu.memory_space<vmem>>) target_semaphore(%arg8 : memref<!tpu.dma_semaphore, #tpu.memory_space<semaphore_mem>>)
      %dma_start3A_1216 = arith.constant 1 : i32
      %dma_start3A_1217 = arith.constant 0 : i32
      %dma_start3A_1218 = arith.constant 0 : i32
      %dma_start3A_1219 = tpu.memref_slice %arg6[%dma_start3A_1216, %dma_start3A_1217, %dma_start3A_1218] : memref<4x1x80xi32, #tpu.memory_space<vmem>> -> memref<1x1x80xi32, #tpu.memory_space<vmem>>
      %dma_start3A_1220 = tpu.memref_squeeze %dma_start3A_1219 : memref<1x1x80xi32, #tpu.memory_space<vmem>> -> memref<1x80xi32, #tpu.memory_space<vmem>>
      %dma_start3A_1221 = arith.constant 0 : i32
      %dma_start3A_1222 = arith.constant 0 : i32
      %dma_start3A_1223 = tpu.memref_slice %arg3[%arg0, %add3A_1200, %dma_start3A_1221, %dma_start3A_1222] : memref<2x2000x1x80xi32, #tpu.memory_space<hbm>> -> memref<1x1x1x80xi32, #tpu.memory_space<hbm>>
      %dma_start3A_1224 = tpu.memref_squeeze %dma_start3A_1223 : memref<1x1x1x80xi32, #tpu.memory_space<hbm>> -> memref<1x80xi32, #tpu.memory_space<hbm>>
      %dma_start3A_1225 = arith.constant 0 : i32
      %dma_start3A_1226 = arith.constant 0 : i32
      %dma_start3A_1227 = tpu.memref_slice %arg6[%dma_start3A_1216, %dma_start3A_1225, %dma_start3A_1226] : memref<4x1x80xi32, #tpu.memory_space<vmem>> -> memref<1x1x80xi32, #tpu.memory_space<vmem>>
      %dma_start3A_1228 = tpu.memref_squeeze %dma_start3A_1227 : memref<1x1x80xi32, #tpu.memory_space<vmem>> -> memref<1x80xi32, #tpu.memory_space<vmem>>
      %dma_start3A_1229 = arith.constant 0 : i32
      %dma_start3A_1230 = arith.constant 0 : i32
      %dma_start3A_1231 = tpu.memref_slice %arg3[%arg0, %add3A_1200, %dma_start3A_1229, %dma_start3A_1230] : memref<2x2000x1x80xi32, #tpu.memory_space<hbm>> -> memref<1x1x1x80xi32, #tpu.memory_space<hbm>>
      %dma_start3A_1232 = tpu.memref_squeeze %dma_start3A_1231 : memref<1x1x1x80xi32, #tpu.memory_space<hbm>> -> memref<1x80xi32, #tpu.memory_space<hbm>>
      tpu.enqueue_dma source(%dma_start3A_1232 : memref<1x80xi32, #tpu.memory_space<hbm>>) target(%dma_start3A_1228 : memref<1x80xi32, #tpu.memory_space<vmem>>) target_semaphore(%arg8 : memref<!tpu.dma_semaphore, #tpu.memory_space<semaphore_mem>>)
      %add3A_1233 = arith.constant 3 : i32
      %add3A_1234 = arith.addi %add3A_926, %add3A_1233 : i32
      %mul3A_1235 = arith.constant 80 : i32
      %mul3A_1236 = arith.muli %add3A_1234, %mul3A_1235 : i32
      %add3A_1237 = arith.addi %mul3A_6, %mul3A_1236 : i32
      %add3A_1238 = arith.addi %mul3A_2, %add3A_1234 : i32
      %dma_wait3A_1239 = arith.constant 3 : i32
      %dma_wait3A_1240 = arith.constant 0 : i32
      %dma_wait3A_1241 = arith.constant 0 : i32
      %dma_wait3A_1242 = tpu.memref_slice %arg5[%dma_wait3A_1239, %dma_wait3A_1240, %dma_wait3A_1241] : memref<4x80x128xf32, #tpu.memory_space<vmem>> -> memref<1x80x128xf32, #tpu.memory_space<vmem>>
      %dma_wait3A_1243 = tpu.memref_squeeze %dma_wait3A_1242 : memref<1x80x128xf32, #tpu.memory_space<vmem>> -> memref<80x128xf32, #tpu.memory_space<vmem>>
      %dma_wait3A_1244 = arith.constant 0 : i32
      %dma_wait3A_1245 = tpu.memref_slice %arg2[%arg0, %add3A_1237, %dma_wait3A_1244] : memref<2x160000x128xf32, #tpu.memory_space<hbm>> -> memref<1x80x128xf32, #tpu.memory_space<hbm>>
      %dma_wait3A_1246 = tpu.memref_squeeze %dma_wait3A_1245 : memref<1x80x128xf32, #tpu.memory_space<hbm>> -> memref<80x128xf32, #tpu.memory_space<hbm>>
      %dma_wait3A_1247 = arith.constant 0 : i32
      %dma_wait3A_1248 = arith.constant 0 : i32
      %dma_wait3A_1249 = tpu.memref_slice %arg5[%dma_wait3A_1239, %dma_wait3A_1247, %dma_wait3A_1248] : memref<4x80x128xf32, #tpu.memory_space<vmem>> -> memref<1x80x128xf32, #tpu.memory_space<vmem>>
      %dma_wait3A_1250 = tpu.memref_squeeze %dma_wait3A_1249 : memref<1x80x128xf32, #tpu.memory_space<vmem>> -> memref<80x128xf32, #tpu.memory_space<vmem>>
      %dma_wait3A_1251 = arith.constant 0 : i32
      %dma_wait3A_1252 = tpu.memref_slice %arg2[%arg0, %add3A_1237, %dma_wait3A_1251] : memref<2x160000x128xf32, #tpu.memory_space<hbm>> -> memref<1x80x128xf32, #tpu.memory_space<hbm>>
      %dma_wait3A_1253 = tpu.memref_squeeze %dma_wait3A_1252 : memref<1x80x128xf32, #tpu.memory_space<hbm>> -> memref<80x128xf32, #tpu.memory_space<hbm>>
      tpu.wait_dma2 semaphore(%arg8 : memref<!tpu.dma_semaphore, #tpu.memory_space<semaphore_mem>>) src(%dma_wait3A_1253 : memref<80x128xf32, #tpu.memory_space<hbm>>) dst(%dma_wait3A_1250 : memref<80x128xf32, #tpu.memory_space<vmem>>)
      %dma_wait3A_1254 = arith.constant 3 : i32
      %dma_wait3A_1255 = arith.constant 0 : i32
      %dma_wait3A_1256 = arith.constant 0 : i32
      %dma_wait3A_1257 = tpu.memref_slice %arg6[%dma_wait3A_1254, %dma_wait3A_1255, %dma_wait3A_1256] : memref<4x1x80xi32, #tpu.memory_space<vmem>> -> memref<1x1x80xi32, #tpu.memory_space<vmem>>
      %dma_wait3A_1258 = tpu.memref_squeeze %dma_wait3A_1257 : memref<1x1x80xi32, #tpu.memory_space<vmem>> -> memref<1x80xi32, #tpu.memory_space<vmem>>
      %dma_wait3A_1259 = arith.constant 0 : i32
      %dma_wait3A_1260 = arith.constant 0 : i32
      %dma_wait3A_1261 = tpu.memref_slice %arg3[%arg0, %add3A_1238, %dma_wait3A_1259, %dma_wait3A_1260] : memref<2x2000x1x80xi32, #tpu.memory_space<hbm>> -> memref<1x1x1x80xi32, #tpu.memory_space<hbm>>
      %dma_wait3A_1262 = tpu.memref_squeeze %dma_wait3A_1261 : memref<1x1x1x80xi32, #tpu.memory_space<hbm>> -> memref<1x80xi32, #tpu.memory_space<hbm>>
      %dma_wait3A_1263 = arith.constant 0 : i32
      %dma_wait3A_1264 = arith.constant 0 : i32
      %dma_wait3A_1265 = tpu.memref_slice %arg6[%dma_wait3A_1254, %dma_wait3A_1263, %dma_wait3A_1264] : memref<4x1x80xi32, #tpu.memory_space<vmem>> -> memref<1x1x80xi32, #tpu.memory_space<vmem>>
      %dma_wait3A_1266 = tpu.memref_squeeze %dma_wait3A_1265 : memref<1x1x80xi32, #tpu.memory_space<vmem>> -> memref<1x80xi32, #tpu.memory_space<vmem>>
      %dma_wait3A_1267 = arith.constant 0 : i32
      %dma_wait3A_1268 = arith.constant 0 : i32
      %dma_wait3A_1269 = tpu.memref_slice %arg3[%arg0, %add3A_1238, %dma_wait3A_1267, %dma_wait3A_1268] : memref<2x2000x1x80xi32, #tpu.memory_space<hbm>> -> memref<1x1x1x80xi32, #tpu.memory_space<hbm>>
      %dma_wait3A_1270 = tpu.memref_squeeze %dma_wait3A_1269 : memref<1x1x1x80xi32, #tpu.memory_space<hbm>> -> memref<1x80xi32, #tpu.memory_space<hbm>>
      tpu.wait_dma2 semaphore(%arg8 : memref<!tpu.dma_semaphore, #tpu.memory_space<semaphore_mem>>) src(%dma_wait3A_1270 : memref<1x80xi32, #tpu.memory_space<hbm>>) dst(%dma_wait3A_1266 : memref<1x80xi32, #tpu.memory_space<vmem>>)
      %dma_start3A_1271 = arith.constant 3 : i32
      %dma_start3A_1272 = arith.constant 3 : i32
      %dma_start3A_1273 = arith.constant 0 : i32
      %dma_start3A_1274 = arith.constant 0 : i32
      %dma_start3A_1275 = arith.constant 0 : i32
      %dma_start3A_1276 = tpu.memref_slice %arg5[%dma_start3A_1271, %dma_start3A_1274, %dma_start3A_1275] : memref<4x80x128xf32, #tpu.memory_space<vmem>> -> memref<1x80x128xf32, #tpu.memory_space<vmem>>
      %dma_start3A_1277 = tpu.memref_squeeze %dma_start3A_1276 : memref<1x80x128xf32, #tpu.memory_space<vmem>> -> memref<80x128xf32, #tpu.memory_space<vmem>>
      %dma_start3A_1278 = arith.constant 0 : i32
      %dma_start3A_1279 = tpu.memref_slice %arg6[%dma_start3A_1272, %dma_start3A_1273, %dma_start3A_1278] : memref<4x1x80xi32, #tpu.memory_space<vmem>> -> memref<1x1x80xi32, #tpu.memory_space<vmem>>
      %dma_start3A_1280 = tpu.memref_squeeze %dma_start3A_1279 : memref<1x1x80xi32, #tpu.memory_space<vmem>> -> memref<80xi32, #tpu.memory_space<vmem>>
      %dma_start3A_1281 = arith.constant 0 : i32
      %dma_start3A_1282 = arith.constant 0 : i32
      %dma_start3A_1283 = tpu.memref_slice %arg7[%dma_start3A_1281, %dma_start3A_1282] : memref<10000x128xf32, #tpu.memory_space<vmem_shared>> -> memref<10000x128xf32, #tpu.memory_space<vmem_shared>>
      tpu.enqueue_indirect_dma source(%dma_start3A_1277 : memref<80x128xf32, #tpu.memory_space<vmem>>) target(%dma_start3A_1283 : memref<10000x128xf32, #tpu.memory_space<vmem_shared>>) offsets(%dma_start3A_1280 : memref<80xi32, #tpu.memory_space<vmem>>) semaphore(%arg9 : memref<!tpu.dma_semaphore, #tpu.memory_space<semaphore_mem>>) {add = true}
      %dma_wait3A_1284 = arith.constant 2 : i32
      %dma_wait3A_1285 = arith.constant 2 : i32
      %dma_wait3A_1286 = arith.constant 0 : i32
      %dma_wait3A_1287 = arith.constant 0 : i32
      %dma_wait3A_1288 = arith.constant 0 : i32
      %dma_wait3A_1289 = tpu.memref_slice %arg5[%dma_wait3A_1284, %dma_wait3A_1287, %dma_wait3A_1288] : memref<4x80x128xf32, #tpu.memory_space<vmem>> -> memref<1x80x128xf32, #tpu.memory_space<vmem>>
      %dma_wait3A_1290 = tpu.memref_squeeze %dma_wait3A_1289 : memref<1x80x128xf32, #tpu.memory_space<vmem>> -> memref<80x128xf32, #tpu.memory_space<vmem>>
      %dma_wait3A_1291 = arith.constant 0 : i32
      %dma_wait3A_1292 = tpu.memref_slice %arg6[%dma_wait3A_1285, %dma_wait3A_1286, %dma_wait3A_1291] : memref<4x1x80xi32, #tpu.memory_space<vmem>> -> memref<1x1x80xi32, #tpu.memory_space<vmem>>
      %dma_wait3A_1293 = tpu.memref_squeeze %dma_wait3A_1292 : memref<1x1x80xi32, #tpu.memory_space<vmem>> -> memref<80xi32, #tpu.memory_space<vmem>>
      %dma_wait3A_1294 = arith.constant 0 : i32
      %dma_wait3A_1295 = arith.constant 0 : i32
      %dma_wait3A_1296 = tpu.memref_slice %arg7[%dma_wait3A_1294, %dma_wait3A_1295] : memref<10000x128xf32, #tpu.memory_space<vmem_shared>> -> memref<10000x128xf32, #tpu.memory_space<vmem_shared>>
      tpu.wait_indirect_dma semaphore(%arg9 : memref<!tpu.dma_semaphore, #tpu.memory_space<semaphore_mem>>) src(%dma_wait3A_1290 : memref<80x128xf32, #tpu.memory_space<vmem>>) dst(%dma_wait3A_1296 : memref<10000x128xf32, #tpu.memory_space<vmem_shared>>)
      %add3A_1297 = arith.constant 3 : i32
      %add3A_1298 = arith.addi %add3A_1234, %add3A_1297 : i32
      %mul3A_1299 = arith.constant 80 : i32
      %mul3A_1300 = arith.muli %add3A_1298, %mul3A_1299 : i32
      %add3A_1301 = arith.addi %mul3A_6, %mul3A_1300 : i32
      %add3A_1302 = arith.addi %mul3A_2, %add3A_1298 : i32
      %dma_start3A_1303 = arith.constant 2 : i32
      %dma_start3A_1304 = arith.constant 0 : i32
      %dma_start3A_1305 = arith.constant 0 : i32
      %dma_start3A_1306 = tpu.memref_slice %arg5[%dma_start3A_1303, %dma_start3A_1304, %dma_start3A_1305] : memref<4x80x128xf32, #tpu.memory_space<vmem>> -> memref<1x80x128xf32, #tpu.memory_space<vmem>>
      %dma_start3A_1307 = tpu.memref_squeeze %dma_start3A_1306 : memref<1x80x128xf32, #tpu.memory_space<vmem>> -> memref<80x128xf32, #tpu.memory_space<vmem>>
      %dma_start3A_1308 = arith.constant 0 : i32
      %dma_start3A_1309 = tpu.memref_slice %arg2[%arg0, %add3A_1301, %dma_start3A_1308] : memref<2x160000x128xf32, #tpu.memory_space<hbm>> -> memref<1x80x128xf32, #tpu.memory_space<hbm>>
      %dma_start3A_1310 = tpu.memref_squeeze %dma_start3A_1309 : memref<1x80x128xf32, #tpu.memory_space<hbm>> -> memref<80x128xf32, #tpu.memory_space<hbm>>
      %dma_start3A_1311 = arith.constant 0 : i32
      %dma_start3A_1312 = arith.constant 0 : i32
      %dma_start3A_1313 = tpu.memref_slice %arg5[%dma_start3A_1303, %dma_start3A_1311, %dma_start3A_1312] : memref<4x80x128xf32, #tpu.memory_space<vmem>> -> memref<1x80x128xf32, #tpu.memory_space<vmem>>
      %dma_start3A_1314 = tpu.memref_squeeze %dma_start3A_1313 : memref<1x80x128xf32, #tpu.memory_space<vmem>> -> memref<80x128xf32, #tpu.memory_space<vmem>>
      %dma_start3A_1315 = arith.constant 0 : i32
      %dma_start3A_1316 = tpu.memref_slice %arg2[%arg0, %add3A_1301, %dma_start3A_1315] : memref<2x160000x128xf32, #tpu.memory_space<hbm>> -> memref<1x80x128xf32, #tpu.memory_space<hbm>>
      %dma_start3A_1317 = tpu.memref_squeeze %dma_start3A_1316 : memref<1x80x128xf32, #tpu.memory_space<hbm>> -> memref<80x128xf32, #tpu.memory_space<hbm>>
      tpu.enqueue_dma source(%dma_start3A_1317 : memref<80x128xf32, #tpu.memory_space<hbm>>) target(%dma_start3A_1314 : memref<80x128xf32, #tpu.memory_space<vmem>>) target_semaphore(%arg8 : memref<!tpu.dma_semaphore, #tpu.memory_space<semaphore_mem>>)
      %dma_start3A_1318 = arith.constant 2 : i32
      %dma_start3A_1319 = arith.constant 0 : i32
      %dma_start3A_1320 = arith.constant 0 : i32
      %dma_start3A_1321 = tpu.memref_slice %arg6[%dma_start3A_1318, %dma_start3A_1319, %dma_start3A_1320] : memref<4x1x80xi32, #tpu.memory_space<vmem>> -> memref<1x1x80xi32, #tpu.memory_space<vmem>>
      %dma_start3A_1322 = tpu.memref_squeeze %dma_start3A_1321 : memref<1x1x80xi32, #tpu.memory_space<vmem>> -> memref<1x80xi32, #tpu.memory_space<vmem>>
      %dma_start3A_1323 = arith.constant 0 : i32
      %dma_start3A_1324 = arith.constant 0 : i32
      %dma_start3A_1325 = tpu.memref_slice %arg3[%arg0, %add3A_1302, %dma_start3A_1323, %dma_start3A_1324] : memref<2x2000x1x80xi32, #tpu.memory_space<hbm>> -> memref<1x1x1x80xi32, #tpu.memory_space<hbm>>
      %dma_start3A_1326 = tpu.memref_squeeze %dma_start3A_1325 : memref<1x1x1x80xi32, #tpu.memory_space<hbm>> -> memref<1x80xi32, #tpu.memory_space<hbm>>
      %dma_start3A_1327 = arith.constant 0 : i32
      %dma_start3A_1328 = arith.constant 0 : i32
      %dma_start3A_1329 = tpu.memref_slice %arg6[%dma_start3A_1318, %dma_start3A_1327, %dma_start3A_1328] : memref<4x1x80xi32, #tpu.memory_space<vmem>> -> memref<1x1x80xi32, #tpu.memory_space<vmem>>
      %dma_start3A_1330 = tpu.memref_squeeze %dma_start3A_1329 : memref<1x1x80xi32, #tpu.memory_space<vmem>> -> memref<1x80xi32, #tpu.memory_space<vmem>>
      %dma_start3A_1331 = arith.constant 0 : i32
      %dma_start3A_1332 = arith.constant 0 : i32
      %dma_start3A_1333 = tpu.memref_slice %arg3[%arg0, %add3A_1302, %dma_start3A_1331, %dma_start3A_1332] : memref<2x2000x1x80xi32, #tpu.memory_space<hbm>> -> memref<1x1x1x80xi32, #tpu.memory_space<hbm>>
      %dma_start3A_1334 = tpu.memref_squeeze %dma_start3A_1333 : memref<1x1x1x80xi32, #tpu.memory_space<hbm>> -> memref<1x80xi32, #tpu.memory_space<hbm>>
      tpu.enqueue_dma source(%dma_start3A_1334 : memref<1x80xi32, #tpu.memory_space<hbm>>) target(%dma_start3A_1330 : memref<1x80xi32, #tpu.memory_space<vmem>>) target_semaphore(%arg8 : memref<!tpu.dma_semaphore, #tpu.memory_space<semaphore_mem>>)
    }
    %scan3A_525 = arith.constant 29 : i32
    %add3A_526 = arith.constant 9600 : i32
    %add3A_527 = arith.addi %mul3A_6, %add3A_526 : i32
    %add3A_528 = arith.constant 120 : i32
    %add3A_529 = arith.addi %mul3A_2, %add3A_528 : i32
    %dma_wait3A_530 = arith.constant 0 : i32
    %dma_wait3A_531 = arith.constant 0 : i32
    %dma_wait3A_532 = arith.constant 0 : i32
    %dma_wait3A_533 = tpu.memref_slice %arg5[%dma_wait3A_530, %dma_wait3A_531, %dma_wait3A_532] : memref<4x80x128xf32, #tpu.memory_space<vmem>> -> memref<1x80x128xf32, #tpu.memory_space<vmem>>
    %dma_wait3A_534 = tpu.memref_squeeze %dma_wait3A_533 : memref<1x80x128xf32, #tpu.memory_space<vmem>> -> memref<80x128xf32, #tpu.memory_space<vmem>>
    %dma_wait3A_535 = arith.constant 0 : i32
    %dma_wait3A_536 = tpu.memref_slice %arg2[%arg0, %add3A_527, %dma_wait3A_535] : memref<2x160000x128xf32, #tpu.memory_space<hbm>> -> memref<1x80x128xf32, #tpu.memory_space<hbm>>
    %dma_wait3A_537 = tpu.memref_squeeze %dma_wait3A_536 : memref<1x80x128xf32, #tpu.memory_space<hbm>> -> memref<80x128xf32, #tpu.memory_space<hbm>>
    %dma_wait3A_538 = arith.constant 0 : i32
    %dma_wait3A_539 = arith.constant 0 : i32
    %dma_wait3A_540 = tpu.memref_slice %arg5[%dma_wait3A_530, %dma_wait3A_538, %dma_wait3A_539] : memref<4x80x128xf32, #tpu.memory_space<vmem>> -> memref<1x80x128xf32, #tpu.memory_space<vmem>>
    %dma_wait3A_541 = tpu.memref_squeeze %dma_wait3A_540 : memref<1x80x128xf32, #tpu.memory_space<vmem>> -> memref<80x128xf32, #tpu.memory_space<vmem>>
    %dma_wait3A_542 = arith.constant 0 : i32
    %dma_wait3A_543 = tpu.memref_slice %arg2[%arg0, %add3A_527, %dma_wait3A_542] : memref<2x160000x128xf32, #tpu.memory_space<hbm>> -> memref<1x80x128xf32, #tpu.memory_space<hbm>>
    %dma_wait3A_544 = tpu.memref_squeeze %dma_wait3A_543 : memref<1x80x128xf32, #tpu.memory_space<hbm>> -> memref<80x128xf32, #tpu.memory_space<hbm>>
    tpu.wait_dma2 semaphore(%arg8 : memref<!tpu.dma_semaphore, #tpu.memory_space<semaphore_mem>>) src(%dma_wait3A_544 : memref<80x128xf32, #tpu.memory_space<hbm>>) dst(%dma_wait3A_541 : memref<80x128xf32, #tpu.memory_space<vmem>>)
    %dma_wait3A_545 = arith.constant 0 : i32
    %dma_wait3A_546 = arith.constant 0 : i32
    %dma_wait3A_547 = arith.constant 0 : i32
    %dma_wait3A_548 = tpu.memref_slice %arg6[%dma_wait3A_545, %dma_wait3A_546, %dma_wait3A_547] : memref<4x1x80xi32, #tpu.memory_space<vmem>> -> memref<1x1x80xi32, #tpu.memory_space<vmem>>
    %dma_wait3A_549 = tpu.memref_squeeze %dma_wait3A_548 : memref<1x1x80xi32, #tpu.memory_space<vmem>> -> memref<1x80xi32, #tpu.memory_space<vmem>>
    %dma_wait3A_550 = arith.constant 0 : i32
    %dma_wait3A_551 = arith.constant 0 : i32
    %dma_wait3A_552 = tpu.memref_slice %arg3[%arg0, %add3A_529, %dma_wait3A_550, %dma_wait3A_551] : memref<2x2000x1x80xi32, #tpu.memory_space<hbm>> -> memref<1x1x1x80xi32, #tpu.memory_space<hbm>>
    %dma_wait3A_553 = tpu.memref_squeeze %dma_wait3A_552 : memref<1x1x1x80xi32, #tpu.memory_space<hbm>> -> memref<1x80xi32, #tpu.memory_space<hbm>>
    %dma_wait3A_554 = arith.constant 0 : i32
    %dma_wait3A_555 = arith.constant 0 : i32
    %dma_wait3A_556 = tpu.memref_slice %arg6[%dma_wait3A_545, %dma_wait3A_554, %dma_wait3A_555] : memref<4x1x80xi32, #tpu.memory_space<vmem>> -> memref<1x1x80xi32, #tpu.memory_space<vmem>>
    %dma_wait3A_557 = tpu.memref_squeeze %dma_wait3A_556 : memref<1x1x80xi32, #tpu.memory_space<vmem>> -> memref<1x80xi32, #tpu.memory_space<vmem>>
    %dma_wait3A_558 = arith.constant 0 : i32
    %dma_wait3A_559 = arith.constant 0 : i32
    %dma_wait3A_560 = tpu.memref_slice %arg3[%arg0, %add3A_529, %dma_wait3A_558, %dma_wait3A_559] : memref<2x2000x1x80xi32, #tpu.memory_space<hbm>> -> memref<1x1x1x80xi32, #tpu.memory_space<hbm>>
    %dma_wait3A_561 = tpu.memref_squeeze %dma_wait3A_560 : memref<1x1x1x80xi32, #tpu.memory_space<hbm>> -> memref<1x80xi32, #tpu.memory_space<hbm>>
    tpu.wait_dma2 semaphore(%arg8 : memref<!tpu.dma_semaphore, #tpu.memory_space<semaphore_mem>>) src(%dma_wait3A_561 : memref<1x80xi32, #tpu.memory_space<hbm>>) dst(%dma_wait3A_557 : memref<1x80xi32, #tpu.memory_space<vmem>>)
    %dma_start3A_562 = arith.constant 0 : i32
    %dma_start3A_563 = arith.constant 0 : i32
    %dma_start3A_564 = arith.constant 0 : i32
    %dma_start3A_565 = arith.constant 0 : i32
    %dma_start3A_566 = arith.constant 0 : i32
    %dma_start3A_567 = tpu.memref_slice %arg5[%dma_start3A_562, %dma_start3A_565, %dma_start3A_566] : memref<4x80x128xf32, #tpu.memory_space<vmem>> -> memref<1x80x128xf32, #tpu.memory_space<vmem>>
    %dma_start3A_568 = tpu.memref_squeeze %dma_start3A_567 : memref<1x80x128xf32, #tpu.memory_space<vmem>> -> memref<80x128xf32, #tpu.memory_space<vmem>>
    %dma_start3A_569 = arith.constant 0 : i32
    %dma_start3A_570 = tpu.memref_slice %arg6[%dma_start3A_563, %dma_start3A_564, %dma_start3A_569] : memref<4x1x80xi32, #tpu.memory_space<vmem>> -> memref<1x1x80xi32, #tpu.memory_space<vmem>>
    %dma_start3A_571 = tpu.memref_squeeze %dma_start3A_570 : memref<1x1x80xi32, #tpu.memory_space<vmem>> -> memref<80xi32, #tpu.memory_space<vmem>>
    %dma_start3A_572 = arith.constant 0 : i32
    %dma_start3A_573 = arith.constant 0 : i32
    %dma_start3A_574 = tpu.memref_slice %arg7[%dma_start3A_572, %dma_start3A_573] : memref<10000x128xf32, #tpu.memory_space<vmem_shared>> -> memref<10000x128xf32, #tpu.memory_space<vmem_shared>>
    tpu.enqueue_indirect_dma source(%dma_start3A_568 : memref<80x128xf32, #tpu.memory_space<vmem>>) target(%dma_start3A_574 : memref<10000x128xf32, #tpu.memory_space<vmem_shared>>) offsets(%dma_start3A_571 : memref<80xi32, #tpu.memory_space<vmem>>) semaphore(%arg9 : memref<!tpu.dma_semaphore, #tpu.memory_space<semaphore_mem>>) {add = true}
    %dma_wait3A_575 = arith.constant 3 : i32
    %dma_wait3A_576 = arith.constant 3 : i32
    %dma_wait3A_577 = arith.constant 0 : i32
    %dma_wait3A_578 = arith.constant 0 : i32
    %dma_wait3A_579 = arith.constant 0 : i32
    %dma_wait3A_580 = tpu.memref_slice %arg5[%dma_wait3A_575, %dma_wait3A_578, %dma_wait3A_579] : memref<4x80x128xf32, #tpu.memory_space<vmem>> -> memref<1x80x128xf32, #tpu.memory_space<vmem>>
    %dma_wait3A_581 = tpu.memref_squeeze %dma_wait3A_580 : memref<1x80x128xf32, #tpu.memory_space<vmem>> -> memref<80x128xf32, #tpu.memory_space<vmem>>
    %dma_wait3A_582 = arith.constant 0 : i32
    %dma_wait3A_583 = tpu.memref_slice %arg6[%dma_wait3A_576, %dma_wait3A_577, %dma_wait3A_582] : memref<4x1x80xi32, #tpu.memory_space<vmem>> -> memref<1x1x80xi32, #tpu.memory_space<vmem>>
    %dma_wait3A_584 = tpu.memref_squeeze %dma_wait3A_583 : memref<1x1x80xi32, #tpu.memory_space<vmem>> -> memref<80xi32, #tpu.memory_space<vmem>>
    %dma_wait3A_585 = arith.constant 0 : i32
    %dma_wait3A_586 = arith.constant 0 : i32
    %dma_wait3A_587 = tpu.memref_slice %arg7[%dma_wait3A_585, %dma_wait3A_586] : memref<10000x128xf32, #tpu.memory_space<vmem_shared>> -> memref<10000x128xf32, #tpu.memory_space<vmem_shared>>
    tpu.wait_indirect_dma semaphore(%arg9 : memref<!tpu.dma_semaphore, #tpu.memory_space<semaphore_mem>>) src(%dma_wait3A_581 : memref<80x128xf32, #tpu.memory_space<vmem>>) dst(%dma_wait3A_587 : memref<10000x128xf32, #tpu.memory_space<vmem_shared>>)
    %add3A_588 = arith.constant 9840 : i32
    %add3A_589 = arith.addi %mul3A_6, %add3A_588 : i32
    %add3A_590 = arith.constant 123 : i32
    %add3A_591 = arith.addi %mul3A_2, %add3A_590 : i32
    %dma_start3A_592 = arith.constant 3 : i32
    %dma_start3A_593 = arith.constant 0 : i32
    %dma_start3A_594 = arith.constant 0 : i32
    %dma_start3A_595 = tpu.memref_slice %arg5[%dma_start3A_592, %dma_start3A_593, %dma_start3A_594] : memref<4x80x128xf32, #tpu.memory_space<vmem>> -> memref<1x80x128xf32, #tpu.memory_space<vmem>>
    %dma_start3A_596 = tpu.memref_squeeze %dma_start3A_595 : memref<1x80x128xf32, #tpu.memory_space<vmem>> -> memref<80x128xf32, #tpu.memory_space<vmem>>
    %dma_start3A_597 = arith.constant 0 : i32
    %dma_start3A_598 = tpu.memref_slice %arg2[%arg0, %add3A_589, %dma_start3A_597] : memref<2x160000x128xf32, #tpu.memory_space<hbm>> -> memref<1x80x128xf32, #tpu.memory_space<hbm>>
    %dma_start3A_599 = tpu.memref_squeeze %dma_start3A_598 : memref<1x80x128xf32, #tpu.memory_space<hbm>> -> memref<80x128xf32, #tpu.memory_space<hbm>>
    %dma_start3A_600 = arith.constant 0 : i32
    %dma_start3A_601 = arith.constant 0 : i32
    %dma_start3A_602 = tpu.memref_slice %arg5[%dma_start3A_592, %dma_start3A_600, %dma_start3A_601] : memref<4x80x128xf32, #tpu.memory_space<vmem>> -> memref<1x80x128xf32, #tpu.memory_space<vmem>>
    %dma_start3A_603 = tpu.memref_squeeze %dma_start3A_602 : memref<1x80x128xf32, #tpu.memory_space<vmem>> -> memref<80x128xf32, #tpu.memory_space<vmem>>
    %dma_start3A_604 = arith.constant 0 : i32
    %dma_start3A_605 = tpu.memref_slice %arg2[%arg0, %add3A_589, %dma_start3A_604] : memref<2x160000x128xf32, #tpu.memory_space<hbm>> -> memref<1x80x128xf32, #tpu.memory_space<hbm>>
    %dma_start3A_606 = tpu.memref_squeeze %dma_start3A_605 : memref<1x80x128xf32, #tpu.memory_space<hbm>> -> memref<80x128xf32, #tpu.memory_space<hbm>>
    tpu.enqueue_dma source(%dma_start3A_606 : memref<80x128xf32, #tpu.memory_space<hbm>>) target(%dma_start3A_603 : memref<80x128xf32, #tpu.memory_space<vmem>>) target_semaphore(%arg8 : memref<!tpu.dma_semaphore, #tpu.memory_space<semaphore_mem>>)
    %dma_start3A_607 = arith.constant 3 : i32
    %dma_start3A_608 = arith.constant 0 : i32
    %dma_start3A_609 = arith.constant 0 : i32
    %dma_start3A_610 = tpu.memref_slice %arg6[%dma_start3A_607, %dma_start3A_608, %dma_start3A_609] : memref<4x1x80xi32, #tpu.memory_space<vmem>> -> memref<1x1x80xi32, #tpu.memory_space<vmem>>
    %dma_start3A_611 = tpu.memref_squeeze %dma_start3A_610 : memref<1x1x80xi32, #tpu.memory_space<vmem>> -> memref<1x80xi32, #tpu.memory_space<vmem>>
    %dma_start3A_612 = arith.constant 0 : i32
    %dma_start3A_613 = arith.constant 0 : i32
    %dma_start3A_614 = tpu.memref_slice %arg3[%arg0, %add3A_591, %dma_start3A_612, %dma_start3A_613] : memref<2x2000x1x80xi32, #tpu.memory_space<hbm>> -> memref<1x1x1x80xi32, #tpu.memory_space<hbm>>
    %dma_start3A_615 = tpu.memref_squeeze %dma_start3A_614 : memref<1x1x1x80xi32, #tpu.memory_space<hbm>> -> memref<1x80xi32, #tpu.memory_space<hbm>>
    %dma_start3A_616 = arith.constant 0 : i32
    %dma_start3A_617 = arith.constant 0 : i32
    %dma_start3A_618 = tpu.memref_slice %arg6[%dma_start3A_607, %dma_start3A_616, %dma_start3A_617] : memref<4x1x80xi32, #tpu.memory_space<vmem>> -> memref<1x1x80xi32, #tpu.memory_space<vmem>>
    %dma_start3A_619 = tpu.memref_squeeze %dma_start3A_618 : memref<1x1x80xi32, #tpu.memory_space<vmem>> -> memref<1x80xi32, #tpu.memory_space<vmem>>
    %dma_start3A_620 = arith.constant 0 : i32
    %dma_start3A_621 = arith.constant 0 : i32
    %dma_start3A_622 = tpu.memref_slice %arg3[%arg0, %add3A_591, %dma_start3A_620, %dma_start3A_621] : memref<2x2000x1x80xi32, #tpu.memory_space<hbm>> -> memref<1x1x1x80xi32, #tpu.memory_space<hbm>>
    %dma_start3A_623 = tpu.memref_squeeze %dma_start3A_622 : memref<1x1x1x80xi32, #tpu.memory_space<hbm>> -> memref<1x80xi32, #tpu.memory_space<hbm>>
    tpu.enqueue_dma source(%dma_start3A_623 : memref<1x80xi32, #tpu.memory_space<hbm>>) target(%dma_start3A_619 : memref<1x80xi32, #tpu.memory_space<vmem>>) target_semaphore(%arg8 : memref<!tpu.dma_semaphore, #tpu.memory_space<semaphore_mem>>)
    %add3A_624 = arith.constant 9680 : i32
    %add3A_625 = arith.addi %mul3A_6, %add3A_624 : i32
    %add3A_626 = arith.constant 121 : i32
    %add3A_627 = arith.addi %mul3A_2, %add3A_626 : i32
    %dma_wait3A_628 = arith.constant 1 : i32
    %dma_wait3A_629 = arith.constant 0 : i32
    %dma_wait3A_630 = arith.constant 0 : i32
    %dma_wait3A_631 = tpu.memref_slice %arg5[%dma_wait3A_628, %dma_wait3A_629, %dma_wait3A_630] : memref<4x80x128xf32, #tpu.memory_space<vmem>> -> memref<1x80x128xf32, #tpu.memory_space<vmem>>
    %dma_wait3A_632 = tpu.memref_squeeze %dma_wait3A_631 : memref<1x80x128xf32, #tpu.memory_space<vmem>> -> memref<80x128xf32, #tpu.memory_space<vmem>>
    %dma_wait3A_633 = arith.constant 0 : i32
    %dma_wait3A_634 = tpu.memref_slice %arg2[%arg0, %add3A_625, %dma_wait3A_633] : memref<2x160000x128xf32, #tpu.memory_space<hbm>> -> memref<1x80x128xf32, #tpu.memory_space<hbm>>
    %dma_wait3A_635 = tpu.memref_squeeze %dma_wait3A_634 : memref<1x80x128xf32, #tpu.memory_space<hbm>> -> memref<80x128xf32, #tpu.memory_space<hbm>>
    %dma_wait3A_636 = arith.constant 0 : i32
    %dma_wait3A_637 = arith.constant 0 : i32
    %dma_wait3A_638 = tpu.memref_slice %arg5[%dma_wait3A_628, %dma_wait3A_636, %dma_wait3A_637] : memref<4x80x128xf32, #tpu.memory_space<vmem>> -> memref<1x80x128xf32, #tpu.memory_space<vmem>>
    %dma_wait3A_639 = tpu.memref_squeeze %dma_wait3A_638 : memref<1x80x128xf32, #tpu.memory_space<vmem>> -> memref<80x128xf32, #tpu.memory_space<vmem>>
    %dma_wait3A_640 = arith.constant 0 : i32
    %dma_wait3A_641 = tpu.memref_slice %arg2[%arg0, %add3A_625, %dma_wait3A_640] : memref<2x160000x128xf32, #tpu.memory_space<hbm>> -> memref<1x80x128xf32, #tpu.memory_space<hbm>>
    %dma_wait3A_642 = tpu.memref_squeeze %dma_wait3A_641 : memref<1x80x128xf32, #tpu.memory_space<hbm>> -> memref<80x128xf32, #tpu.memory_space<hbm>>
    tpu.wait_dma2 semaphore(%arg8 : memref<!tpu.dma_semaphore, #tpu.memory_space<semaphore_mem>>) src(%dma_wait3A_642 : memref<80x128xf32, #tpu.memory_space<hbm>>) dst(%dma_wait3A_639 : memref<80x128xf32, #tpu.memory_space<vmem>>)
    %dma_wait3A_643 = arith.constant 1 : i32
    %dma_wait3A_644 = arith.constant 0 : i32
    %dma_wait3A_645 = arith.constant 0 : i32
    %dma_wait3A_646 = tpu.memref_slice %arg6[%dma_wait3A_643, %dma_wait3A_644, %dma_wait3A_645] : memref<4x1x80xi32, #tpu.memory_space<vmem>> -> memref<1x1x80xi32, #tpu.memory_space<vmem>>
    %dma_wait3A_647 = tpu.memref_squeeze %dma_wait3A_646 : memref<1x1x80xi32, #tpu.memory_space<vmem>> -> memref<1x80xi32, #tpu.memory_space<vmem>>
    %dma_wait3A_648 = arith.constant 0 : i32
    %dma_wait3A_649 = arith.constant 0 : i32
    %dma_wait3A_650 = tpu.memref_slice %arg3[%arg0, %add3A_627, %dma_wait3A_648, %dma_wait3A_649] : memref<2x2000x1x80xi32, #tpu.memory_space<hbm>> -> memref<1x1x1x80xi32, #tpu.memory_space<hbm>>
    %dma_wait3A_651 = tpu.memref_squeeze %dma_wait3A_650 : memref<1x1x1x80xi32, #tpu.memory_space<hbm>> -> memref<1x80xi32, #tpu.memory_space<hbm>>
    %dma_wait3A_652 = arith.constant 0 : i32
    %dma_wait3A_653 = arith.constant 0 : i32
    %dma_wait3A_654 = tpu.memref_slice %arg6[%dma_wait3A_643, %dma_wait3A_652, %dma_wait3A_653] : memref<4x1x80xi32, #tpu.memory_space<vmem>> -> memref<1x1x80xi32, #tpu.memory_space<vmem>>
    %dma_wait3A_655 = tpu.memref_squeeze %dma_wait3A_654 : memref<1x1x80xi32, #tpu.memory_space<vmem>> -> memref<1x80xi32, #tpu.memory_space<vmem>>
    %dma_wait3A_656 = arith.constant 0 : i32
    %dma_wait3A_657 = arith.constant 0 : i32
    %dma_wait3A_658 = tpu.memref_slice %arg3[%arg0, %add3A_627, %dma_wait3A_656, %dma_wait3A_657] : memref<2x2000x1x80xi32, #tpu.memory_space<hbm>> -> memref<1x1x1x80xi32, #tpu.memory_space<hbm>>
    %dma_wait3A_659 = tpu.memref_squeeze %dma_wait3A_658 : memref<1x1x1x80xi32, #tpu.memory_space<hbm>> -> memref<1x80xi32, #tpu.memory_space<hbm>>
    tpu.wait_dma2 semaphore(%arg8 : memref<!tpu.dma_semaphore, #tpu.memory_space<semaphore_mem>>) src(%dma_wait3A_659 : memref<1x80xi32, #tpu.memory_space<hbm>>) dst(%dma_wait3A_655 : memref<1x80xi32, #tpu.memory_space<vmem>>)
    %dma_start3A_660 = arith.constant 1 : i32
    %dma_start3A_661 = arith.constant 1 : i32
    %dma_start3A_662 = arith.constant 0 : i32
    %dma_start3A_663 = arith.constant 0 : i32
    %dma_start3A_664 = arith.constant 0 : i32
    %dma_start3A_665 = tpu.memref_slice %arg5[%dma_start3A_660, %dma_start3A_663, %dma_start3A_664] : memref<4x80x128xf32, #tpu.memory_space<vmem>> -> memref<1x80x128xf32, #tpu.memory_space<vmem>>
    %dma_start3A_666 = tpu.memref_squeeze %dma_start3A_665 : memref<1x80x128xf32, #tpu.memory_space<vmem>> -> memref<80x128xf32, #tpu.memory_space<vmem>>
    %dma_start3A_667 = arith.constant 0 : i32
    %dma_start3A_668 = tpu.memref_slice %arg6[%dma_start3A_661, %dma_start3A_662, %dma_start3A_667] : memref<4x1x80xi32, #tpu.memory_space<vmem>> -> memref<1x1x80xi32, #tpu.memory_space<vmem>>
    %dma_start3A_669 = tpu.memref_squeeze %dma_start3A_668 : memref<1x1x80xi32, #tpu.memory_space<vmem>> -> memref<80xi32, #tpu.memory_space<vmem>>
    %dma_start3A_670 = arith.constant 0 : i32
    %dma_start3A_671 = arith.constant 0 : i32
    %dma_start3A_672 = tpu.memref_slice %arg7[%dma_start3A_670, %dma_start3A_671] : memref<10000x128xf32, #tpu.memory_space<vmem_shared>> -> memref<10000x128xf32, #tpu.memory_space<vmem_shared>>
    tpu.enqueue_indirect_dma source(%dma_start3A_666 : memref<80x128xf32, #tpu.memory_space<vmem>>) target(%dma_start3A_672 : memref<10000x128xf32, #tpu.memory_space<vmem_shared>>) offsets(%dma_start3A_669 : memref<80xi32, #tpu.memory_space<vmem>>) semaphore(%arg9 : memref<!tpu.dma_semaphore, #tpu.memory_space<semaphore_mem>>) {add = true}
    %dma_wait3A_673 = arith.constant 0 : i32
    %dma_wait3A_674 = arith.constant 0 : i32
    %dma_wait3A_675 = arith.constant 0 : i32
    %dma_wait3A_676 = arith.constant 0 : i32
    %dma_wait3A_677 = arith.constant 0 : i32
    %dma_wait3A_678 = tpu.memref_slice %arg5[%dma_wait3A_673, %dma_wait3A_676, %dma_wait3A_677] : memref<4x80x128xf32, #tpu.memory_space<vmem>> -> memref<1x80x128xf32, #tpu.memory_space<vmem>>
    %dma_wait3A_679 = tpu.memref_squeeze %dma_wait3A_678 : memref<1x80x128xf32, #tpu.memory_space<vmem>> -> memref<80x128xf32, #tpu.memory_space<vmem>>
    %dma_wait3A_680 = arith.constant 0 : i32
    %dma_wait3A_681 = tpu.memref_slice %arg6[%dma_wait3A_674, %dma_wait3A_675, %dma_wait3A_680] : memref<4x1x80xi32, #tpu.memory_space<vmem>> -> memref<1x1x80xi32, #tpu.memory_space<vmem>>
    %dma_wait3A_682 = tpu.memref_squeeze %dma_wait3A_681 : memref<1x1x80xi32, #tpu.memory_space<vmem>> -> memref<80xi32, #tpu.memory_space<vmem>>
    %dma_wait3A_683 = arith.constant 0 : i32
    %dma_wait3A_684 = arith.constant 0 : i32
    %dma_wait3A_685 = tpu.memref_slice %arg7[%dma_wait3A_683, %dma_wait3A_684] : memref<10000x128xf32, #tpu.memory_space<vmem_shared>> -> memref<10000x128xf32, #tpu.memory_space<vmem_shared>>
    tpu.wait_indirect_dma semaphore(%arg9 : memref<!tpu.dma_semaphore, #tpu.memory_space<semaphore_mem>>) src(%dma_wait3A_679 : memref<80x128xf32, #tpu.memory_space<vmem>>) dst(%dma_wait3A_685 : memref<10000x128xf32, #tpu.memory_space<vmem_shared>>)
    %add3A_686 = arith.constant 9920 : i32
    %add3A_687 = arith.addi %mul3A_6, %add3A_686 : i32
    %add3A_688 = arith.constant 124 : i32
    %add3A_689 = arith.addi %mul3A_2, %add3A_688 : i32
    %dma_start3A_690 = arith.constant 0 : i32
    %dma_start3A_691 = arith.constant 0 : i32
    %dma_start3A_692 = arith.constant 0 : i32
    %dma_start3A_693 = tpu.memref_slice %arg5[%dma_start3A_690, %dma_start3A_691, %dma_start3A_692] : memref<4x80x128xf32, #tpu.memory_space<vmem>> -> memref<1x80x128xf32, #tpu.memory_space<vmem>>
    %dma_start3A_694 = tpu.memref_squeeze %dma_start3A_693 : memref<1x80x128xf32, #tpu.memory_space<vmem>> -> memref<80x128xf32, #tpu.memory_space<vmem>>
    %dma_start3A_695 = arith.constant 0 : i32
    %dma_start3A_696 = tpu.memref_slice %arg2[%arg0, %add3A_687, %dma_start3A_695] : memref<2x160000x128xf32, #tpu.memory_space<hbm>> -> memref<1x80x128xf32, #tpu.memory_space<hbm>>
    %dma_start3A_697 = tpu.memref_squeeze %dma_start3A_696 : memref<1x80x128xf32, #tpu.memory_space<hbm>> -> memref<80x128xf32, #tpu.memory_space<hbm>>
    %dma_start3A_698 = arith.constant 0 : i32
    %dma_start3A_699 = arith.constant 0 : i32
    %dma_start3A_700 = tpu.memref_slice %arg5[%dma_start3A_690, %dma_start3A_698, %dma_start3A_699] : memref<4x80x128xf32, #tpu.memory_space<vmem>> -> memref<1x80x128xf32, #tpu.memory_space<vmem>>
    %dma_start3A_701 = tpu.memref_squeeze %dma_start3A_700 : memref<1x80x128xf32, #tpu.memory_space<vmem>> -> memref<80x128xf32, #tpu.memory_space<vmem>>
    %dma_start3A_702 = arith.constant 0 : i32
    %dma_start3A_703 = tpu.memref_slice %arg2[%arg0, %add3A_687, %dma_start3A_702] : memref<2x160000x128xf32, #tpu.memory_space<hbm>> -> memref<1x80x128xf32, #tpu.memory_space<hbm>>
    %dma_start3A_704 = tpu.memref_squeeze %dma_start3A_703 : memref<1x80x128xf32, #tpu.memory_space<hbm>> -> memref<80x128xf32, #tpu.memory_space<hbm>>
    tpu.enqueue_dma source(%dma_start3A_704 : memref<80x128xf32, #tpu.memory_space<hbm>>) target(%dma_start3A_701 : memref<80x128xf32, #tpu.memory_space<vmem>>) target_semaphore(%arg8 : memref<!tpu.dma_semaphore, #tpu.memory_space<semaphore_mem>>)
    %dma_start3A_705 = arith.constant 0 : i32
    %dma_start3A_706 = arith.constant 0 : i32
    %dma_start3A_707 = arith.constant 0 : i32
    %dma_start3A_708 = tpu.memref_slice %arg6[%dma_start3A_705, %dma_start3A_706, %dma_start3A_707] : memref<4x1x80xi32, #tpu.memory_space<vmem>> -> memref<1x1x80xi32, #tpu.memory_space<vmem>>
    %dma_start3A_709 = tpu.memref_squeeze %dma_start3A_708 : memref<1x1x80xi32, #tpu.memory_space<vmem>> -> memref<1x80xi32, #tpu.memory_space<vmem>>
    %dma_start3A_710 = arith.constant 0 : i32
    %dma_start3A_711 = arith.constant 0 : i32
    %dma_start3A_712 = tpu.memref_slice %arg3[%arg0, %add3A_689, %dma_start3A_710, %dma_start3A_711] : memref<2x2000x1x80xi32, #tpu.memory_space<hbm>> -> memref<1x1x1x80xi32, #tpu.memory_space<hbm>>
    %dma_start3A_713 = tpu.memref_squeeze %dma_start3A_712 : memref<1x1x1x80xi32, #tpu.memory_space<hbm>> -> memref<1x80xi32, #tpu.memory_space<hbm>>
    %dma_start3A_714 = arith.constant 0 : i32
    %dma_start3A_715 = arith.constant 0 : i32
    %dma_start3A_716 = tpu.memref_slice %arg6[%dma_start3A_705, %dma_start3A_714, %dma_start3A_715] : memref<4x1x80xi32, #tpu.memory_space<vmem>> -> memref<1x1x80xi32, #tpu.memory_space<vmem>>
    %dma_start3A_717 = tpu.memref_squeeze %dma_start3A_716 : memref<1x1x80xi32, #tpu.memory_space<vmem>> -> memref<1x80xi32, #tpu.memory_space<vmem>>
    %dma_start3A_718 = arith.constant 0 : i32
    %dma_start3A_719 = arith.constant 0 : i32
    %dma_start3A_720 = tpu.memref_slice %arg3[%arg0, %add3A_689, %dma_start3A_718, %dma_start3A_719] : memref<2x2000x1x80xi32, #tpu.memory_space<hbm>> -> memref<1x1x1x80xi32, #tpu.memory_space<hbm>>
    %dma_start3A_721 = tpu.memref_squeeze %dma_start3A_720 : memref<1x1x1x80xi32, #tpu.memory_space<hbm>> -> memref<1x80xi32, #tpu.memory_space<hbm>>
    tpu.enqueue_dma source(%dma_start3A_721 : memref<1x80xi32, #tpu.memory_space<hbm>>) target(%dma_start3A_717 : memref<1x80xi32, #tpu.memory_space<vmem>>) target_semaphore(%arg8 : memref<!tpu.dma_semaphore, #tpu.memory_space<semaphore_mem>>)
    %add3A_722 = arith.constant 9760 : i32
    %add3A_723 = arith.addi %mul3A_6, %add3A_722 : i32
    %add3A_724 = arith.constant 122 : i32
    %add3A_725 = arith.addi %mul3A_2, %add3A_724 : i32
    %dma_wait3A_726 = arith.constant 2 : i32
    %dma_wait3A_727 = arith.constant 0 : i32
    %dma_wait3A_728 = arith.constant 0 : i32
    %dma_wait3A_729 = tpu.memref_slice %arg5[%dma_wait3A_726, %dma_wait3A_727, %dma_wait3A_728] : memref<4x80x128xf32, #tpu.memory_space<vmem>> -> memref<1x80x128xf32, #tpu.memory_space<vmem>>
    %dma_wait3A_730 = tpu.memref_squeeze %dma_wait3A_729 : memref<1x80x128xf32, #tpu.memory_space<vmem>> -> memref<80x128xf32, #tpu.memory_space<vmem>>
    %dma_wait3A_731 = arith.constant 0 : i32
    %dma_wait3A_732 = tpu.memref_slice %arg2[%arg0, %add3A_723, %dma_wait3A_731] : memref<2x160000x128xf32, #tpu.memory_space<hbm>> -> memref<1x80x128xf32, #tpu.memory_space<hbm>>
    %dma_wait3A_733 = tpu.memref_squeeze %dma_wait3A_732 : memref<1x80x128xf32, #tpu.memory_space<hbm>> -> memref<80x128xf32, #tpu.memory_space<hbm>>
    %dma_wait3A_734 = arith.constant 0 : i32
    %dma_wait3A_735 = arith.constant 0 : i32
    %dma_wait3A_736 = tpu.memref_slice %arg5[%dma_wait3A_726, %dma_wait3A_734, %dma_wait3A_735] : memref<4x80x128xf32, #tpu.memory_space<vmem>> -> memref<1x80x128xf32, #tpu.memory_space<vmem>>
    %dma_wait3A_737 = tpu.memref_squeeze %dma_wait3A_736 : memref<1x80x128xf32, #tpu.memory_space<vmem>> -> memref<80x128xf32, #tpu.memory_space<vmem>>
    %dma_wait3A_738 = arith.constant 0 : i32
    %dma_wait3A_739 = tpu.memref_slice %arg2[%arg0, %add3A_723, %dma_wait3A_738] : memref<2x160000x128xf32, #tpu.memory_space<hbm>> -> memref<1x80x128xf32, #tpu.memory_space<hbm>>
    %dma_wait3A_740 = tpu.memref_squeeze %dma_wait3A_739 : memref<1x80x128xf32, #tpu.memory_space<hbm>> -> memref<80x128xf32, #tpu.memory_space<hbm>>
    tpu.wait_dma2 semaphore(%arg8 : memref<!tpu.dma_semaphore, #tpu.memory_space<semaphore_mem>>) src(%dma_wait3A_740 : memref<80x128xf32, #tpu.memory_space<hbm>>) dst(%dma_wait3A_737 : memref<80x128xf32, #tpu.memory_space<vmem>>)
    %dma_wait3A_741 = arith.constant 2 : i32
    %dma_wait3A_742 = arith.constant 0 : i32
    %dma_wait3A_743 = arith.constant 0 : i32
    %dma_wait3A_744 = tpu.memref_slice %arg6[%dma_wait3A_741, %dma_wait3A_742, %dma_wait3A_743] : memref<4x1x80xi32, #tpu.memory_space<vmem>> -> memref<1x1x80xi32, #tpu.memory_space<vmem>>
    %dma_wait3A_745 = tpu.memref_squeeze %dma_wait3A_744 : memref<1x1x80xi32, #tpu.memory_space<vmem>> -> memref<1x80xi32, #tpu.memory_space<vmem>>
    %dma_wait3A_746 = arith.constant 0 : i32
    %dma_wait3A_747 = arith.constant 0 : i32
    %dma_wait3A_748 = tpu.memref_slice %arg3[%arg0, %add3A_725, %dma_wait3A_746, %dma_wait3A_747] : memref<2x2000x1x80xi32, #tpu.memory_space<hbm>> -> memref<1x1x1x80xi32, #tpu.memory_space<hbm>>
    %dma_wait3A_749 = tpu.memref_squeeze %dma_wait3A_748 : memref<1x1x1x80xi32, #tpu.memory_space<hbm>> -> memref<1x80xi32, #tpu.memory_space<hbm>>
    %dma_wait3A_750 = arith.constant 0 : i32
    %dma_wait3A_751 = arith.constant 0 : i32
    %dma_wait3A_752 = tpu.memref_slice %arg6[%dma_wait3A_741, %dma_wait3A_750, %dma_wait3A_751] : memref<4x1x80xi32, #tpu.memory_space<vmem>> -> memref<1x1x80xi32, #tpu.memory_space<vmem>>
    %dma_wait3A_753 = tpu.memref_squeeze %dma_wait3A_752 : memref<1x1x80xi32, #tpu.memory_space<vmem>> -> memref<1x80xi32, #tpu.memory_space<vmem>>
    %dma_wait3A_754 = arith.constant 0 : i32
    %dma_wait3A_755 = arith.constant 0 : i32
    %dma_wait3A_756 = tpu.memref_slice %arg3[%arg0, %add3A_725, %dma_wait3A_754, %dma_wait3A_755] : memref<2x2000x1x80xi32, #tpu.memory_space<hbm>> -> memref<1x1x1x80xi32, #tpu.memory_space<hbm>>
    %dma_wait3A_757 = tpu.memref_squeeze %dma_wait3A_756 : memref<1x1x1x80xi32, #tpu.memory_space<hbm>> -> memref<1x80xi32, #tpu.memory_space<hbm>>
    tpu.wait_dma2 semaphore(%arg8 : memref<!tpu.dma_semaphore, #tpu.memory_space<semaphore_mem>>) src(%dma_wait3A_757 : memref<1x80xi32, #tpu.memory_space<hbm>>) dst(%dma_wait3A_753 : memref<1x80xi32, #tpu.memory_space<vmem>>)
    %dma_start3A_758 = arith.constant 2 : i32
    %dma_start3A_759 = arith.constant 2 : i32
    %dma_start3A_760 = arith.constant 0 : i32
    %dma_start3A_761 = arith.constant 0 : i32
    %dma_start3A_762 = arith.constant 0 : i32
    %dma_start3A_763 = tpu.memref_slice %arg5[%dma_start3A_758, %dma_start3A_761, %dma_start3A_762] : memref<4x80x128xf32, #tpu.memory_space<vmem>> -> memref<1x80x128xf32, #tpu.memory_space<vmem>>
    %dma_start3A_764 = tpu.memref_squeeze %dma_start3A_763 : memref<1x80x128xf32, #tpu.memory_space<vmem>> -> memref<80x128xf32, #tpu.memory_space<vmem>>
    %dma_start3A_765 = arith.constant 0 : i32
    %dma_start3A_766 = tpu.memref_slice %arg6[%dma_start3A_759, %dma_start3A_760, %dma_start3A_765] : memref<4x1x80xi32, #tpu.memory_space<vmem>> -> memref<1x1x80xi32, #tpu.memory_space<vmem>>
    %dma_start3A_767 = tpu.memref_squeeze %dma_start3A_766 : memref<1x1x80xi32, #tpu.memory_space<vmem>> -> memref<80xi32, #tpu.memory_space<vmem>>
    %dma_start3A_768 = arith.constant 0 : i32
    %dma_start3A_769 = arith.constant 0 : i32
    %dma_start3A_770 = tpu.memref_slice %arg7[%dma_start3A_768, %dma_start3A_769] : memref<10000x128xf32, #tpu.memory_space<vmem_shared>> -> memref<10000x128xf32, #tpu.memory_space<vmem_shared>>
    tpu.enqueue_indirect_dma source(%dma_start3A_764 : memref<80x128xf32, #tpu.memory_space<vmem>>) target(%dma_start3A_770 : memref<10000x128xf32, #tpu.memory_space<vmem_shared>>) offsets(%dma_start3A_767 : memref<80xi32, #tpu.memory_space<vmem>>) semaphore(%arg9 : memref<!tpu.dma_semaphore, #tpu.memory_space<semaphore_mem>>) {add = true}
    %dma_wait3A_771 = arith.constant 1 : i32
    %dma_wait3A_772 = arith.constant 1 : i32
    %dma_wait3A_773 = arith.constant 0 : i32
    %dma_wait3A_774 = arith.constant 0 : i32
    %dma_wait3A_775 = arith.constant 0 : i32
    %dma_wait3A_776 = tpu.memref_slice %arg5[%dma_wait3A_771, %dma_wait3A_774, %dma_wait3A_775] : memref<4x80x128xf32, #tpu.memory_space<vmem>> -> memref<1x80x128xf32, #tpu.memory_space<vmem>>
    %dma_wait3A_777 = tpu.memref_squeeze %dma_wait3A_776 : memref<1x80x128xf32, #tpu.memory_space<vmem>> -> memref<80x128xf32, #tpu.memory_space<vmem>>
    %dma_wait3A_778 = arith.constant 0 : i32
    %dma_wait3A_779 = tpu.memref_slice %arg6[%dma_wait3A_772, %dma_wait3A_773, %dma_wait3A_778] : memref<4x1x80xi32, #tpu.memory_space<vmem>> -> memref<1x1x80xi32, #tpu.memory_space<vmem>>
    %dma_wait3A_780 = tpu.memref_squeeze %dma_wait3A_779 : memref<1x1x80xi32, #tpu.memory_space<vmem>> -> memref<80xi32, #tpu.memory_space<vmem>>
    %dma_wait3A_781 = arith.constant 0 : i32
    %dma_wait3A_782 = arith.constant 0 : i32
    %dma_wait3A_783 = tpu.memref_slice %arg7[%dma_wait3A_781, %dma_wait3A_782] : memref<10000x128xf32, #tpu.memory_space<vmem_shared>> -> memref<10000x128xf32, #tpu.memory_space<vmem_shared>>
    tpu.wait_indirect_dma semaphore(%arg9 : memref<!tpu.dma_semaphore, #tpu.memory_space<semaphore_mem>>) src(%dma_wait3A_777 : memref<80x128xf32, #tpu.memory_space<vmem>>) dst(%dma_wait3A_783 : memref<10000x128xf32, #tpu.memory_space<vmem_shared>>)
    %add3A_784 = arith.constant 9840 : i32
    %add3A_785 = arith.addi %mul3A_6, %add3A_784 : i32
    %add3A_786 = arith.constant 123 : i32
    %add3A_787 = arith.addi %mul3A_2, %add3A_786 : i32
    %dma_wait3A_788 = arith.constant 3 : i32
    %dma_wait3A_789 = arith.constant 0 : i32
    %dma_wait3A_790 = arith.constant 0 : i32
    %dma_wait3A_791 = tpu.memref_slice %arg5[%dma_wait3A_788, %dma_wait3A_789, %dma_wait3A_790] : memref<4x80x128xf32, #tpu.memory_space<vmem>> -> memref<1x80x128xf32, #tpu.memory_space<vmem>>
    %dma_wait3A_792 = tpu.memref_squeeze %dma_wait3A_791 : memref<1x80x128xf32, #tpu.memory_space<vmem>> -> memref<80x128xf32, #tpu.memory_space<vmem>>
    %dma_wait3A_793 = arith.constant 0 : i32
    %dma_wait3A_794 = tpu.memref_slice %arg2[%arg0, %add3A_785, %dma_wait3A_793] : memref<2x160000x128xf32, #tpu.memory_space<hbm>> -> memref<1x80x128xf32, #tpu.memory_space<hbm>>
    %dma_wait3A_795 = tpu.memref_squeeze %dma_wait3A_794 : memref<1x80x128xf32, #tpu.memory_space<hbm>> -> memref<80x128xf32, #tpu.memory_space<hbm>>
    %dma_wait3A_796 = arith.constant 0 : i32
    %dma_wait3A_797 = arith.constant 0 : i32
    %dma_wait3A_798 = tpu.memref_slice %arg5[%dma_wait3A_788, %dma_wait3A_796, %dma_wait3A_797] : memref<4x80x128xf32, #tpu.memory_space<vmem>> -> memref<1x80x128xf32, #tpu.memory_space<vmem>>
    %dma_wait3A_799 = tpu.memref_squeeze %dma_wait3A_798 : memref<1x80x128xf32, #tpu.memory_space<vmem>> -> memref<80x128xf32, #tpu.memory_space<vmem>>
    %dma_wait3A_800 = arith.constant 0 : i32
    %dma_wait3A_801 = tpu.memref_slice %arg2[%arg0, %add3A_785, %dma_wait3A_800] : memref<2x160000x128xf32, #tpu.memory_space<hbm>> -> memref<1x80x128xf32, #tpu.memory_space<hbm>>
    %dma_wait3A_802 = tpu.memref_squeeze %dma_wait3A_801 : memref<1x80x128xf32, #tpu.memory_space<hbm>> -> memref<80x128xf32, #tpu.memory_space<hbm>>
    tpu.wait_dma2 semaphore(%arg8 : memref<!tpu.dma_semaphore, #tpu.memory_space<semaphore_mem>>) src(%dma_wait3A_802 : memref<80x128xf32, #tpu.memory_space<hbm>>) dst(%dma_wait3A_799 : memref<80x128xf32, #tpu.memory_space<vmem>>)
    %dma_wait3A_803 = arith.constant 3 : i32
    %dma_wait3A_804 = arith.constant 0 : i32
    %dma_wait3A_805 = arith.constant 0 : i32
    %dma_wait3A_806 = tpu.memref_slice %arg6[%dma_wait3A_803, %dma_wait3A_804, %dma_wait3A_805] : memref<4x1x80xi32, #tpu.memory_space<vmem>> -> memref<1x1x80xi32, #tpu.memory_space<vmem>>
    %dma_wait3A_807 = tpu.memref_squeeze %dma_wait3A_806 : memref<1x1x80xi32, #tpu.memory_space<vmem>> -> memref<1x80xi32, #tpu.memory_space<vmem>>
    %dma_wait3A_808 = arith.constant 0 : i32
    %dma_wait3A_809 = arith.constant 0 : i32
    %dma_wait3A_810 = tpu.memref_slice %arg3[%arg0, %add3A_787, %dma_wait3A_808, %dma_wait3A_809] : memref<2x2000x1x80xi32, #tpu.memory_space<hbm>> -> memref<1x1x1x80xi32, #tpu.memory_space<hbm>>
    %dma_wait3A_811 = tpu.memref_squeeze %dma_wait3A_810 : memref<1x1x1x80xi32, #tpu.memory_space<hbm>> -> memref<1x80xi32, #tpu.memory_space<hbm>>
    %dma_wait3A_812 = arith.constant 0 : i32
    %dma_wait3A_813 = arith.constant 0 : i32
    %dma_wait3A_814 = tpu.memref_slice %arg6[%dma_wait3A_803, %dma_wait3A_812, %dma_wait3A_813] : memref<4x1x80xi32, #tpu.memory_space<vmem>> -> memref<1x1x80xi32, #tpu.memory_space<vmem>>
    %dma_wait3A_815 = tpu.memref_squeeze %dma_wait3A_814 : memref<1x1x80xi32, #tpu.memory_space<vmem>> -> memref<1x80xi32, #tpu.memory_space<vmem>>
    %dma_wait3A_816 = arith.constant 0 : i32
    %dma_wait3A_817 = arith.constant 0 : i32
    %dma_wait3A_818 = tpu.memref_slice %arg3[%arg0, %add3A_787, %dma_wait3A_816, %dma_wait3A_817] : memref<2x2000x1x80xi32, #tpu.memory_space<hbm>> -> memref<1x1x1x80xi32, #tpu.memory_space<hbm>>
    %dma_wait3A_819 = tpu.memref_squeeze %dma_wait3A_818 : memref<1x1x1x80xi32, #tpu.memory_space<hbm>> -> memref<1x80xi32, #tpu.memory_space<hbm>>
    tpu.wait_dma2 semaphore(%arg8 : memref<!tpu.dma_semaphore, #tpu.memory_space<semaphore_mem>>) src(%dma_wait3A_819 : memref<1x80xi32, #tpu.memory_space<hbm>>) dst(%dma_wait3A_815 : memref<1x80xi32, #tpu.memory_space<vmem>>)
    %dma_start3A_820 = arith.constant 3 : i32
    %dma_start3A_821 = arith.constant 3 : i32
    %dma_start3A_822 = arith.constant 0 : i32
    %dma_start3A_823 = arith.constant 0 : i32
    %dma_start3A_824 = arith.constant 0 : i32
    %dma_start3A_825 = tpu.memref_slice %arg5[%dma_start3A_820, %dma_start3A_823, %dma_start3A_824] : memref<4x80x128xf32, #tpu.memory_space<vmem>> -> memref<1x80x128xf32, #tpu.memory_space<vmem>>
    %dma_start3A_826 = tpu.memref_squeeze %dma_start3A_825 : memref<1x80x128xf32, #tpu.memory_space<vmem>> -> memref<80x128xf32, #tpu.memory_space<vmem>>
    %dma_start3A_827 = arith.constant 0 : i32
    %dma_start3A_828 = tpu.memref_slice %arg6[%dma_start3A_821, %dma_start3A_822, %dma_start3A_827] : memref<4x1x80xi32, #tpu.memory_space<vmem>> -> memref<1x1x80xi32, #tpu.memory_space<vmem>>
    %dma_start3A_829 = tpu.memref_squeeze %dma_start3A_828 : memref<1x1x80xi32, #tpu.memory_space<vmem>> -> memref<80xi32, #tpu.memory_space<vmem>>
    %dma_start3A_830 = arith.constant 0 : i32
    %dma_start3A_831 = arith.constant 0 : i32
    %dma_start3A_832 = tpu.memref_slice %arg7[%dma_start3A_830, %dma_start3A_831] : memref<10000x128xf32, #tpu.memory_space<vmem_shared>> -> memref<10000x128xf32, #tpu.memory_space<vmem_shared>>
    tpu.enqueue_indirect_dma source(%dma_start3A_826 : memref<80x128xf32, #tpu.memory_space<vmem>>) target(%dma_start3A_832 : memref<10000x128xf32, #tpu.memory_space<vmem_shared>>) offsets(%dma_start3A_829 : memref<80xi32, #tpu.memory_space<vmem>>) semaphore(%arg9 : memref<!tpu.dma_semaphore, #tpu.memory_space<semaphore_mem>>) {add = true}
    %dma_wait3A_833 = arith.constant 2 : i32
    %dma_wait3A_834 = arith.constant 2 : i32
    %dma_wait3A_835 = arith.constant 0 : i32
    %dma_wait3A_836 = arith.constant 0 : i32
    %dma_wait3A_837 = arith.constant 0 : i32
    %dma_wait3A_838 = tpu.memref_slice %arg5[%dma_wait3A_833, %dma_wait3A_836, %dma_wait3A_837] : memref<4x80x128xf32, #tpu.memory_space<vmem>> -> memref<1x80x128xf32, #tpu.memory_space<vmem>>
    %dma_wait3A_839 = tpu.memref_squeeze %dma_wait3A_838 : memref<1x80x128xf32, #tpu.memory_space<vmem>> -> memref<80x128xf32, #tpu.memory_space<vmem>>
    %dma_wait3A_840 = arith.constant 0 : i32
    %dma_wait3A_841 = tpu.memref_slice %arg6[%dma_wait3A_834, %dma_wait3A_835, %dma_wait3A_840] : memref<4x1x80xi32, #tpu.memory_space<vmem>> -> memref<1x1x80xi32, #tpu.memory_space<vmem>>
    %dma_wait3A_842 = tpu.memref_squeeze %dma_wait3A_841 : memref<1x1x80xi32, #tpu.memory_space<vmem>> -> memref<80xi32, #tpu.memory_space<vmem>>
    %dma_wait3A_843 = arith.constant 0 : i32
    %dma_wait3A_844 = arith.constant 0 : i32
    %dma_wait3A_845 = tpu.memref_slice %arg7[%dma_wait3A_843, %dma_wait3A_844] : memref<10000x128xf32, #tpu.memory_space<vmem_shared>> -> memref<10000x128xf32, #tpu.memory_space<vmem_shared>>
    tpu.wait_indirect_dma semaphore(%arg9 : memref<!tpu.dma_semaphore, #tpu.memory_space<semaphore_mem>>) src(%dma_wait3A_839 : memref<80x128xf32, #tpu.memory_space<vmem>>) dst(%dma_wait3A_845 : memref<10000x128xf32, #tpu.memory_space<vmem_shared>>)
    %add3A_846 = arith.constant 9920 : i32
    %add3A_847 = arith.addi %mul3A_6, %add3A_846 : i32
    %add3A_848 = arith.constant 124 : i32
    %add3A_849 = arith.addi %mul3A_2, %add3A_848 : i32
    %dma_wait3A_850 = arith.constant 0 : i32
    %dma_wait3A_851 = arith.constant 0 : i32
    %dma_wait3A_852 = arith.constant 0 : i32
    %dma_wait3A_853 = tpu.memref_slice %arg5[%dma_wait3A_850, %dma_wait3A_851, %dma_wait3A_852] : memref<4x80x128xf32, #tpu.memory_space<vmem>> -> memref<1x80x128xf32, #tpu.memory_space<vmem>>
    %dma_wait3A_854 = tpu.memref_squeeze %dma_wait3A_853 : memref<1x80x128xf32, #tpu.memory_space<vmem>> -> memref<80x128xf32, #tpu.memory_space<vmem>>
    %dma_wait3A_855 = arith.constant 0 : i32
    %dma_wait3A_856 = tpu.memref_slice %arg2[%arg0, %add3A_847, %dma_wait3A_855] : memref<2x160000x128xf32, #tpu.memory_space<hbm>> -> memref<1x80x128xf32, #tpu.memory_space<hbm>>
    %dma_wait3A_857 = tpu.memref_squeeze %dma_wait3A_856 : memref<1x80x128xf32, #tpu.memory_space<hbm>> -> memref<80x128xf32, #tpu.memory_space<hbm>>
    %dma_wait3A_858 = arith.constant 0 : i32
    %dma_wait3A_859 = arith.constant 0 : i32
    %dma_wait3A_860 = tpu.memref_slice %arg5[%dma_wait3A_850, %dma_wait3A_858, %dma_wait3A_859] : memref<4x80x128xf32, #tpu.memory_space<vmem>> -> memref<1x80x128xf32, #tpu.memory_space<vmem>>
    %dma_wait3A_861 = tpu.memref_squeeze %dma_wait3A_860 : memref<1x80x128xf32, #tpu.memory_space<vmem>> -> memref<80x128xf32, #tpu.memory_space<vmem>>
    %dma_wait3A_862 = arith.constant 0 : i32
    %dma_wait3A_863 = tpu.memref_slice %arg2[%arg0, %add3A_847, %dma_wait3A_862] : memref<2x160000x128xf32, #tpu.memory_space<hbm>> -> memref<1x80x128xf32, #tpu.memory_space<hbm>>
    %dma_wait3A_864 = tpu.memref_squeeze %dma_wait3A_863 : memref<1x80x128xf32, #tpu.memory_space<hbm>> -> memref<80x128xf32, #tpu.memory_space<hbm>>
    tpu.wait_dma2 semaphore(%arg8 : memref<!tpu.dma_semaphore, #tpu.memory_space<semaphore_mem>>) src(%dma_wait3A_864 : memref<80x128xf32, #tpu.memory_space<hbm>>) dst(%dma_wait3A_861 : memref<80x128xf32, #tpu.memory_space<vmem>>)
    %dma_wait3A_865 = arith.constant 0 : i32
    %dma_wait3A_866 = arith.constant 0 : i32
    %dma_wait3A_867 = arith.constant 0 : i32
    %dma_wait3A_868 = tpu.memref_slice %arg6[%dma_wait3A_865, %dma_wait3A_866, %dma_wait3A_867] : memref<4x1x80xi32, #tpu.memory_space<vmem>> -> memref<1x1x80xi32, #tpu.memory_space<vmem>>
    %dma_wait3A_869 = tpu.memref_squeeze %dma_wait3A_868 : memref<1x1x80xi32, #tpu.memory_space<vmem>> -> memref<1x80xi32, #tpu.memory_space<vmem>>
    %dma_wait3A_870 = arith.constant 0 : i32
    %dma_wait3A_871 = arith.constant 0 : i32
    %dma_wait3A_872 = tpu.memref_slice %arg3[%arg0, %add3A_849, %dma_wait3A_870, %dma_wait3A_871] : memref<2x2000x1x80xi32, #tpu.memory_space<hbm>> -> memref<1x1x1x80xi32, #tpu.memory_space<hbm>>
    %dma_wait3A_873 = tpu.memref_squeeze %dma_wait3A_872 : memref<1x1x1x80xi32, #tpu.memory_space<hbm>> -> memref<1x80xi32, #tpu.memory_space<hbm>>
    %dma_wait3A_874 = arith.constant 0 : i32
    %dma_wait3A_875 = arith.constant 0 : i32
    %dma_wait3A_876 = tpu.memref_slice %arg6[%dma_wait3A_865, %dma_wait3A_874, %dma_wait3A_875] : memref<4x1x80xi32, #tpu.memory_space<vmem>> -> memref<1x1x80xi32, #tpu.memory_space<vmem>>
    %dma_wait3A_877 = tpu.memref_squeeze %dma_wait3A_876 : memref<1x1x80xi32, #tpu.memory_space<vmem>> -> memref<1x80xi32, #tpu.memory_space<vmem>>
    %dma_wait3A_878 = arith.constant 0 : i32
    %dma_wait3A_879 = arith.constant 0 : i32
    %dma_wait3A_880 = tpu.memref_slice %arg3[%arg0, %add3A_849, %dma_wait3A_878, %dma_wait3A_879] : memref<2x2000x1x80xi32, #tpu.memory_space<hbm>> -> memref<1x1x1x80xi32, #tpu.memory_space<hbm>>
    %dma_wait3A_881 = tpu.memref_squeeze %dma_wait3A_880 : memref<1x1x1x80xi32, #tpu.memory_space<hbm>> -> memref<1x80xi32, #tpu.memory_space<hbm>>
    tpu.wait_dma2 semaphore(%arg8 : memref<!tpu.dma_semaphore, #tpu.memory_space<semaphore_mem>>) src(%dma_wait3A_881 : memref<1x80xi32, #tpu.memory_space<hbm>>) dst(%dma_wait3A_877 : memref<1x80xi32, #tpu.memory_space<vmem>>)
    %dma_start3A_882 = arith.constant 0 : i32
    %dma_start3A_883 = arith.constant 0 : i32
    %dma_start3A_884 = arith.constant 0 : i32
    %dma_start3A_885 = arith.constant 0 : i32
    %dma_start3A_886 = arith.constant 0 : i32
    %dma_start3A_887 = tpu.memref_slice %arg5[%dma_start3A_882, %dma_start3A_885, %dma_start3A_886] : memref<4x80x128xf32, #tpu.memory_space<vmem>> -> memref<1x80x128xf32, #tpu.memory_space<vmem>>
    %dma_start3A_888 = tpu.memref_squeeze %dma_start3A_887 : memref<1x80x128xf32, #tpu.memory_space<vmem>> -> memref<80x128xf32, #tpu.memory_space<vmem>>
    %dma_start3A_889 = arith.constant 0 : i32
    %dma_start3A_890 = tpu.memref_slice %arg6[%dma_start3A_883, %dma_start3A_884, %dma_start3A_889] : memref<4x1x80xi32, #tpu.memory_space<vmem>> -> memref<1x1x80xi32, #tpu.memory_space<vmem>>
    %dma_start3A_891 = tpu.memref_squeeze %dma_start3A_890 : memref<1x1x80xi32, #tpu.memory_space<vmem>> -> memref<80xi32, #tpu.memory_space<vmem>>
    %dma_start3A_892 = arith.constant 0 : i32
    %dma_start3A_893 = arith.constant 0 : i32
    %dma_start3A_894 = tpu.memref_slice %arg7[%dma_start3A_892, %dma_start3A_893] : memref<10000x128xf32, #tpu.memory_space<vmem_shared>> -> memref<10000x128xf32, #tpu.memory_space<vmem_shared>>
    tpu.enqueue_indirect_dma source(%dma_start3A_888 : memref<80x128xf32, #tpu.memory_space<vmem>>) target(%dma_start3A_894 : memref<10000x128xf32, #tpu.memory_space<vmem_shared>>) offsets(%dma_start3A_891 : memref<80xi32, #tpu.memory_space<vmem>>) semaphore(%arg9 : memref<!tpu.dma_semaphore, #tpu.memory_space<semaphore_mem>>) {add = true}
    %dma_wait3A_895 = arith.constant 3 : i32
    %dma_wait3A_896 = arith.constant 3 : i32
    %dma_wait3A_897 = arith.constant 0 : i32
    %dma_wait3A_898 = arith.constant 0 : i32
    %dma_wait3A_899 = arith.constant 0 : i32
    %dma_wait3A_900 = tpu.memref_slice %arg5[%dma_wait3A_895, %dma_wait3A_898, %dma_wait3A_899] : memref<4x80x128xf32, #tpu.memory_space<vmem>> -> memref<1x80x128xf32, #tpu.memory_space<vmem>>
    %dma_wait3A_901 = tpu.memref_squeeze %dma_wait3A_900 : memref<1x80x128xf32, #tpu.memory_space<vmem>> -> memref<80x128xf32, #tpu.memory_space<vmem>>
    %dma_wait3A_902 = arith.constant 0 : i32
    %dma_wait3A_903 = tpu.memref_slice %arg6[%dma_wait3A_896, %dma_wait3A_897, %dma_wait3A_902] : memref<4x1x80xi32, #tpu.memory_space<vmem>> -> memref<1x1x80xi32, #tpu.memory_space<vmem>>
    %dma_wait3A_904 = tpu.memref_squeeze %dma_wait3A_903 : memref<1x1x80xi32, #tpu.memory_space<vmem>> -> memref<80xi32, #tpu.memory_space<vmem>>
    %dma_wait3A_905 = arith.constant 0 : i32
    %dma_wait3A_906 = arith.constant 0 : i32
    %dma_wait3A_907 = tpu.memref_slice %arg7[%dma_wait3A_905, %dma_wait3A_906] : memref<10000x128xf32, #tpu.memory_space<vmem_shared>> -> memref<10000x128xf32, #tpu.memory_space<vmem_shared>>
    tpu.wait_indirect_dma semaphore(%arg9 : memref<!tpu.dma_semaphore, #tpu.memory_space<semaphore_mem>>) src(%dma_wait3A_901 : memref<80x128xf32, #tpu.memory_space<vmem>>) dst(%dma_wait3A_907 : memref<10000x128xf32, #tpu.memory_space<vmem_shared>>)
    %dma_wait3A_908 = arith.constant 0 : i32
    %dma_wait3A_909 = arith.constant 0 : i32
    %dma_wait3A_910 = arith.constant 0 : i32
    %dma_wait3A_911 = arith.constant 0 : i32
    %dma_wait3A_912 = arith.constant 0 : i32
    %dma_wait3A_913 = tpu.memref_slice %arg5[%dma_wait3A_908, %dma_wait3A_911, %dma_wait3A_912] : memref<4x80x128xf32, #tpu.memory_space<vmem>> -> memref<1x80x128xf32, #tpu.memory_space<vmem>>
    %dma_wait3A_914 = tpu.memref_squeeze %dma_wait3A_913 : memref<1x80x128xf32, #tpu.memory_space<vmem>> -> memref<80x128xf32, #tpu.memory_space<vmem>>
    %dma_wait3A_915 = arith.constant 0 : i32
    %dma_wait3A_916 = tpu.memref_slice %arg6[%dma_wait3A_909, %dma_wait3A_910, %dma_wait3A_915] : memref<4x1x80xi32, #tpu.memory_space<vmem>> -> memref<1x1x80xi32, #tpu.memory_space<vmem>>
    %dma_wait3A_917 = tpu.memref_squeeze %dma_wait3A_916 : memref<1x1x80xi32, #tpu.memory_space<vmem>> -> memref<80xi32, #tpu.memory_space<vmem>>
    %dma_wait3A_918 = arith.constant 0 : i32
    %dma_wait3A_919 = arith.constant 0 : i32
    %dma_wait3A_920 = tpu.memref_slice %arg7[%dma_wait3A_918, %dma_wait3A_919] : memref<10000x128xf32, #tpu.memory_space<vmem_shared>> -> memref<10000x128xf32, #tpu.memory_space<vmem_shared>>
    tpu.wait_indirect_dma semaphore(%arg9 : memref<!tpu.dma_semaphore, #tpu.memory_space<semaphore_mem>>) src(%dma_wait3A_914 : memref<80x128xf32, #tpu.memory_space<vmem>>) dst(%dma_wait3A_920 : memref<10000x128xf32, #tpu.memory_space<vmem_shared>>)
    %barrier3A_921 = arith.constant 0 : index
    tpu.barrier barrier_id(%barrier3A_921)
    "tpu.region"() ({
      %run_scoped3A_922 = tpu.sem_alloc : memref<!tpu.dma_semaphore, #tpu.memory_space<semaphore_mem>>
      %dma_start3A_923 = arith.constant 0 : i32
      %dma_start3A_924 = tpu.memref_slice %arg4[%arg0, %mul3A_0, %dma_start3A_923] : memref<2x10000x128xf32, #tpu.memory_space<hbm>> -> memref<1x640x128xf32, #tpu.memory_space<hbm>>
      %dma_start3A_925 = tpu.memref_squeeze %dma_start3A_924 : memref<1x640x128xf32, #tpu.memory_space<hbm>> -> memref<640x128xf32, #tpu.memory_space<hbm>>
      %dma_start3A_926 = arith.constant 0 : i32
      %dma_start3A_927 = tpu.memref_slice %arg7[%mul3A_0, %dma_start3A_926] : memref<10000x128xf32, #tpu.memory_space<vmem_shared>> -> memref<640x128xf32, #tpu.memory_space<vmem_shared>>
      tpu.enqueue_dma source(%dma_start3A_927 : memref<640x128xf32, #tpu.memory_space<vmem_shared>>) target(%dma_start3A_925 : memref<640x128xf32, #tpu.memory_space<hbm>>) target_semaphore(%run_scoped3A_922 : memref<!tpu.dma_semaphore, #tpu.memory_space<semaphore_mem>>)
      %dma_wait3A_928 = arith.constant 0 : i32
      %dma_wait3A_929 = tpu.memref_slice %arg4[%arg0, %mul3A_0, %dma_wait3A_928] : memref<2x10000x128xf32, #tpu.memory_space<hbm>> -> memref<1x640x128xf32, #tpu.memory_space<hbm>>
      %dma_wait3A_930 = tpu.memref_squeeze %dma_wait3A_929 : memref<1x640x128xf32, #tpu.memory_space<hbm>> -> memref<640x128xf32, #tpu.memory_space<hbm>>
      %dma_wait3A_931 = arith.constant 0 : i32
      %dma_wait3A_932 = tpu.memref_slice %arg7[%mul3A_0, %dma_wait3A_931] : memref<10000x128xf32, #tpu.memory_space<vmem_shared>> -> memref<640x128xf32, #tpu.memory_space<vmem_shared>>
      tpu.wait_dma2 semaphore(%run_scoped3A_922 : memref<!tpu.dma_semaphore, #tpu.memory_space<semaphore_mem>>) src(%dma_wait3A_932 : memref<640x128xf32, #tpu.memory_space<vmem_shared>>) dst(%dma_wait3A_930 : memref<640x128xf32, #tpu.memory_space<hbm>>)
      tpu.yield
    }) : () -> ()
    return
  }
}

module attributes {stable_mosaic.version = 14 : i64} {
  func.func @_mlp_body(%arg0: i32, %arg1: memref<4000x128xbf16, #tpu.memory_space<vmem>>, %arg2: memref<4000x128xf32, #tpu.memory_space<vmem>>, %arg3: memref<128x128xf32, #tpu.memory_space<vmem>>, %arg4: memref<128x128xf32, #tpu.memory_space<vmem>>, %arg5: memref<1x128xf32, #tpu.memory_space<vmem>>, %arg6: memref<128x128xf32, #tpu.memory_space<vmem>>, %arg7: memref<1x128xf32, #tpu.memory_space<vmem>>, %arg8: memref<128x128xf32, #tpu.memory_space<vmem>>, %arg9: memref<1x128xf32, #tpu.memory_space<vmem>>, %arg10: memref<4000x128xf32, #tpu.memory_space<vmem>>) attributes {dimension_semantics = [#tpu.dimension_semantics<arbitrary>], iteration_bounds = array<i64: 5>, scalar_prefetch = 0 : i64, scratch_operands = 0 : i64, tpu.core_type = #tpu.core_type<tc>, window_params = [{transform_indices = @transform_0, window_bounds = array<i64: 4000, 128>}, {transform_indices = @transform_1, window_bounds = array<i64: 4000, 128>}, {pipeline_mode = #tpu.pipeline_mode<synchronous>, transform_indices = @transform_2, window_bounds = array<i64: 128, 128>}, {pipeline_mode = #tpu.pipeline_mode<synchronous>, transform_indices = @transform_3, window_bounds = array<i64: 128, 128>}, {pipeline_mode = #tpu.pipeline_mode<synchronous>, transform_indices = @transform_4, window_bounds = array<i64: 1, 128>}, {pipeline_mode = #tpu.pipeline_mode<synchronous>, transform_indices = @transform_5, window_bounds = array<i64: 128, 128>}, {pipeline_mode = #tpu.pipeline_mode<synchronous>, transform_indices = @transform_6, window_bounds = array<i64: 1, 128>}, {pipeline_mode = #tpu.pipeline_mode<synchronous>, transform_indices = @transform_7, window_bounds = array<i64: 128, 128>}, {pipeline_mode = #tpu.pipeline_mode<synchronous>, transform_indices = @transform_8, window_bounds = array<i64: 1, 128>}, {transform_indices = @transform_9, window_bounds = array<i64: 4000, 128>}]} {
    %get3A = arith.constant 0 : index
    %get3A_0 = arith.constant 0 : index
    %get3A_1 = vector.load %arg1[%get3A, %get3A_0] : memref<4000x128xbf16, #tpu.memory_space<vmem>>, vector<4000x128xbf16>
    %convert_element_type3A = arith.extf %get3A_1 : vector<4000x128xbf16> to vector<4000x128xf32>
    %get3A_2 = arith.constant 0 : index
    %get3A_3 = arith.constant 0 : index
    %get3A_4 = vector.load %arg3[%get3A_2, %get3A_3] : memref<128x128xf32, #tpu.memory_space<vmem>>, vector<128x128xf32>
    %dot_general3A = arith.constant dense<0.000000e+00> : vector<4000x128xf32>
    %dot_general3A_5 = tpu.matmul %convert_element_type3A, %get3A_4, %dot_general3A {dimension_numbers = #tpu.dot_dimension_numbers<[1], [0], [0], [1], [0, 0, 1, 1], [], []>, transpose_lhs_hint = false} : vector<4000x128xf32>, vector<128x128xf32>, vector<4000x128xf32> -> vector<4000x128xf32>
    %get3A_6 = arith.constant 0 : index
    %get3A_7 = arith.constant 0 : index
    %get3A_8 = vector.load %arg2[%get3A_6, %get3A_7] : memref<4000x128xf32, #tpu.memory_space<vmem>>, vector<4000x128xf32>
    %get3A_9 = arith.constant 0 : index
    %get3A_10 = arith.constant 0 : index
    %get3A_11 = vector.load %arg4[%get3A_9, %get3A_10] : memref<128x128xf32, #tpu.memory_space<vmem>>, vector<128x128xf32>
    %dot_general3A_12 = arith.constant dense<0.000000e+00> : vector<4000x128xf32>
    %dot_general3A_13 = tpu.matmul %get3A_8, %get3A_11, %dot_general3A_12 {dimension_numbers = #tpu.dot_dimension_numbers<[1], [0], [0], [1], [0, 0, 1, 1], [], []>, transpose_lhs_hint = false} : vector<4000x128xf32>, vector<128x128xf32>, vector<4000x128xf32> -> vector<4000x128xf32>
    %add3A = arith.addf %dot_general3A_5, %dot_general3A_13 : vector<4000x128xf32>
    %get3A_14 = arith.constant 0 : index
    %get3A_15 = arith.constant 0 : index
    %get3A_16 = vector.load %arg5[%get3A_14, %get3A_15] : memref<1x128xf32, #tpu.memory_space<vmem>>, vector<1x128xf32>
    %add3A_17 = vector.broadcast %get3A_16 : vector<1x128xf32> to vector<4000x128xf32>
    %add3A_18 = arith.addf %add3A, %add3A_17 : vector<4000x128xf32>
    %max3A = arith.constant 0.000000e+00 : f32
    %max3A_19 = vector.broadcast %max3A : f32 to vector<4000x128xf32>
    %max3A_20 = arith.maximumf %add3A_18, %max3A_19 : vector<4000x128xf32>
    %get3A_21 = arith.constant 0 : index
    %get3A_22 = arith.constant 0 : index
    %get3A_23 = vector.load %arg6[%get3A_21, %get3A_22] : memref<128x128xf32, #tpu.memory_space<vmem>>, vector<128x128xf32>
    %dot_general3A_24 = arith.constant dense<0.000000e+00> : vector<4000x128xf32>
    %dot_general3A_25 = tpu.matmul %max3A_20, %get3A_23, %dot_general3A_24 {dimension_numbers = #tpu.dot_dimension_numbers<[1], [0], [0], [1], [0, 0, 1, 1], [], []>, transpose_lhs_hint = false} : vector<4000x128xf32>, vector<128x128xf32>, vector<4000x128xf32> -> vector<4000x128xf32>
    %get3A_26 = arith.constant 0 : index
    %get3A_27 = arith.constant 0 : index
    %get3A_28 = vector.load %arg7[%get3A_26, %get3A_27] : memref<1x128xf32, #tpu.memory_space<vmem>>, vector<1x128xf32>
    %add3A_29 = vector.broadcast %get3A_28 : vector<1x128xf32> to vector<4000x128xf32>
    %add3A_30 = arith.addf %dot_general3A_25, %add3A_29 : vector<4000x128xf32>
    %max3A_31 = arith.constant 0.000000e+00 : f32
    %max3A_32 = vector.broadcast %max3A_31 : f32 to vector<4000x128xf32>
    %max3A_33 = arith.maximumf %add3A_30, %max3A_32 : vector<4000x128xf32>
    %get3A_34 = arith.constant 0 : index
    %get3A_35 = arith.constant 0 : index
    %get3A_36 = vector.load %arg8[%get3A_34, %get3A_35] : memref<128x128xf32, #tpu.memory_space<vmem>>, vector<128x128xf32>
    %dot_general3A_37 = arith.constant dense<0.000000e+00> : vector<4000x128xf32>
    %dot_general3A_38 = tpu.matmul %max3A_33, %get3A_36, %dot_general3A_37 {dimension_numbers = #tpu.dot_dimension_numbers<[1], [0], [0], [1], [0, 0, 1, 1], [], []>, transpose_lhs_hint = false} : vector<4000x128xf32>, vector<128x128xf32>, vector<4000x128xf32> -> vector<4000x128xf32>
    %get3A_39 = arith.constant 0 : index
    %get3A_40 = arith.constant 0 : index
    %get3A_41 = vector.load %arg9[%get3A_39, %get3A_40] : memref<1x128xf32, #tpu.memory_space<vmem>>, vector<1x128xf32>
    %add3A_42 = vector.broadcast %get3A_41 : vector<1x128xf32> to vector<4000x128xf32>
    %add3A_43 = arith.addf %dot_general3A_38, %add3A_42 : vector<4000x128xf32>
    %max3A_44 = arith.constant 0.000000e+00 : f32
    %max3A_45 = vector.broadcast %max3A_44 : f32 to vector<4000x128xf32>
    %max3A_46 = arith.maximumf %add3A_43, %max3A_45 : vector<4000x128xf32>
    %swap3A = arith.constant 0 : index
    %swap3A_47 = arith.constant 0 : index
    %swap3A_48 = vector.load %arg10[%swap3A, %swap3A_47] : memref<4000x128xf32, #tpu.memory_space<vmem>>, vector<4000x128xf32>
    tpu.vector_store %arg10[%swap3A, %swap3A_47], %max3A_46 {strides = array<i32>} : memref<4000x128xf32, #tpu.memory_space<vmem>>, vector<4000x128xf32>,
    return
  }
  func.func @transform_0(%arg0: i32) -> (i32, i32) {
    %c0_i32 = arith.constant 0 : i32
    %c0_i32_0 = arith.constant 0 : i32
    return %arg0, %c0_i32 : i32, i32
  }
  func.func @transform_1(%arg0: i32) -> (i32, i32) {
    %c0_i32 = arith.constant 0 : i32
    %c0_i32_0 = arith.constant 0 : i32
    return %arg0, %c0_i32 : i32, i32
  }
  func.func @transform_2(%arg0: i32) -> (i32, i32) {
    %c0_i32 = arith.constant 0 : i32
    %c0_i32_0 = arith.constant 0 : i32
    %c0_i32_1 = arith.constant 0 : i32
    return %c0_i32, %c0_i32_0 : i32, i32
  }
  func.func @transform_3(%arg0: i32) -> (i32, i32) {
    %c0_i32 = arith.constant 0 : i32
    %c0_i32_0 = arith.constant 0 : i32
    %c0_i32_1 = arith.constant 0 : i32
    return %c0_i32, %c0_i32_0 : i32, i32
  }
  func.func @transform_4(%arg0: i32) -> (i32, i32) {
    %c0_i32 = arith.constant 0 : i32
    %c0_i32_0 = arith.constant 0 : i32
    %c0_i32_1 = arith.constant 0 : i32
    return %c0_i32, %c0_i32_0 : i32, i32
  }
  func.func @transform_5(%arg0: i32) -> (i32, i32) {
    %c0_i32 = arith.constant 0 : i32
    %c0_i32_0 = arith.constant 0 : i32
    %c0_i32_1 = arith.constant 0 : i32
    return %c0_i32, %c0_i32_0 : i32, i32
  }
  func.func @transform_6(%arg0: i32) -> (i32, i32) {
    %c0_i32 = arith.constant 0 : i32
    %c0_i32_0 = arith.constant 0 : i32
    %c0_i32_1 = arith.constant 0 : i32
    return %c0_i32, %c0_i32_0 : i32, i32
  }
  func.func @transform_7(%arg0: i32) -> (i32, i32) {
    %c0_i32 = arith.constant 0 : i32
    %c0_i32_0 = arith.constant 0 : i32
    %c0_i32_1 = arith.constant 0 : i32
    return %c0_i32, %c0_i32_0 : i32, i32
  }
  func.func @transform_8(%arg0: i32) -> (i32, i32) {
    %c0_i32 = arith.constant 0 : i32
    %c0_i32_0 = arith.constant 0 : i32
    %c0_i32_1 = arith.constant 0 : i32
    return %c0_i32, %c0_i32_0 : i32, i32
  }
  func.func @transform_9(%arg0: i32) -> (i32, i32) {
    %c0_i32 = arith.constant 0 : i32
    %c0_i32_0 = arith.constant 0 : i32
    return %arg0, %c0_i32 : i32, i32
  }
}

</mosaic_0001>

<sc_bundles>
// kernel: kernel.4.cloned.1.call-start
scs
__scs_entry_jumppad:
0x0: {  	(pc) =	sbr.rel $0x88, $3  }
0x1: {  	(tag) =	ssettag $0x0;
	lr =	simm.s32 $0x1  }
0x2: {  	[smem:$0x3F98] =	sst lr;
	_ =	strace $0xD0000000  }
0x3: {  	_ = 	snop  }
0x4: {  	_ = 	snop  }
0x5: {  	_ = 	snop  }
0x6: {  	_ = 	snop  }
0x7: {  	_ = 	snop  }
__scs_overlays_trampoline_lowered:
0x8: {  	[smem:$0x3FA7] =	sst s0  }
0x9: {  	[smem:$0x3FA8] =	sst s1  }
0xa: {  	[smem:$0x3FA9] =	sst s2  }
0xb: {  	[smem:$0x3FAA] =	sst s3  }
0xc: {  	[smem:$0x3FAB] =	sst s4  }
0xd: {  	[smem:$0x3FAC] =	sst s5  }
0xe: {  	[smem:$0x3FAD] =	sst s6  }
0xf: {  	[smem:$0x3FAE] =	sst s7  }
0x10: {  	[smem:$0x3FAF] =	sst s8  }
0x11: {  	[smem:$0x3FB0] =	sst s9;
	s0 =	simm.s32 @!p0 $0x0  }
0x12: {  	s1 =	sld [smem:$0x3F96];
	s0 =	simm.s32 @p0 $0x1  }
0x13: {  	[smem:$0x3FB1] =	sst s0;
	s0 =	simm.s32 @!p1 $0x0  }
0x14: {  	s2 =	sld [smem:$0x3F95];
	s0 =	simm.s32 @p1 $0x1  }
0x15: {  	[smem:$0x3FB2] =	sst s0;
	s0 =	simm.s32 @!p2 $0x0  }
0x16: {  	s3 =	sld [smem:$0x3FDB];
	s0 =	simm.s32 @p2 $0x1  }
0x17: {  	s4 =	simm.s32 $0x1BF5;
	[smem:$0x3FB4] =	sst s0  }
0x18: {  	s0 =	sld [smem:$0x3F97];
	_ =	swait.ge [sflag:s4], $0x0  }
0x19: {  	s7 =	sld [smem:$0x3F98]  }
0x1a: {  	s8 =	sadd.s32 $0xFFFFE003, lr  }
0x1b: {  	s9 =	sadd.s32 $0xFFFFFEF7, lr;
	s5 =	simm.s32 $0xFFFFFFFF;
	p2 =	slt.u32 s8, $0xFFFFF086  }
0x1c: {  	p1 =	slt.u32 s9, $0xF7A;
	s5 =	simm.s32 @!p2 $0x0  }
0x1d: {  	s5 =	simm.s32 @p1 $0x1;
	p0 =	seq.s32 s7, s2  }
0x1e: {  	s7 =	smul.u32 @!p0 $0xF7A, s2;
	p2 =	seq.s32 @!p0 s5, $0x0  }
0x1f: {  	s9 =	smul.u32 $0xF7A, s1;
	s8 =	simm.s32 @!p0 $0x1BF5;
	p2 =	por !p2, p0  }
0x20: {  	[sflag:s8] =	ssyncset.s32 @!p0 $0xFFFFF086;
	s6 =	sadd.s32 @!p0 s3, s7;
	s7 =	simm.s32 @!p0 $0x108  }
0x21: {  	s3 =	sadd.s32 s3, s9;
	s6 =	sadd.s32 @!p0 $0x88, s6;
	s7 =	simm.s32 @p2 $0x1082  }
0x22: {  	[simem:s7], [sflag:s8] =	dma.local @!p0 [hbm:s6], $0xF7A  }
0x23: {  	s9 =	sor.u32 $0xD0000000, s2;
	s6 =	simm.s32 $0x108;
	_ =	swait.ge @!p0 [sflag:s8], $0x0  }
0x24: {  	s3 =	sadd.s32 $0x88, s3;
	s6 =	simm.s32 @!p1 $0x1082;
	[sflag:s4] =	ssyncset.s32 $0xFFFFF086  }
0x25: {  	[simem:s6], [sflag:s4] =	dma.local [hbm:s3], $0xF7A  }
0x26: {  	[smem:$0x3F98] =	sst s1;
	(tag) =	ssettag s2;
	_ =	strace s9  }
0x27: {  	s1 =	sld [smem:$0x3FA8]  }
0x28: {  	s2 =	sld [smem:$0x3FA9]  }
0x29: {  	s4 =	sld [smem:$0x3FAB]  }
0x2a: {  	p0 =	seq.s32 s5, $0x0;
	s5 =	sld [smem:$0x3FAC]  }
0x2b: {  	s6 =	sld [smem:$0x3FAD]  }
0x2c: {  	s7 =	sld [smem:$0x3FAE]  }
0x2d: {  	s3 =	simm.s32 $0x108;
	s8 =	sld [smem:$0x3FAF]  }
0x2e: {  	s3 =	simm.s32 @!p0 $0x1082;
	s9 =	sld [smem:$0x3FB0]  }
0x2f: {  	lr =	sadd.s32 s0, s3;
	s0 =	sld [smem:$0x3FA7]  }
0x30: {  	s3 =	sld [smem:$0x3FAA]  }
0x31: {  	[smem:$0x3FB3] =	sst s10  }
0x32: {  	s10 =	sld [smem:$0x3FB1];
	_ =	sdelay $0x3  }
0x33: {  	p0 =	seq.s32 s10, $0x1;
	s10 =	sld [smem:$0x3FB3];
	_ =	sdelay $0x3  }
0x34: {  	[smem:$0x3FB3] =	sst s10  }
0x35: {  	s10 =	sld [smem:$0x3FB2];
	_ =	sdelay $0x3  }
0x36: {  	p1 =	seq.s32 s10, $0x1;
	s10 =	sld [smem:$0x3FB3];
	_ =	sdelay $0x3  }
0x37: {  	[smem:$0x3FB3] =	sst s10  }
0x38: {  	s10 =	sld [smem:$0x3FB4]  }
0x39: {  	_ = 	snop;
	(pc) =	sbr.ind lr, $3  }
0x3a: {  	_ = 	snop  }
0x3b: {  	_ = 	snop  }
0x3c: {  	p2 =	seq.s32 s10, $0x1;
	s10 =	sld [smem:$0x3FB3]  }
0x3d: {  	_ =	shalt  }
0x3e: {  	_ =	shalt  }
0x3f: {  	_ =	shalt  }
0x40: {  	_ =	shalt  }
0x41: {  	_ =	shalt  }
0x42: {  	_ =	shalt  }
0x43: {  	_ =	shalt  }
0x44: {  	_ =	shalt  }
0x45: {  	_ =	shalt  }
0x46: {  	_ =	shalt  }
0x47: {  	_ =	shalt  }
0x48: {  	_ =	shalt  }
0x49: {  	_ =	shalt  }
0x4a: {  	_ =	shalt  }
0x4b: {  	_ =	shalt  }
0x4c: {  	_ =	shalt  }
0x4d: {  	_ =	shalt  }
0x4e: {  	_ =	shalt  }
0x4f: {  	_ =	shalt  }
0x50: {  	_ =	shalt  }
0x51: {  	_ =	shalt  }
0x52: {  	_ =	shalt  }
0x53: {  	_ =	shalt  }
0x54: {  	_ =	shalt  }
0x55: {  	_ =	shalt  }
0x56: {  	_ =	shalt  }
0x57: {  	_ =	shalt  }
0x58: {  	_ =	shalt  }
0x59: {  	_ =	shalt  }
0x5a: {  	_ =	shalt  }
0x5b: {  	_ =	shalt  }
0x5c: {  	_ =	shalt  }
0x5d: {  	_ =	shalt  }
0x5e: {  	_ =	shalt  }
0x5f: {  	_ =	shalt  }
0x60: {  	_ =	shalt  }
0x61: {  	_ =	shalt  }
0x62: {  	_ =	shalt  }
0x63: {  	_ =	shalt  }
0x64: {  	_ =	shalt  }
0x65: {  	_ =	shalt  }
0x66: {  	_ =	shalt  }
0x67: {  	_ =	shalt  }
0x68: {  	_ =	shalt  }
0x69: {  	_ =	shalt  }
0x6a: {  	_ =	shalt  }
0x6b: {  	_ =	shalt  }
0x6c: {  	_ =	shalt  }
0x6d: {  	_ =	shalt  }
0x6e: {  	_ =	shalt  }
0x6f: {  	_ =	shalt  }
0x70: {  	_ =	shalt  }
0x71: {  	_ =	shalt  }
0x72: {  	_ =	shalt  }
0x73: {  	_ =	shalt  }
0x74: {  	_ =	shalt  }
0x75: {  	_ =	shalt  }
0x76: {  	_ =	shalt  }
0x77: {  	_ =	shalt  }
0x78: {  	_ =	shalt  }
0x79: {  	_ =	shalt  }
0x7a: {  	_ =	shalt  }
0x7b: {  	_ =	shalt  }
0x7c: {  	_ =	shalt  }
0x7d: {  	_ =	shalt  }
0x7e: {  	_ =	shalt  }
0x7f: {  	_ =	shalt  }
0x80: {  	_ =	shalt  }
0x81: {  	_ =	shalt  }
0x82: {  	_ =	shalt  }
0x83: {  	_ =	shalt  }
0x84: {  	_ =	shalt  }
0x85: {  	_ =	shalt  }
0x86: {  	_ =	shalt  }
0x87: {  	_ =	shalt  }
.Lfunc_end0:
.L_simem_size_0:
called_computation_lowered:
.L_overlay_start_0:
0x88: {  	s2 =	sld [smem:$0x3FD9]  }
0x89: {  	s3 =	sld [smem:$0x3FFE];
	_ =	sdelay $0x1  }
0x8a: {  	s1 =	srdreg.scid  }
0x8b: {  	s0 =	sand.u32 $0x1, s1  }
0x8c: {  	s17 =	sshll.u32 s0, $0xA;
	s2 =	sadd.s32 s3, s2  }
0x8d: {  	s2 =	sadd.s32 s2, s17  }
0x8e: {  	[smem:$0x3FBF] =	sst s2  }
0x8f: {  	_ = 	snop  }
0x90: {  	s2 =	sld [smem:$0x3FC8]  }
0x91: {  	s18 =	sld [smem:$0x3FD0];
	(tm) =	ssettm $0x1  }
0x92: {  	s4 =	sld [smem:$0x3FFB];
	_ =	sdelay $0x3  }
0x93: {  	_ =	strace s4  }
0x94: {  	s4 =	sld [smem:$0x3FFC];
	_ =	sdelay $0x3  }
0x95: {  	_ =	strace s4  }
0x96: {  	s4 =	sld [smem:$0x3FFD];
	_ =	sdelay $0x3  }
0x97: {  	_ =	strace s4  }
0x98: {  	_ =	strace $0x8FFFFFFF  }
0x99: {  	s19 =	sld [smem:$0x3FDB];
	_ =	sdelay $0x1  }
0x9a: {  	s5 =	simm.s32 $_scs_section_size  }
0x9b: {  	s6 =	simm.s32 $_size__tile_overlayer_lowered;
	s7 =	simm.s32 $_tile_overlayer_lowered  }
0x9c: {  	s22 =	simm.s32 $0x1BFF;
	s21 =	sshll.u32 s7, $0x1;
	s4 =	sadd.s32 s5, s19  }
0x9d: {  	s8 =	simm.s32 $0x0;
	s20 =	sshll.u32 s6, $0x1;
	s6 =	sadd.s32 s21, s4  }
0x9e: {  	[timem:s8], [sflag:s22] =	dma.local [hbm:s6], s20  }
0x9f: {  	_ =	swait.ge [sflag:s22], s20  }
0xa0: {  	s5 =	ssub.s32 $0x0, s20;
	[sflag:s22] =	ssyncset.done $0x0  }
0xa1: {  	[sflag:s22] =	ssyncadd.s32 s5;
	_ =	sdelay $0x1  }
0xa2: {  	s23 =	simm.s32 $0x1B8B  }
0xa3: {  	_ =	swait.ge [sflag:s23], $0x1  }
0xa4: {  	[sflag:s23] =	ssyncset.done $0x0  }
0xa5: {  	s25 =	simm.s32 $0x1B8E;
	s24 =	sld [smem:$0x3FFE];
	[sflag:s23] =	ssyncadd.s32 $0xFFFFFFFF  }
0xa6: {  	s26 =	simm.s32 $execute0_lowered;
	[smem:$0x3FD2] =	sst s25  }
0xa7: {  	s6 =	sshll.u32 s26, $0x1;
	_ =	strace $0x80000046;
	[dreg:$0x1] =	wrdreg $0xFFFFFFFF  }
0xa8: {  	s28 =	simm.s32 $_size_execute0_lowered;
	s4 =	sadd.s32 s4, s6;
	[dreg:$0x0] =	wrdreg $0x0  }
0xa9: {  	s6 =	sshll.u32 s28, $0x1;
	[dreg:$0x2] =	wrdreg s4  }
0xaa: {  	[dreg:$0x3] =	wrdreg s6  }
0xab: {  	[dreg:$0x4] =	wrdreg $0xC0  }
0xac: {  	_ =	task [dreg:s8], $0x5FFFF  }
0xad: {  	[dreg:$0x1] =	wrdreg $0xFFFFFFFF  }
0xae: {  	[dreg:$0x0] =	wrdreg $0x60  }
0xaf: {  	[dreg:$0x2] =	wrdreg s2  }
0xb0: {  	[dreg:$0x3] =	wrdreg s24  }
0xb1: {  	[dreg:$0x4] =	wrdreg s18  }
0xb2: {  	[dreg:$0x5] =	wrdreg $0xA2000  }
0xb3: {  	[dreg:$0x6] =	wrdreg $0x9  }
0xb4: {  	_ =	task.clear_ibuf [dreg:s8], $0x7FFFF;
	_ =	strace $0x90000046  }
0xb5: {  	s29 =	simm.s32 $0x9;
	_ =	strace $0x80000048  }
0xb6: {  	_ =	swait.ge [sflag:s29], $0x1  }
0xb7: {  	[sflag:s29] =	ssyncadd.s32 $0xFFFFFFFF  }
0xb8: {  	_ =	strace $0x90000048  }
0xb9: {  	_ =	sfence  }
0xba: {  	s30 =	sld [smem:$0x0];
	_ =	sdelay $0x2  }
0xbb: {  	s31 =	sshll.u32 s1, $0xD;
	s1 =	sshrl.u32 s1, $0x2  }
0xbc: {  	s3 =	sand.u32 $0x4000, s31;
	s1 =	sadd.s32 s1, s30  }
0xbd: {  	s0 =	sor.u32 s3, s0;
	s1 =	sshll.u32 s1, $0x11  }
0xbe: {  	s0 =	sor.u32 s1, s0  }
0xbf: {  	s0 =	sadd.s32 $0x8F2B, s0  }
0xc0: {  	[sflag:s0] =	ssyncadd.remote.s32 $0x1  }
0xc1: {  	_ =	sfence.sel $0xFFFF  }
0xc2: {  	[dreg:$0x0] =	wrdreg $0xFFFFFFFF;
	(pc) =	sbr.abs _section_cstart, $3  }
0xc3: {  	[dreg:$0x1] =	wrdreg $0xFFFFFFFF  }
0xc4: {  	_ =	task.clear_ibuf [dreg:s8], $0x2FFFF;
	_ =	strace $0x9FFFFFFF  }
0xc5: {  	(tm) =	ssettm $0x7FFFFFFF  }
tec
execute0_lowered:
.L_overlay_start_1:
0x0: {  	(tag) =	ssettag $0x1  }
0x1: {  	s0 =	rddreg [dreg:$0x0]  }
0x2: {  	s2 =	rddreg [dreg:$0x1]  }
0x3: {  	s5 =	rddreg [dreg:$0x2]  }
0x4: {  	s1 =	rddreg [dreg:$0x3];
	s12 =	stileid.u32  }
0x5: {  	s3 =	simm.s32 $0x0;
	s4 =	srdreg.scid;
	s19 =	smul.u32 $0x4E000, s12  }
0x6: {  	s28 =	simm.s32 $0xA100;
	s29 =	simm.s32 $0x1;
	s10 =	smul.u32 $0x138800, s12  }
0x7: {  	s30 =	simm.s32 $0x50;
	s31 =	simm.s32 $0x7800;
	s22 =	smul.u32 $0x3E80, s12  }
0x8: {  	[smem:$0x7FF] =	sst s3;
	s6 =	sand.u32 $0x1, s4;
	s12 =	smul.u32 $0x13800, s12  }
0x9: {  	s2 =	sadd.s32 $0x1200, s2;
	s7 =	ssub.s32 $0x2, s6;
	s8 =	smul.u32 $0x1388000, s6  }
0xa: {  	_ =	strace $0x80000047;
	s20 =	smul.u32 $0x3E800, s6;
	s9 =	sshrl.u32 s7, $0x1  }
0xb: {  	s6 =	smul.u32 $0x138800, s6;
	s4 =	sshrl.u32 s19, $0x2;
	s7 =	ssub.s32 s7, s9  }
0xc: {  	s4 =	sadd.s32 s4, s1;
	s8 =	sadd.s32 s10, s8;
	s9 =	sadd.s32 s22, s20  }
0xd: {  	s6 =	sadd.s32 s12, s6;
	s11 =	sadd.s32 $0x2800, s4;
	s21 =	sadd.s32 $0x5000, s4  }
0xe: {  	s13 =	sadd.s32 $0x7800, s4;
	s23 =	sadd.s32 $0xA000, s4;
	[dreg:$0x5] =	wrdreg s11  }
0xf: {  	s24 =	sadd.s32 $0xC800, s4;
	s25 =	sadd.s32 $0xF000, s4;
	[dreg:$0x6] =	wrdreg s21  }
0x10: {  	s26 =	sadd.s32 $0x11800, s4;
	s10 =	sshrl.u32 s8, $0x3;
	[dreg:$0x7] =	wrdreg s13  }
0x11: {  	s6 =	sshrl.u32 s6, $0x3;
	s14 =	sadd.s32 $0x11800, s8;
	[dreg:$0x8] =	wrdreg s23  }
0x12: {  	s15 =	sadd.s32 $0x400, s9;
	s19 =	sadd.s32 $0x480, s9;
	[dreg:$0x9] =	wrdreg s24  }
0x13: {  	s20 =	sadd.s32 $0x14000, s8;
	s22 =	sadd.s32 $0x16800, s8;
	[dreg:$0xa] =	wrdreg s25  }
0x14: {  	[dreg:$0xb] =	wrdreg s26;
	s11 =	sshrl.u32 s9, $0x3;
	s12 =	sadd.s32 s0, s10  }
0x15: {  	s5 =	sadd.s32 s5, s6;
	s13 =	sadd.s32 $0x380, s9;
	s17 =	sshrl.u32 s14, $0x3  }
0x16: {  	s18 =	sshrl.u32 s15, $0x3;
	s25 =	smax.u32 s7, $0x1;
	[dreg:$0xf] =	wrdreg s5  }
0x17: {  	s9 =	sadd.s32 $0x500, s9;
	s6 =	sshrl.u32 s20, $0x3;
	[dreg:$0x11] =	wrdreg s25  }
0x18: {  	s23 =	sadd.s32 $0x19000, s8;
	s10 =	sadd.s32 $0x500, s12;
	[dreg:$0xc] =	wrdreg s12  }
0x19: {  	s11 =	sadd.s32 s2, s11;
	s26 =	sadd.s32 $0xA00, s12;
	[dreg:$0xe] =	wrdreg s10  }
0x1a: {  	s5 =	sshrl.u32 s13, $0x3;
	s7 =	sadd.s32 $0x1400, s12;
	[dreg:$0x12] =	wrdreg s26  }
0x1b: {  	s21 =	sshrl.u32 s9, $0x3;
	s9 =	sadd.s32 $0x1900, s12;
	[dreg:$0x16] =	wrdreg s7  }
0x1c: {  	s17 =	sadd.s32 s17, s0;
	s13 =	sadd.s32 $0x1E00, s12;
	[dreg:$0x18] =	wrdreg s9  }
0x1d: {  	s18 =	sadd.s32 s18, s2;
	s15 =	sadd.s32 $0x26700, s12;
	[dreg:$0x1a] =	wrdreg s13  }
0x1e: {  	s25 =	sadd.s32 $0x26C00, s12;
	s16 =	sadd.s32 s5, s2;
	[dreg:$0x1c] =	wrdreg s15  }
0x1f: {  	s5 =	sshrl.u32 s19, $0x3;
	s20 =	sadd.s32 s21, s2;
	[dreg:$0x1e] =	wrdreg s25  }
0x20: {  	s21 =	sadd.s32 s6, s0;
	s24 =	sadd.s32 $0x10, s11;
	[dreg:$0xd] =	wrdreg s11  }
0x21: {  	s6 =	sadd.s32 $0x30, s11;
	s8 =	sadd.s32 $0x40, s11;
	[dreg:$0x10] =	wrdreg s24  }
0x22: {  	s10 =	sadd.s32 $0x50, s11;
	s14 =	sadd.s32 $0x60, s11;
	[dreg:$0x15] =	wrdreg s6  }
0x23: {  	s26 =	sadd.s32 $0x7C0, s11;
	s15 =	simm.s32 $0xA000;
	[dreg:$0x17] =	wrdreg s8  }
0x24: {  	s25 =	simm.s32 $0xA080;
	s19 =	sadd.s32 s5, s2;
	[dreg:$0x19] =	wrdreg s10  }
0x25: {  	s2 =	sshrl.u32 s22, $0x3;
	s5 =	sshrl.u32 s23, $0x3;
	[dreg:$0x1b] =	wrdreg s14  }
0x26: {  	s24 =	sadd.s32 $0x7B0, s11;
	[dreg:$0x1f] =	wrdreg s26;
	s14 =	simm.s32 $0x3  }
0x27: {  	s26 =	simm.s32 $0x5000;
	s22 =	sadd.s32 s2, s0;
	s23 =	sadd.s32 s5, s0  }
0x28: {  	s2 =	sadd.s32 $0x20, s11;
	s5 =	sadd.s32 $0xF00, s12;
	[dreg:$0x1d] =	wrdreg s24  }
0x29: {  	s24 =	simm.s32 $0x2800;
	s0 =	simm.s32 $0xA180;
	[dreg:$0x13] =	wrdreg s2  }
0x2a: {  	v0 =	vimm.f32 $0.0e+00;
	[dreg:$0x14] =	wrdreg s5;
	s2 =	simm.s32 $0x2;
	s5 =	simm.s32 $0x0  }
.LBB2_1:
0x2b: {  	s6 =	simm.s32 $0x0;
	s7 =	simm.s32 $0x200  }
.LBB2_2:
0x2c: {  	p0 =	sne.s32 s7, $0x9E00;
	[tilespmem:s6+$0x70] =	vst v0  }
0x2d: {  	[tilespmem:s6+$0x0] =	vst v0  }
0x2e: {  	[tilespmem:s6+$0x10] =	vst v0  }
.Ltmp0:
0x2f: {  	[tilespmem:s6+$0x20] =	vst v0;
	(pc) =	sbr.rel @p0 .LBB2_2-.Ltmp0, $4  }
0x30: {  	[tilespmem:s6+$0x30] =	vst v0  }
0x31: {  	[tilespmem:s6+$0x40] =	vst v0  }
0x32: {  	[tilespmem:s6+$0x50] =	vst v0  }
0x33: {  	[tilespmem:s6+$0x60] =	vst v0;
	s6 =	sshra.s32 s7, $0x2;
	s7 =	sadd.s32 $0x200, s7  }
0x34: {  	[tilespmem:s6+$0x70] =	vst v0  }
0x35: {  	[tilespmem:s6+$0x0] =	vst v0  }
0x36: {  	[tilespmem:s6+$0x10] =	vst v0  }
0x37: {  	[tilespmem:s6+$0x20] =	vst v0  }
0x38: {  	[tilespmem:s6+$0x30] =	vst v0  }
0x39: {  	[tilespmem:s6+$0x40] =	vst v0  }
0x3a: {  	[tilespmem:s6+$0x50] =	vst v0  }
0x3b: {  	[tilespmem:s6+$0x60] =	vst v0;
	s6 =	simm.s32 $0x0  }
0x3c: {  	[spmem:s4] =	stream.linear.scatter [tilespmem:s6], [sflag:$0x3], $0x2800, $0x38;
	[tilespmem:$0x1DA80] =	vst v63  }
0x3d: {  	_ =	swait.ge [sflag:s14], $0x2800  }
0x3e: {  	[sflag:s14] =	ssyncset.done $0x0  }
0x3f: {  	s7 =	rddreg [dreg:$0x5];
	[sflag:s14] =	ssyncadd.s32 $0xFFFFD800  }
0x40: {  	[spmem:s7] =	stream.linear.scatter [tilespmem:s6], [sflag:$0x3], $0x2800, $0x38;
	[tilespmem:$0x1DA80] =	vst v63  }
0x41: {  	_ =	swait.ge [sflag:s14], $0x2800  }
0x42: {  	[sflag:s14] =	ssyncset.done $0x0  }
0x43: {  	s9 =	rddreg [dreg:$0x6];
	[sflag:s14] =	ssyncadd.s32 $0xFFFFD800  }
0x44: {  	[spmem:s9] =	stream.linear.scatter [tilespmem:s6], [sflag:$0x3], $0x2800, $0x38;
	[tilespmem:$0x1DA80] =	vst v63  }
0x45: {  	_ =	swait.ge [sflag:s14], $0x2800  }
0x46: {  	[sflag:s14] =	ssyncset.done $0x0  }
0x47: {  	s10 =	rddreg [dreg:$0x7];
	[sflag:s14] =	ssyncadd.s32 $0xFFFFD800  }
0x48: {  	[spmem:s10] =	stream.linear.scatter [tilespmem:s6], [sflag:$0x3], $0x2800, $0x38;
	[tilespmem:$0x1DA80] =	vst v63  }
0x49: {  	_ =	swait.ge [sflag:s14], $0x2800  }
0x4a: {  	[sflag:s14] =	ssyncset.done $0x0  }
0x4b: {  	s11 =	rddreg [dreg:$0x8];
	[sflag:s14] =	ssyncadd.s32 $0xFFFFD800  }
0x4c: {  	[spmem:s11] =	stream.linear.scatter [tilespmem:s6], [sflag:$0x3], $0x2800, $0x38;
	[tilespmem:$0x1DA80] =	vst v63  }
0x4d: {  	_ =	swait.ge [sflag:s14], $0x2800  }
0x4e: {  	[sflag:s14] =	ssyncset.done $0x0  }
0x4f: {  	s12 =	rddreg [dreg:$0x9];
	[sflag:s14] =	ssyncadd.s32 $0xFFFFD800  }
0x50: {  	[spmem:s12] =	stream.linear.scatter [tilespmem:s6], [sflag:$0x3], $0x2800, $0x38;
	[tilespmem:$0x1DA80] =	vst v63  }
0x51: {  	_ =	swait.ge [sflag:s14], $0x2800  }
0x52: {  	[sflag:s14] =	ssyncset.done $0x0  }
0x53: {  	s13 =	rddreg [dreg:$0xa];
	[sflag:s14] =	ssyncadd.s32 $0xFFFFD800  }
0x54: {  	[spmem:s13] =	stream.linear.scatter [tilespmem:s6], [sflag:$0x3], $0x2800, $0x38;
	[tilespmem:$0x1DA80] =	vst v63  }
0x55: {  	_ =	swait.ge [sflag:s14], $0x2800  }
0x56: {  	[sflag:s14] =	ssyncset.done $0x0  }
0x57: {  	s8 =	rddreg [dreg:$0xb];
	[sflag:s14] =	ssyncadd.s32 $0xFFFFD800  }
0x58: {  	[spmem:s8] =	stream.linear.scatter [tilespmem:s6], [sflag:$0x3], $0x2800, $0x38;
	[tilespmem:$0x1DA80] =	vst v63  }
0x59: {  	_ =	swait.ge [sflag:s14], $0x2800  }
0x5a: {  	[sflag:s14] =	ssyncset.done $0x0  }
0x5b: {  	[sflag:s14] =	ssyncadd.s32 $0xFFFFD800  }
0x5c: {  	[bflag:$0x0] =	sbarrier.arrive $0xFFFF  }
0x5d: {  	s9 =	rddreg [dreg:$0xc]  }
0x5e: {  	[tilespmem:s6], [sflag:$0x1] =	stream.linear.gather [hbm4b:s9+s6], $0x2800, $0x38;
	[tilespmem:$0x1DA80] =	vst v63  }
0x5f: {  	s10 =	rddreg [dreg:$0xd]  }
0x60: {  	[tilespmem:s15], [sflag:$0x1] =	stream.linear.gather [hbm4b:s10+s6], $0x80, $0x38;
	[tilespmem:$0x1DA80] =	vst v63  }
0x61: {  	s11 =	rddreg [dreg:$0xe]  }
0x62: {  	[tilespmem:s24], [sflag:$0x1] =	stream.linear.gather [hbm4b:s11+s6], $0x2800, $0x38;
	[tilespmem:$0x1DA80] =	vst v63  }
0x63: {  	s12 =	rddreg [dreg:$0x10]  }
0x64: {  	[tilespmem:s25], [sflag:$0x1] =	stream.linear.gather [hbm4b:s12+s6], $0x80, $0x38;
	[tilespmem:$0x1DA80] =	vst v63  }
0x65: {  	s13 =	rddreg [dreg:$0x12]  }
0x66: {  	[tilespmem:s26], [sflag:$0x1] =	stream.linear.gather [hbm4b:s13+s6], $0x2800, $0x38;
	[tilespmem:$0x1DA80] =	vst v63  }
0x67: {  	s8 =	rddreg [dreg:$0x13]  }
0x68: {  	[tilespmem:s28], [sflag:$0x1] =	stream.linear.gather [hbm4b:s8+s6], $0x80, $0x38;
	[tilespmem:$0x1DA80] =	vst v63  }
0x69: {  	_ =	swait.ge [sflag:s29], $0x2800  }
0x6a: {  	[sflag:s29] =	ssyncset.done $0x0  }
0x6b: {  	[sflag:s29] =	ssyncadd.s32 $0xFFFFD800  }
0x6c: {  	_ =	swait.ge [sflag:s29], $0x80  }
0x6d: {  	[sflag:s29] =	ssyncset.done $0x0  }
0x6e: {  	[sflag:s29] =	ssyncadd.s32 $0xFFFFFF80  }
0x6f: {  	[spmem:s1] =	stream.indirect.scatter.add.f32 [tilespmem:s6], [sflag:$0x2], $0x80, s15, s30, $0xb8;
	[tilespmem:$0x1DA80] =	vst v63  }
0x70: {  	s9 =	rddreg [dreg:$0x14]  }
0x71: {  	[tilespmem:s31], [sflag:$0x1] =	stream.linear.gather [hbm4b:s9+s6], $0x2800, $0x38;
	[tilespmem:$0x1DA80] =	vst v63  }
0x72: {  	s10 =	rddreg [dreg:$0x15]  }
0x73: {  	[tilespmem:s0], [sflag:$0x1] =	stream.linear.gather [hbm4b:s10+s6], $0x80, $0x38;
	[tilespmem:$0x1DA80] =	vst v63  }
0x74: {  	_ =	swait.ge [sflag:s29], $0x2800  }
0x75: {  	[sflag:s29] =	ssyncset.done $0x0  }
0x76: {  	[sflag:s29] =	ssyncadd.s32 $0xFFFFD800  }
0x77: {  	_ =	swait.ge [sflag:s29], $0x80  }
0x78: {  	[sflag:s29] =	ssyncset.done $0x0  }
0x79: {  	[sflag:s29] =	ssyncadd.s32 $0xFFFFFF80  }
0x7a: {  	[spmem:s1] =	stream.indirect.scatter.add.f32 [tilespmem:s24], [sflag:$0x2], $0x80, s25, s30, $0xb8;
	[tilespmem:$0x1DA80] =	vst v63  }
0x7b: {  	_ =	swait.ge [sflag:s2], $0x2800  }
0x7c: {  	[sflag:s2] =	ssyncset.done $0x0  }
0x7d: {  	s11 =	rddreg [dreg:$0x16];
	[sflag:s2] =	ssyncadd.s32 $0xFFFFD800  }
0x7e: {  	[tilespmem:s6], [sflag:$0x1] =	stream.linear.gather [hbm4b:s11+s6], $0x2800, $0x38;
	[tilespmem:$0x1DA80] =	vst v63  }
0x7f: {  	s12 =	rddreg [dreg:$0x17]  }
0x80: {  	[tilespmem:s15], [sflag:$0x1] =	stream.linear.gather [hbm4b:s12+s6], $0x80, $0x38;
	[tilespmem:$0x1DA80] =	vst v63  }
0x81: {  	_ =	swait.ge [sflag:s29], $0x2800  }
0x82: {  	[sflag:s29] =	ssyncset.done $0x0  }
0x83: {  	[sflag:s29] =	ssyncadd.s32 $0xFFFFD800  }
0x84: {  	_ =	swait.ge [sflag:s29], $0x80  }
0x85: {  	[sflag:s29] =	ssyncset.done $0x0  }
0x86: {  	[sflag:s29] =	ssyncadd.s32 $0xFFFFFF80  }
0x87: {  	[spmem:s1] =	stream.indirect.scatter.add.f32 [tilespmem:s26], [sflag:$0x2], $0x80, s28, s30, $0xb8;
	[tilespmem:$0x1DA80] =	vst v63  }
0x88: {  	_ =	swait.ge [sflag:s2], $0x2800  }
0x89: {  	[sflag:s2] =	ssyncset.done $0x0  }
0x8a: {  	s13 =	rddreg [dreg:$0x18];
	[sflag:s2] =	ssyncadd.s32 $0xFFFFD800  }
0x8b: {  	[tilespmem:s24], [sflag:$0x1] =	stream.linear.gather [hbm4b:s13+s6], $0x2800, $0x38;
	[tilespmem:$0x1DA80] =	vst v63  }
0x8c: {  	s8 =	rddreg [dreg:$0x19]  }
0x8d: {  	[tilespmem:s25], [sflag:$0x1] =	stream.linear.gather [hbm4b:s8+s6], $0x80, $0x38;
	[tilespmem:$0x1DA80] =	vst v63  }
0x8e: {  	_ =	swait.ge [sflag:s29], $0x2800  }
0x8f: {  	[sflag:s29] =	ssyncset.done $0x0  }
0x90: {  	[sflag:s29] =	ssyncadd.s32 $0xFFFFD800  }
0x91: {  	_ =	swait.ge [sflag:s29], $0x80  }
0x92: {  	[sflag:s29] =	ssyncset.done $0x0  }
0x93: {  	[sflag:s29] =	ssyncadd.s32 $0xFFFFFF80  }
0x94: {  	[spmem:s1] =	stream.indirect.scatter.add.f32 [tilespmem:s31], [sflag:$0x2], $0x80, s0, s30, $0xb8;
	[tilespmem:$0x1DA80] =	vst v63  }
0x95: {  	_ =	swait.ge [sflag:s2], $0x2800  }
0x96: {  	[sflag:s2] =	ssyncset.done $0x0  }
0x97: {  	s9 =	rddreg [dreg:$0x1a];
	[sflag:s2] =	ssyncadd.s32 $0xFFFFD800  }
0x98: {  	[tilespmem:s26], [sflag:$0x1] =	stream.linear.gather [hbm4b:s9+s6], $0x2800, $0x38;
	[tilespmem:$0x1DA80] =	vst v63  }
0x99: {  	s10 =	rddreg [dreg:$0x1b]  }
0x9a: {  	[tilespmem:s28], [sflag:$0x1] =	stream.linear.gather [hbm4b:s10+s6], $0x80, $0x38;
	[tilespmem:$0x1DA80] =	vst v63  }
0x9b: {  	_ =	swait.ge [sflag:s29], $0x2800  }
0x9c: {  	[sflag:s29] =	ssyncset.done $0x0  }
0x9d: {  	[sflag:s29] =	ssyncadd.s32 $0xFFFFD800  }
0x9e: {  	_ =	swait.ge [sflag:s29], $0x80  }
0x9f: {  	[sflag:s29] =	ssyncset.done $0x0  }
0xa0: {  	[sflag:s29] =	ssyncadd.s32 $0xFFFFFF80  }
0xa1: {  	[spmem:s1] =	stream.indirect.scatter.add.f32 [tilespmem:s3], [sflag:$0x2], $0x80, s15, s30, $0xb8;
	[tilespmem:$0x1DA80] =	vst v63  }
0xa2: {  	_ =	swait.ge [sflag:s2], $0x2800  }
0xa3: {  	[sflag:s2] =	ssyncset.done $0x0  }
0xa4: {  	[sflag:s2] =	ssyncadd.s32 $0xFFFFD800  }
0xa5: {  	[tilespmem:s31], [sflag:$0x1] =	stream.linear.gather [hbm4b:s17+s3], $0x2800, $0x38;
	[tilespmem:$0x1DA80] =	vst v63  }
0xa6: {  	s11 =	sadd.s32 $0x0, s16  }
0xa7: {  	[tilespmem:s0], [sflag:$0x1] =	stream.linear.gather [hbm4b:s11+s3], $0x80, $0x38;
	[tilespmem:$0x1DA80] =	vst v63  }
0xa8: {  	_ =	swait.ge [sflag:s29], $0x2800  }
0xa9: {  	[sflag:s29] =	ssyncset.done $0x0  }
0xaa: {  	[sflag:s29] =	ssyncadd.s32 $0xFFFFD800  }
0xab: {  	_ =	swait.ge [sflag:s29], $0x80  }
0xac: {  	[sflag:s29] =	ssyncset.done $0x0  }
0xad: {  	[sflag:s29] =	ssyncadd.s32 $0xFFFFFF80  }
0xae: {  	[spmem:s1] =	stream.indirect.scatter.add.f32 [tilespmem:s24], [sflag:$0x2], $0x80, s25, s30, $0xb8;
	[tilespmem:$0x1DA80] =	vst v63  }
0xaf: {  	_ =	swait.ge [sflag:s2], $0x2800  }
0xb0: {  	[sflag:s2] =	ssyncset.done $0x0  }
0xb1: {  	[sflag:s2] =	ssyncadd.s32 $0xFFFFD800  }
0xb2: {  	[tilespmem:s3], [sflag:$0x1] =	stream.linear.gather [hbm4b:s21+s3], $0x2800, $0x38;
	[tilespmem:$0x1DA80] =	vst v63  }
0xb3: {  	s12 =	sadd.s32 $0x0, s18  }
0xb4: {  	[tilespmem:s15], [sflag:$0x1] =	stream.linear.gather [hbm4b:s12+s3], $0x80, $0x38;
	[tilespmem:$0x1DA80] =	vst v63  }
0xb5: {  	_ =	swait.ge [sflag:s29], $0x2800  }
0xb6: {  	[sflag:s29] =	ssyncset.done $0x0  }
0xb7: {  	[sflag:s29] =	ssyncadd.s32 $0xFFFFD800  }
0xb8: {  	_ =	swait.ge [sflag:s29], $0x80  }
0xb9: {  	[sflag:s29] =	ssyncset.done $0x0  }
0xba: {  	[sflag:s29] =	ssyncadd.s32 $0xFFFFFF80  }
0xbb: {  	[spmem:s1] =	stream.indirect.scatter.add.f32 [tilespmem:s26], [sflag:$0x2], $0x80, s28, s30, $0xb8;
	[tilespmem:$0x1DA80] =	vst v63  }
0xbc: {  	_ =	swait.ge [sflag:s2], $0x2800  }
0xbd: {  	[sflag:s2] =	ssyncset.done $0x0  }
0xbe: {  	[sflag:s2] =	ssyncadd.s32 $0xFFFFD800  }
0xbf: {  	[tilespmem:s24], [sflag:$0x1] =	stream.linear.gather [hbm4b:s22+s3], $0x2800, $0x38;
	[tilespmem:$0x1DA80] =	vst v63  }
0xc0: {  	s13 =	sadd.s32 $0x0, s19  }
0xc1: {  	[tilespmem:s25], [sflag:$0x1] =	stream.linear.gather [hbm4b:s13+s3], $0x80, $0x38;
	[tilespmem:$0x1DA80] =	vst v63  }
0xc2: {  	_ =	swait.ge [sflag:s29], $0x2800  }
0xc3: {  	[sflag:s29] =	ssyncset.done $0x0  }
0xc4: {  	[sflag:s29] =	ssyncadd.s32 $0xFFFFD800  }
0xc5: {  	_ =	swait.ge [sflag:s29], $0x80  }
0xc6: {  	[sflag:s29] =	ssyncset.done $0x0  }
0xc7: {  	[sflag:s29] =	ssyncadd.s32 $0xFFFFFF80  }
0xc8: {  	[spmem:s1] =	stream.indirect.scatter.add.f32 [tilespmem:s31], [sflag:$0x2], $0x80, s0, s30, $0xb8;
	[tilespmem:$0x1DA80] =	vst v63  }
0xc9: {  	s7 =	sadd.s32 $0x1400, s22;
	s8 =	sadd.s32 $0x1400, s23;
	_ =	swait.ge [sflag:s2], $0x2800  }
0xca: {  	s9 =	sadd.s32 $0x1400, s17;
	s6 =	simm.s32 $0x40;
	[sflag:s2] =	ssyncset.done $0x0  }
0xcb: {  	s10 =	sadd.s32 $0x1400, s21;
	s11 =	sadd.s32 $0x0, s20;
	[sflag:s2] =	ssyncadd.s32 $0xFFFFD800  }
0xcc: {  	[tilespmem:s26], [sflag:$0x1] =	stream.linear.gather [hbm4b:s23+s3], $0x2800, $0x38;
	[tilespmem:$0x1DA80] =	vst v63  }
.LBB2_4:
0xcd: {  	[tilespmem:s28], [sflag:$0x1] =	stream.linear.gather [hbm4b:s11+s3], $0x80, $0x38;
	[tilespmem:$0x1DA80] =	vst v63  }
0xce: {  	s11 =	smov.u32 s6;
	s12 =	smov.u32 s8  }
0xcf: {  	p0 =	sne.s32 s6, $0x700;
	s6 =	sadd.s32 $0x40, s6;
	_ =	swait.ge [sflag:s29], $0x2800  }
0xd0: {  	[sflag:s29] =	ssyncset.done $0x0  }
0xd1: {  	[sflag:s29] =	ssyncadd.s32 $0xFFFFD800  }
0xd2: {  	_ =	swait.ge [sflag:s29], $0x80  }
0xd3: {  	[sflag:s29] =	ssyncset.done $0x0  }
0xd4: {  	[sflag:s29] =	ssyncadd.s32 $0xFFFFFF80  }
0xd5: {  	[spmem:s1] =	stream.indirect.scatter.add.f32 [tilespmem:s3], [sflag:$0x2], $0x80, s15, s30, $0xb8;
	[tilespmem:$0x1DA80] =	vst v63  }
0xd6: {  	_ =	swait.ge [sflag:s2], $0x2800  }
0xd7: {  	[sflag:s2] =	ssyncset.done $0x0  }
0xd8: {  	[sflag:s2] =	ssyncadd.s32 $0xFFFFD800  }
0xd9: {  	[tilespmem:s31], [sflag:$0x1] =	stream.linear.gather [hbm4b:s9+s3], $0x2800, $0x38;
	[tilespmem:$0x1DA80] =	vst v63  }
0xda: {  	s13 =	sadd.s32 s11, s16  }
0xdb: {  	[tilespmem:s0], [sflag:$0x1] =	stream.linear.gather [hbm4b:s13+s3], $0x80, $0x38;
	[tilespmem:$0x1DA80] =	vst v63  }
0xdc: {  	_ =	swait.ge [sflag:s29], $0x2800  }
0xdd: {  	[sflag:s29] =	ssyncset.done $0x0  }
0xde: {  	[sflag:s29] =	ssyncadd.s32 $0xFFFFD800  }
0xdf: {  	_ =	swait.ge [sflag:s29], $0x80  }
0xe0: {  	[sflag:s29] =	ssyncset.done $0x0  }
0xe1: {  	[sflag:s29] =	ssyncadd.s32 $0xFFFFFF80  }
0xe2: {  	[spmem:s1] =	stream.indirect.scatter.add.f32 [tilespmem:s24], [sflag:$0x2], $0x80, s25, s30, $0xb8;
	[tilespmem:$0x1DA80] =	vst v63  }
0xe3: {  	_ =	swait.ge [sflag:s2], $0x2800  }
0xe4: {  	[sflag:s2] =	ssyncset.done $0x0  }
0xe5: {  	[sflag:s2] =	ssyncadd.s32 $0xFFFFD800  }
0xe6: {  	[tilespmem:s3], [sflag:$0x1] =	stream.linear.gather [hbm4b:s10+s3], $0x2800, $0x38;
	[tilespmem:$0x1DA80] =	vst v63  }
0xe7: {  	s13 =	sadd.s32 s11, s18  }
0xe8: {  	[tilespmem:s15], [sflag:$0x1] =	stream.linear.gather [hbm4b:s13+s3], $0x80, $0x38;
	[tilespmem:$0x1DA80] =	vst v63  }
0xe9: {  	_ =	swait.ge [sflag:s29], $0x2800  }
0xea: {  	[sflag:s29] =	ssyncset.done $0x0  }
0xeb: {  	[sflag:s29] =	ssyncadd.s32 $0xFFFFD800  }
0xec: {  	_ =	swait.ge [sflag:s29], $0x80  }
0xed: {  	[sflag:s29] =	ssyncset.done $0x0  }
0xee: {  	[sflag:s29] =	ssyncadd.s32 $0xFFFFFF80  }
0xef: {  	[spmem:s1] =	stream.indirect.scatter.add.f32 [tilespmem:s26], [sflag:$0x2], $0x80, s28, s30, $0xb8;
	[tilespmem:$0x1DA80] =	vst v63  }
0xf0: {  	_ =	swait.ge [sflag:s2], $0x2800  }
0xf1: {  	[sflag:s2] =	ssyncset.done $0x0  }
0xf2: {  	[sflag:s2] =	ssyncadd.s32 $0xFFFFD800  }
0xf3: {  	[tilespmem:s24], [sflag:$0x1] =	stream.linear.gather [hbm4b:s7+s3], $0x2800, $0x38;
	[tilespmem:$0x1DA80] =	vst v63  }
0xf4: {  	s13 =	sadd.s32 s11, s19  }
0xf5: {  	[tilespmem:s25], [sflag:$0x1] =	stream.linear.gather [hbm4b:s13+s3], $0x80, $0x38;
	[tilespmem:$0x1DA80] =	vst v63  }
0xf6: {  	_ =	swait.ge [sflag:s29], $0x2800  }
0xf7: {  	[sflag:s29] =	ssyncset.done $0x0  }
0xf8: {  	[sflag:s29] =	ssyncadd.s32 $0xFFFFD800  }
0xf9: {  	_ =	swait.ge [sflag:s29], $0x80  }
0xfa: {  	[sflag:s29] =	ssyncset.done $0x0  }
0xfb: {  	[sflag:s29] =	ssyncadd.s32 $0xFFFFFF80  }
0xfc: {  	[spmem:s1] =	stream.indirect.scatter.add.f32 [tilespmem:s31], [sflag:$0x2], $0x80, s0, s30, $0xb8;
	[tilespmem:$0x1DA80] =	vst v63  }
.Ltmp1:
0xfd: {  	_ =	swait.ge [sflag:s2], $0x2800;
	(pc) =	sbr.rel @p0 .LBB2_4-.Ltmp1, $4  }
0xfe: {  	[sflag:s2] =	ssyncset.done $0x0  }
0xff: {  	s8 =	sadd.s32 $0x1400, s8;
	s7 =	sadd.s32 $0x1400, s7;
	[sflag:s2] =	ssyncadd.s32 $0xFFFFD800  }
0x100: {  	[tilespmem:s26], [sflag:$0x1] =	stream.linear.gather [hbm4b:s12+s3], $0x2800, $0x38;
	[tilespmem:$0x1DA80] =	vst v63  }
0x101: {  	s9 =	sadd.s32 $0x1400, s9;
	s10 =	sadd.s32 $0x1400, s10;
	s11 =	sadd.s32 s11, s20  }
0x102: {  	[tilespmem:s28], [sflag:$0x1] =	stream.linear.gather [hbm4b:s11+s3], $0x80, $0x38;
	[tilespmem:$0x1DA80] =	vst v63  }
0x103: {  	_ =	swait.ge [sflag:s29], $0x2800  }
0x104: {  	[sflag:s29] =	ssyncset.done $0x0  }
0x105: {  	[sflag:s29] =	ssyncadd.s32 $0xFFFFD800  }
0x106: {  	_ =	swait.ge [sflag:s29], $0x80  }
0x107: {  	[sflag:s29] =	ssyncset.done $0x0  }
0x108: {  	[sflag:s29] =	ssyncadd.s32 $0xFFFFFF80  }
0x109: {  	[spmem:s1] =	stream.indirect.scatter.add.f32 [tilespmem:s3], [sflag:$0x2], $0x80, s15, s30, $0xb8;
	[tilespmem:$0x1DA80] =	vst v63  }
0x10a: {  	_ =	swait.ge [sflag:s2], $0x2800  }
0x10b: {  	[sflag:s2] =	ssyncset.done $0x0  }
0x10c: {  	s6 =	rddreg [dreg:$0x1c];
	[sflag:s2] =	ssyncadd.s32 $0xFFFFD800  }
0x10d: {  	[tilespmem:s31], [sflag:$0x1] =	stream.linear.gather [hbm4b:s6+s3], $0x2800, $0x38;
	[tilespmem:$0x1DA80] =	vst v63  }
0x10e: {  	s9 =	rddreg [dreg:$0x1d]  }
0x10f: {  	[tilespmem:s0], [sflag:$0x1] =	stream.linear.gather [hbm4b:s9+s3], $0x80, $0x38;
	[tilespmem:$0x1DA80] =	vst v63  }
0x110: {  	_ =	swait.ge [sflag:s29], $0x2800  }
0x111: {  	[sflag:s29] =	ssyncset.done $0x0  }
0x112: {  	[sflag:s29] =	ssyncadd.s32 $0xFFFFD800  }
0x113: {  	_ =	swait.ge [sflag:s29], $0x80  }
0x114: {  	[sflag:s29] =	ssyncset.done $0x0  }
0x115: {  	[sflag:s29] =	ssyncadd.s32 $0xFFFFFF80  }
0x116: {  	[spmem:s1] =	stream.indirect.scatter.add.f32 [tilespmem:s24], [sflag:$0x2], $0x80, s25, s30, $0xb8;
	[tilespmem:$0x1DA80] =	vst v63  }
0x117: {  	_ =	swait.ge [sflag:s2], $0x2800  }
0x118: {  	[sflag:s2] =	ssyncset.done $0x0  }
0x119: {  	s10 =	rddreg [dreg:$0x1e];
	[sflag:s2] =	ssyncadd.s32 $0xFFFFD800  }
0x11a: {  	[tilespmem:s3], [sflag:$0x1] =	stream.linear.gather [hbm4b:s10+s3], $0x2800, $0x38;
	[tilespmem:$0x1DA80] =	vst v63  }
0x11b: {  	s11 =	rddreg [dreg:$0x1f]  }
0x11c: {  	[tilespmem:s15], [sflag:$0x1] =	stream.linear.gather [hbm4b:s11+s3], $0x80, $0x38;
	[tilespmem:$0x1DA80] =	vst v63  }
0x11d: {  	_ =	swait.ge [sflag:s29], $0x2800  }
0x11e: {  	[sflag:s29] =	ssyncset.done $0x0  }
0x11f: {  	[sflag:s29] =	ssyncadd.s32 $0xFFFFD800  }
0x120: {  	_ =	swait.ge [sflag:s29], $0x80  }
0x121: {  	[sflag:s29] =	ssyncset.done $0x0  }
0x122: {  	[sflag:s29] =	ssyncadd.s32 $0xFFFFFF80  }
0x123: {  	[spmem:s1] =	stream.indirect.scatter.add.f32 [tilespmem:s26], [sflag:$0x2], $0x80, s28, s30, $0xb8;
	[tilespmem:$0x1DA80] =	vst v63  }
0x124: {  	_ =	swait.ge [sflag:s2], $0x2800  }
0x125: {  	[sflag:s2] =	ssyncset.done $0x0  }
0x126: {  	[sflag:s2] =	ssyncadd.s32 $0xFFFFD800  }
0x127: {  	_ =	swait.ge [sflag:s29], $0x2800  }
0x128: {  	[sflag:s29] =	ssyncset.done $0x0  }
0x129: {  	[sflag:s29] =	ssyncadd.s32 $0xFFFFD800  }
0x12a: {  	_ =	swait.ge [sflag:s29], $0x80  }
0x12b: {  	[sflag:s29] =	ssyncset.done $0x0  }
0x12c: {  	[sflag:s29] =	ssyncadd.s32 $0xFFFFFF80  }
0x12d: {  	[spmem:s1] =	stream.indirect.scatter.add.f32 [tilespmem:s31], [sflag:$0x2], $0x80, s0, s30, $0xb8;
	[tilespmem:$0x1DA80] =	vst v63  }
0x12e: {  	_ =	swait.ge [sflag:s2], $0x2800  }
0x12f: {  	[sflag:s2] =	ssyncset.done $0x0  }
0x130: {  	[sflag:s2] =	ssyncadd.s32 $0xFFFFD800  }
0x131: {  	_ =	swait.ge [sflag:s29], $0x2800  }
0x132: {  	[sflag:s29] =	ssyncset.done $0x0  }
0x133: {  	[sflag:s29] =	ssyncadd.s32 $0xFFFFD800  }
0x134: {  	_ =	swait.ge [sflag:s29], $0x80  }
0x135: {  	[sflag:s29] =	ssyncset.done $0x0  }
0x136: {  	[sflag:s29] =	ssyncadd.s32 $0xFFFFFF80  }
0x137: {  	[spmem:s1] =	stream.indirect.scatter.add.f32 [tilespmem:s3], [sflag:$0x2], $0x80, s15, s30, $0xb8;
	[tilespmem:$0x1DA80] =	vst v63  }
0x138: {  	_ =	swait.ge [sflag:s2], $0x2800  }
0x139: {  	[sflag:s2] =	ssyncset.done $0x0  }
0x13a: {  	[sflag:s2] =	ssyncadd.s32 $0xFFFFD800  }
0x13b: {  	_ =	swait.ge [sflag:s2], $0x2800  }
0x13c: {  	[sflag:s2] =	ssyncset.done $0x0  }
0x13d: {  	s12 =	stileid.u32;
	[sflag:s2] =	ssyncadd.s32 $0xFFFFD800  }
0x13e: {  	s6 =	sshll.u32 s12, $0x6;
	[bflag:$0x0] =	sbarrier.arrive $0xFFFF  }
0x13f: {  	s7 =	sshrl.u32 s4, $0x3;
	s6 =	sor.u32 $0x1C03, s6;
	s8 =	rddreg [dreg:$0xf]  }
0x140: {  	[hbm:s8], [sflag:s6] =	dma.local [spmem:s7], $0x2800  }
0x141: {  	_ =	swait.ge [sflag:s14], $0x2800  }
0x142: {  	s5 =	sadd.s32 $0x1, s5;
	s13 =	rddreg [dreg:$0x11]  }
0x143: {  	p0 =	sne.s32 s5, s13  }
.Ltmp2:
0x144: {  	_ = 	snop;
	(pc) =	sbr.rel @p0 .LBB2_1-.Ltmp2, $3  }
0x145: {  	_ =	sdelay $0x1  }
0x146: {  	[sflag:s14] =	ssyncset.done $0x0  }
0x147: {  	[sflag:s14] =	ssyncadd.s32 $0xFFFFD800  }
0x148: {  	_ =	sfence.sel $0x180000  }
0x149: {  	[bflag:$0x0] =	sbarrier.arrive $0xFFFF  }
0x14a: {  	_ =	strace $0x90000047  }
0x14b: {  	s0 =	stileid.u32;
	[bflag:$0x2] =	sbarrier.arrive $0xFFFF  }
0x14c: {  	p0 =	sne.s32 s0, $0x0;
	s0 =	rddreg [dreg:$0x4]  }
0x14d: {  	s0 =	sadd.s32 @!p0 $0x100000, s0  }
0x14e: {  	[sflag:s0] =	ssyncadd.tile.s32 @!p0 $0x1;
	_ =	shalt  }
.Lfunc_end2:
_tile_overlayer_lowered:
.L_overlay_start_2:
0x14f: {  	(tag) =	ssettag $0x2  }
0x150: {  	s0 =	rddreg [dreg:$0x0];
	s2 =	stileid.u32  }
0x151: {  	s1 =	rddreg [dreg:$0x1];
	p0 =	sne.s32 s2, $0x0  }
0x152: {  	s3 =	rddreg [dreg:$0x2];
	[bflag:$0x3] =	sbarrier.arrive $0xFFFF;
	s2 =	simm.s32 @!p0 $0x1C03  }
0x153: {  	[timem:s3], [sflag:s2] =	dma.local @!p0 [hbm:s0], s1  }
0x154: {  	s0 =	simm.s32 @!p0 $0x3  }
0x155: {  	_ =	swait.ge @!p0 [sflag:s0], s1  }
0x156: {  	s1 =	ssub.s32 @!p0 $0x0, s1;
	[sflag:s0] =	ssyncset.done @!p0 $0x0  }
0x157: {  	[sflag:s0] =	ssyncadd.s32 @!p0 s1  }
0x158: {  	[bflag:$0x3] =	sbarrier.arrive $0xFFFF  }
0x159: {  	_ =	shalt  }

</sc_bundles>
